<compile_context>
chip_gen: v7x
topology: tpu7x:2x2x1
jax: 0.10.2.dev20260603
libtpu: 0.0.44.dev20260713+nightly
codegen_flags: <defaults>
</compile_context>

<pallas_src>
import functools
import jax
import jax.numpy as jnp
import numpy as np
from jax import lax
from jax.experimental import pallas as pl
from jax.experimental.pallas import tpu as pltpu
from jax.experimental.pallas import tpu_sc as plsc

_B = 16384
_D = 128

_NC = 2
_NS = 16
_NW = _NC * _NS

_C = 64
_NSPLIT = 2
_BS = _B // _NSPLIT
_BPW = _BS // _NW
_NK = _BPW // _C

_PACK_PERM = np.array(
    [32 * g + (r // 2) + 16 * (r % 2) for g in range(_D // 32)
     for r in range(32)], dtype=np.int32)


def _product_pack_chunk(a_ref, b_ref, dst_ref):
    def row(r, _):
        for g in range(_D // 32):
            s0 = pl.ds(32 * g, 16)
            s1 = pl.ds(32 * g + 16, 16)
            p0 = a_ref[r, s0] * b_ref[r, s0]
            p1 = a_ref[r, s1] * b_ref[r, s1]
            dst_ref[r, pl.ds(32 * g, 32)] = plsc.pack(
                p0, p1, format=plsc.PackFormat.INTERLEAVED)
        return 0
    lax.fori_loop(0, _C, row, 0)


def _sc_body(off, user_hbm, item_hbm, ug_hbm, ig_hbm, um_hbm, im_hbm,
             out_gmf, out_mu, out_mi,
             uidx_v, iidx_v, *rest):
    A = rest[0:2]
    Bb = rest[2:4]
    MU = rest[4:6]
    MI = rest[6:8]
    GB = rest[8:10]
    gsem = rest[10:18]
    wsem = rest[18:24]
    wG = wsem[0:2]
    wMU = wsem[2:4]
    wMI = wsem[4:6]

    wid = lax.axis_index("s") * _NC + lax.axis_index("c")
    base = wid * _BPW
    pltpu.sync_copy(user_hbm.at[pl.ds(off + base, _BPW)], uidx_v)
    pltpu.sync_copy(item_hbm.at[pl.ds(off + base, _BPW)], iidx_v)

    gh = [None] * _NK
    wb = {}

    def fire_gathers(k):
        s = k % 2
        for key in (("G", s), ("MU", s), ("MI", s)):
            if key in wb:
                wb.pop(key).wait()
        co = k * _C
        uidx = uidx_v.at[pl.ds(co, _C)]
        iidx = iidx_v.at[pl.ds(co, _C)]
        gh[k] = (
            pltpu.async_copy(ug_hbm.at[uidx], A[s], gsem[0 + s]),
            pltpu.async_copy(ig_hbm.at[iidx], Bb[s], gsem[2 + s]),
            pltpu.async_copy(um_hbm.at[uidx], MU[s], gsem[4 + s]),
            pltpu.async_copy(im_hbm.at[iidx], MI[s], gsem[6 + s]),
        )

    def drain_chunk(j):
        s = j % 2
        dst = pl.ds(off + base + j * _C, _C)
        ga, gb, gmu, gmi = gh[j]
        ga.wait()
        gb.wait()
        _product_pack_chunk(A[s], Bb[s], GB[s])
        wb[("G", s)] = pltpu.make_async_copy(GB[s], out_gmf.at[dst], wG[s])
        wb[("G", s)].start()
        gmu.wait()
        wb[("MU", s)] = pltpu.make_async_copy(MU[s], out_mu.at[dst], wMU[s])
        wb[("MU", s)].start()
        gmi.wait()
        wb[("MI", s)] = pltpu.make_async_copy(MI[s], out_mi.at[dst], wMI[s])
        wb[("MI", s)].start()

    fire_gathers(0)
    for k in range(1, _NK + 1):
        if k < _NK:
            fire_gathers(k)
        drain_chunk(k - 1)
    for h in wb.values():
        h.wait()


@functools.cache
def _sc_gather(off):
    return pl.kernel(
        functools.partial(_sc_body, off),
        out_type=[jax.ShapeDtypeStruct((_B, _D), jnp.bfloat16),
                  jax.ShapeDtypeStruct((_B, _D), jnp.float32),
                  jax.ShapeDtypeStruct((_B, _D), jnp.float32)],
        mesh=plsc.VectorSubcoreMesh(core_axis_name="c", subcore_axis_name="s"),
        compiler_params=pltpu.CompilerParams(needs_layout_passes=False),
        scratch_types=(
            [pltpu.VMEM((_BPW,), jnp.int32),
             pltpu.VMEM((_BPW,), jnp.int32)]
            + [pltpu.VMEM((_C, _D), jnp.float32)] * 8
            + [pltpu.VMEM((_C, _D), jnp.bfloat16)] * 2
            + [pltpu.SemaphoreType.DMA] * 14
        ),
    )


_BLK = 2048


def _dense_body(gmf_ref, mu_ref, mi_ref,
                w1a_ref, w1b_ref, b1_ref, w2_ref, b2_ref, w3_ref, b3_ref,
                wog_ref, woh_ref, bo_ref, out_ref):
    mu_bf = mu_ref[...].astype(jnp.bfloat16)
    mi_bf = mi_ref[...].astype(jnp.bfloat16)
    h = jnp.maximum(
        jnp.dot(mu_bf, w1a_ref[...], preferred_element_type=jnp.float32)
        + jnp.dot(mi_bf, w1b_ref[...], preferred_element_type=jnp.float32)
        + b1_ref[...], 0.0)
    h = jnp.maximum(
        jnp.dot(h, w2_ref[...], preferred_element_type=jnp.float32)
        + b2_ref[...], 0.0)
    h = jnp.maximum(
        jnp.dot(h, w3_ref[...], preferred_element_type=jnp.float32)
        + b3_ref[...], 0.0)
    rnd = lambda x: x.astype(jnp.bfloat16).astype(jnp.float32)
    logits = (jnp.sum(gmf_ref[...].astype(jnp.float32)
                      * wog_ref[...].astype(jnp.float32), axis=1)
              + jnp.sum(rnd(h) * rnd(woh_ref[...]), axis=1)
              + bo_ref[0, 0])
    out_ref[...] = logits


def _dense(off, gmf, mu, mi, w1a, w1b, b1r, W2, b2r, W3, b3r, wog, woh, bor):
    grid = _BS // _BLK
    ob = off // _BLK
    blk_in = pl.BlockSpec((_BLK, _D), lambda i: (i + ob, 0))
    rep = lambda shape: pl.BlockSpec(shape, lambda i: tuple(0 for _ in shape))
    return pl.pallas_call(
        _dense_body,
        grid=(grid,),
        in_specs=[blk_in, blk_in, blk_in,
                  rep(w1a.shape), rep(w1b.shape), rep(b1r.shape),
                  rep(W2.shape), rep(b2r.shape),
                  rep(W3.shape), rep(b3r.shape),
                  rep(wog.shape), rep(woh.shape), rep(bor.shape)],
        out_specs=pl.BlockSpec((_BLK,), lambda i: (i,)),
        out_shape=jax.ShapeDtypeStruct((_BS,), jnp.float32),
    )(gmf, mu, mi, w1a, w1b, b1r, W2, b2r, W3, b3r, wog, woh, bor)


@jax.jit
def kernel(user, item, ue_gmf, ie_gmf, ue_mlp, ie_mlp,
           W1, b1, W2, b2, W3, b3, Wo, bo):
    perm = jnp.asarray(_PACK_PERM)
    w1a = W1[:_D].astype(jnp.bfloat16)
    w1b = W1[_D:].astype(jnp.bfloat16)
    wog = Wo[:_D, 0][perm].reshape(1, _D).astype(jnp.bfloat16)
    woh = Wo[_D:, 0].reshape(1, -1)
    b1r = b1.reshape(1, -1)
    b2r = b2.reshape(1, -1)
    b3r = b3.reshape(1, -1)
    bor = bo.reshape(1, 1)
    outs = []
    for s in range(_NSPLIT):
        off = s * _BS
        gmf, mu, mi = _sc_gather(off)(user, item, ue_gmf, ie_gmf,
                                      ue_mlp, ie_mlp)
        outs.append(_dense(off, gmf, mu, mi, w1a, w1b, b1r, W2, b2r,
                           W3, b3r, wog, woh, bor))
    return jnp.concatenate(outs)

# --- scband reference (transcript-rebuilt; emitter-appended) ---
"""Pipeline reference for scband-neu-mf-55138790146352 (READ-ONLY COPY).

The authoritative reference and input builder live on the scoring server;
editing this copy changes nothing except your own understanding.
"""

import jax, jax.numpy as jnp
import numpy as np

NUM_USERS = 1000000
NUM_ITEMS = 100000
D = 128
B = 16384


def setup_inputs(seed: int = 0) -> dict:
    key = jax.random.key(seed)
    ks = jax.random.split(key, 16)
    user = jax.random.randint(ks[0], (B,), 0, NUM_USERS)
    item = jax.random.randint(ks[1], (B,), 0, NUM_ITEMS)
    # Embedding tables (num + 1 rows, matching torch __init__), init std=0.01
    ue_gmf = jax.random.normal(ks[2], (NUM_USERS + 1, D), dtype=jnp.float32) * 0.01
    ie_gmf = jax.random.normal(ks[3], (NUM_ITEMS + 1, D), dtype=jnp.float32) * 0.01
    ue_mlp = jax.random.normal(ks[4], (NUM_USERS + 1, D), dtype=jnp.float32) * 0.01
    ie_mlp = jax.random.normal(ks[5], (NUM_ITEMS + 1, D), dtype=jnp.float32) * 0.01
    # MLP: Linear(256,256) -> ReLU -> Linear(256,128) -> ReLU -> Linear(128,64) -> ReLU
    def lin(k, fan_in, fan_out):
        bound = 1.0 / np.sqrt(fan_in)
        kw, kb = jax.random.split(k)
        W = jax.random.uniform(kw, (fan_in, fan_out), dtype=jnp.float32, minval=-bound, maxval=bound)
        b = jax.random.uniform(kb, (fan_out,), dtype=jnp.float32, minval=-bound, maxval=bound)
        return W, b
    W1, b1 = lin(ks[6], 2 * D, 256)
    W2, b2 = lin(ks[7], 256, 128)
    W3, b3 = lin(ks[8], 128, 64)
    Wo, bo = lin(ks[9], D + 64, 1)
    return {"user": user, "item": item,
            "ue_gmf": ue_gmf, "ie_gmf": ie_gmf, "ue_mlp": ue_mlp, "ie_mlp": ie_mlp,
            "W1": W1, "b1": b1, "W2": W2, "b2": b2, "W3": W3, "b3": b3,
            "Wo": Wo, "bo": bo}


def reference(user, item, ue_gmf, ie_gmf, ue_mlp, ie_mlp, W1, b1, W2, b2, W3, b3, Wo, bo):
    # GMF branch: elementwise product of user/item embeddings
    gmf_user = jnp.take(ue_gmf, user, axis=0)
    gmf_item = jnp.take(ie_gmf, item, axis=0)
    gmf_output = gmf_user * gmf_item
    # MLP branch
    mlp_user = jnp.take(ue_mlp, user, axis=0)
    mlp_item = jnp.take(ie_mlp, item, axis=0)
    mlp_input = jnp.concatenate((mlp_user, mlp_item), axis=1)
    h = jax.nn.relu(mlp_input @ W1 + b1)   # dropout is identity at inference
    h = jax.nn.relu(h @ W2 + b2)
    h = jax.nn.relu(h @ W3 + b3)
    final_input = jnp.concatenate((gmf_output, h), axis=1)
    logits = final_input @ Wo + bo
    return jnp.squeeze(logits, axis=-1)

if __name__ == "__main__":
    import jax
    _d = setup_inputs()
    print(jax.jit(kernel)(*tuple(_d.values())))

</pallas_src>

<mosaic_0001>
#map = affine_map<(d0, d1) -> (0)>
#map1 = affine_map<(d0, d1) -> (0, 0)>
module attributes {stable_mosaic.version = 14 : i64} {
  func.func @_sc_body(%arg0: i32, %arg1: i32, %arg2: memref<16384xi32, #tpu.memory_space<hbm>>, %arg3: memref<16384xi32, #tpu.memory_space<hbm>>, %arg4: memref<1000001x128xf32, #tpu.memory_space<hbm>>, %arg5: memref<100001x128xf32, #tpu.memory_space<hbm>>, %arg6: memref<1000001x128xf32, #tpu.memory_space<hbm>>, %arg7: memref<100001x128xf32, #tpu.memory_space<hbm>>, %arg8: memref<16384x128xbf16, #tpu.memory_space<hbm>>, %arg9: memref<16384x128xf32, #tpu.memory_space<hbm>>, %arg10: memref<16384x128xf32, #tpu.memory_space<hbm>>, %arg11: memref<256xi32, #tpu.memory_space<vmem>>, %arg12: memref<256xi32, #tpu.memory_space<vmem>>, %arg13: memref<64x128xf32, #tpu.memory_space<vmem>>, %arg14: memref<64x128xf32, #tpu.memory_space<vmem>>, %arg15: memref<64x128xf32, #tpu.memory_space<vmem>>, %arg16: memref<64x128xf32, #tpu.memory_space<vmem>>, %arg17: memref<64x128xf32, #tpu.memory_space<vmem>>, %arg18: memref<64x128xf32, #tpu.memory_space<vmem>>, %arg19: memref<64x128xf32, #tpu.memory_space<vmem>>, %arg20: memref<64x128xf32, #tpu.memory_space<vmem>>, %arg21: memref<64x128xbf16, #tpu.memory_space<vmem>>, %arg22: memref<64x128xbf16, #tpu.memory_space<vmem>>, %arg23: memref<!tpu.dma_semaphore, #tpu.memory_space<semaphore_mem>>, %arg24: memref<!tpu.dma_semaphore, #tpu.memory_space<semaphore_mem>>, %arg25: memref<!tpu.dma_semaphore, #tpu.memory_space<semaphore_mem>>, %arg26: memref<!tpu.dma_semaphore, #tpu.memory_space<semaphore_mem>>, %arg27: memref<!tpu.dma_semaphore, #tpu.memory_space<semaphore_mem>>, %arg28: memref<!tpu.dma_semaphore, #tpu.memory_space<semaphore_mem>>, %arg29: memref<!tpu.dma_semaphore, #tpu.memory_space<semaphore_mem>>, %arg30: memref<!tpu.dma_semaphore, #tpu.memory_space<semaphore_mem>>, %arg31: memref<!tpu.dma_semaphore, #tpu.memory_space<semaphore_mem>>, %arg32: memref<!tpu.dma_semaphore, #tpu.memory_space<semaphore_mem>>, %arg33: memref<!tpu.dma_semaphore, #tpu.memory_space<semaphore_mem>>, %arg34: memref<!tpu.dma_semaphore, #tpu.memory_space<semaphore_mem>>, %arg35: memref<!tpu.dma_semaphore, #tpu.memory_space<semaphore_mem>>, %arg36: memref<!tpu.dma_semaphore, #tpu.memory_space<semaphore_mem>>) attributes {dimension_semantics = [#tpu.dimension_semantics<core_parallel>, #tpu.dimension_semantics<subcore_parallel>], iteration_bounds = array<i64: 2, 16>, scalar_prefetch = 0 : i64, scratch_operands = 26 : i64, tpu.core_type = #tpu.core_type<sc_vector_subcore>, window_params = [{transform_indices = #map}, {transform_indices = #map}, {transform_indices = #map1}, {transform_indices = #map1}, {transform_indices = #map1}, {transform_indices = #map1}, {transform_indices = #map1}, {transform_indices = #map1}, {transform_indices = #map1}]} {
    %mul3A = arith.constant 2 : i32
    %mul3A_0 = arith.muli %arg1, %mul3A : i32
    %add3A = arith.addi %mul3A_0, %arg0 : i32
    %mul3A_1 = arith.constant 256 : i32
    %mul3A_2 = arith.muli %add3A, %mul3A_1 : i32
    %add3A_3 = arith.constant 8192 : i32
    %add3A_4 = arith.addi %add3A_3, %mul3A_2 : i32
    "tpu.region"() ({
      %run_scoped3A = tpu.sem_alloc : memref<!tpu.dma_semaphore, #tpu.memory_space<semaphore_mem>>
      %dma_start3A_304 = tpu.memref_slice %arg2[%add3A_4] : memref<16384xi32, #tpu.memory_space<hbm>> -> memref<256xi32, #tpu.memory_space<hbm>>
      %dma_start3A_305 = tpu.memref_slice %arg2[%add3A_4] : memref<16384xi32, #tpu.memory_space<hbm>> -> memref<256xi32, #tpu.memory_space<hbm>>
      tpu.enqueue_dma source(%dma_start3A_305 : memref<256xi32, #tpu.memory_space<hbm>>) target(%arg11 : memref<256xi32, #tpu.memory_space<vmem>>) target_semaphore(%run_scoped3A : memref<!tpu.dma_semaphore, #tpu.memory_space<semaphore_mem>>)
      %dma_wait3A_306 = tpu.memref_slice %arg2[%add3A_4] : memref<16384xi32, #tpu.memory_space<hbm>> -> memref<256xi32, #tpu.memory_space<hbm>>
      %dma_wait3A_307 = tpu.memref_slice %arg2[%add3A_4] : memref<16384xi32, #tpu.memory_space<hbm>> -> memref<256xi32, #tpu.memory_space<hbm>>
      tpu.wait_dma2 semaphore(%run_scoped3A : memref<!tpu.dma_semaphore, #tpu.memory_space<semaphore_mem>>) src(%dma_wait3A_307 : memref<256xi32, #tpu.memory_space<hbm>>) dst(%arg11 : memref<256xi32, #tpu.memory_space<vmem>>)
      tpu.yield
    }) : () -> ()
    %add3A_5 = arith.constant 8192 : i32
    %add3A_6 = arith.addi %add3A_5, %mul3A_2 : i32
    "tpu.region"() ({
      %run_scoped3A = tpu.sem_alloc : memref<!tpu.dma_semaphore, #tpu.memory_space<semaphore_mem>>
      %dma_start3A_304 = tpu.memref_slice %arg3[%add3A_6] : memref<16384xi32, #tpu.memory_space<hbm>> -> memref<256xi32, #tpu.memory_space<hbm>>
      %dma_start3A_305 = tpu.memref_slice %arg3[%add3A_6] : memref<16384xi32, #tpu.memory_space<hbm>> -> memref<256xi32, #tpu.memory_space<hbm>>
      tpu.enqueue_dma source(%dma_start3A_305 : memref<256xi32, #tpu.memory_space<hbm>>) target(%arg12 : memref<256xi32, #tpu.memory_space<vmem>>) target_semaphore(%run_scoped3A : memref<!tpu.dma_semaphore, #tpu.memory_space<semaphore_mem>>)
      %dma_wait3A_306 = tpu.memref_slice %arg3[%add3A_6] : memref<16384xi32, #tpu.memory_space<hbm>> -> memref<256xi32, #tpu.memory_space<hbm>>
      %dma_wait3A_307 = tpu.memref_slice %arg3[%add3A_6] : memref<16384xi32, #tpu.memory_space<hbm>> -> memref<256xi32, #tpu.memory_space<hbm>>
      tpu.wait_dma2 semaphore(%run_scoped3A : memref<!tpu.dma_semaphore, #tpu.memory_space<semaphore_mem>>) src(%dma_wait3A_307 : memref<256xi32, #tpu.memory_space<hbm>>) dst(%arg12 : memref<256xi32, #tpu.memory_space<vmem>>)
      tpu.yield
    }) : () -> ()
    %dma_start3A = arith.constant 0 : i32
    %dma_start3A_7 = tpu.memref_slice %arg11[%dma_start3A] : memref<256xi32, #tpu.memory_space<vmem>> -> memref<64xi32, #tpu.memory_space<vmem>>
    %dma_start3A_8 = arith.constant 0 : i32
    %dma_start3A_9 = arith.constant 0 : i32
    %dma_start3A_10 = tpu.memref_slice %arg4[%dma_start3A_8, %dma_start3A_9] : memref<1000001x128xf32, #tpu.memory_space<hbm>> -> memref<1000001x128xf32, #tpu.memory_space<hbm>>
    tpu.enqueue_indirect_dma source(%dma_start3A_10 : memref<1000001x128xf32, #tpu.memory_space<hbm>>) target(%arg13 : memref<64x128xf32, #tpu.memory_space<vmem>>) offsets(%dma_start3A_7 : memref<64xi32, #tpu.memory_space<vmem>>) semaphore(%arg23 : memref<!tpu.dma_semaphore, #tpu.memory_space<semaphore_mem>>)
    %dma_start3A_11 = arith.constant 0 : i32
    %dma_start3A_12 = tpu.memref_slice %arg12[%dma_start3A_11] : memref<256xi32, #tpu.memory_space<vmem>> -> memref<64xi32, #tpu.memory_space<vmem>>
    %dma_start3A_13 = arith.constant 0 : i32
    %dma_start3A_14 = arith.constant 0 : i32
    %dma_start3A_15 = tpu.memref_slice %arg5[%dma_start3A_13, %dma_start3A_14] : memref<100001x128xf32, #tpu.memory_space<hbm>> -> memref<100001x128xf32, #tpu.memory_space<hbm>>
    tpu.enqueue_indirect_dma source(%dma_start3A_15 : memref<100001x128xf32, #tpu.memory_space<hbm>>) target(%arg15 : memref<64x128xf32, #tpu.memory_space<vmem>>) offsets(%dma_start3A_12 : memref<64xi32, #tpu.memory_space<vmem>>) semaphore(%arg25 : memref<!tpu.dma_semaphore, #tpu.memory_space<semaphore_mem>>)
    %dma_start3A_16 = arith.constant 0 : i32
    %dma_start3A_17 = tpu.memref_slice %arg11[%dma_start3A_16] : memref<256xi32, #tpu.memory_space<vmem>> -> memref<64xi32, #tpu.memory_space<vmem>>
    %dma_start3A_18 = arith.constant 0 : i32
    %dma_start3A_19 = arith.constant 0 : i32
    %dma_start3A_20 = tpu.memref_slice %arg6[%dma_start3A_18, %dma_start3A_19] : memref<1000001x128xf32, #tpu.memory_space<hbm>> -> memref<1000001x128xf32, #tpu.memory_space<hbm>>
    tpu.enqueue_indirect_dma source(%dma_start3A_20 : memref<1000001x128xf32, #tpu.memory_space<hbm>>) target(%arg17 : memref<64x128xf32, #tpu.memory_space<vmem>>) offsets(%dma_start3A_17 : memref<64xi32, #tpu.memory_space<vmem>>) semaphore(%arg27 : memref<!tpu.dma_semaphore, #tpu.memory_space<semaphore_mem>>)
    %dma_start3A_21 = arith.constant 0 : i32
    %dma_start3A_22 = tpu.memref_slice %arg12[%dma_start3A_21] : memref<256xi32, #tpu.memory_space<vmem>> -> memref<64xi32, #tpu.memory_space<vmem>>
    %dma_start3A_23 = arith.constant 0 : i32
    %dma_start3A_24 = arith.constant 0 : i32
    %dma_start3A_25 = tpu.memref_slice %arg7[%dma_start3A_23, %dma_start3A_24] : memref<100001x128xf32, #tpu.memory_space<hbm>> -> memref<100001x128xf32, #tpu.memory_space<hbm>>
    tpu.enqueue_indirect_dma source(%dma_start3A_25 : memref<100001x128xf32, #tpu.memory_space<hbm>>) target(%arg19 : memref<64x128xf32, #tpu.memory_space<vmem>>) offsets(%dma_start3A_22 : memref<64xi32, #tpu.memory_space<vmem>>) semaphore(%arg29 : memref<!tpu.dma_semaphore, #tpu.memory_space<semaphore_mem>>)
    %dma_start3A_26 = arith.constant 64 : i32
    %dma_start3A_27 = tpu.memref_slice %arg11[%dma_start3A_26] : memref<256xi32, #tpu.memory_space<vmem>> -> memref<64xi32, #tpu.memory_space<vmem>>
    %dma_start3A_28 = arith.constant 0 : i32
    %dma_start3A_29 = arith.constant 0 : i32
    %dma_start3A_30 = tpu.memref_slice %arg4[%dma_start3A_28, %dma_start3A_29] : memref<1000001x128xf32, #tpu.memory_space<hbm>> -> memref<1000001x128xf32, #tpu.memory_space<hbm>>
    tpu.enqueue_indirect_dma source(%dma_start3A_30 : memref<1000001x128xf32, #tpu.memory_space<hbm>>) target(%arg14 : memref<64x128xf32, #tpu.memory_space<vmem>>) offsets(%dma_start3A_27 : memref<64xi32, #tpu.memory_space<vmem>>) semaphore(%arg24 : memref<!tpu.dma_semaphore, #tpu.memory_space<semaphore_mem>>)
    %dma_start3A_31 = arith.constant 64 : i32
    %dma_start3A_32 = tpu.memref_slice %arg12[%dma_start3A_31] : memref<256xi32, #tpu.memory_space<vmem>> -> memref<64xi32, #tpu.memory_space<vmem>>
    %dma_start3A_33 = arith.constant 0 : i32
    %dma_start3A_34 = arith.constant 0 : i32
    %dma_start3A_35 = tpu.memref_slice %arg5[%dma_start3A_33, %dma_start3A_34] : memref<100001x128xf32, #tpu.memory_space<hbm>> -> memref<100001x128xf32, #tpu.memory_space<hbm>>
    tpu.enqueue_indirect_dma source(%dma_start3A_35 : memref<100001x128xf32, #tpu.memory_space<hbm>>) target(%arg16 : memref<64x128xf32, #tpu.memory_space<vmem>>) offsets(%dma_start3A_32 : memref<64xi32, #tpu.memory_space<vmem>>) semaphore(%arg26 : memref<!tpu.dma_semaphore, #tpu.memory_space<semaphore_mem>>)
    %dma_start3A_36 = arith.constant 64 : i32
    %dma_start3A_37 = tpu.memref_slice %arg11[%dma_start3A_36] : memref<256xi32, #tpu.memory_space<vmem>> -> memref<64xi32, #tpu.memory_space<vmem>>
    %dma_start3A_38 = arith.constant 0 : i32
    %dma_start3A_39 = arith.constant 0 : i32
    %dma_start3A_40 = tpu.memref_slice %arg6[%dma_start3A_38, %dma_start3A_39] : memref<1000001x128xf32, #tpu.memory_space<hbm>> -> memref<1000001x128xf32, #tpu.memory_space<hbm>>
    tpu.enqueue_indirect_dma source(%dma_start3A_40 : memref<1000001x128xf32, #tpu.memory_space<hbm>>) target(%arg18 : memref<64x128xf32, #tpu.memory_space<vmem>>) offsets(%dma_start3A_37 : memref<64xi32, #tpu.memory_space<vmem>>) semaphore(%arg28 : memref<!tpu.dma_semaphore, #tpu.memory_space<semaphore_mem>>)
    %dma_start3A_41 = arith.constant 64 : i32
    %dma_start3A_42 = tpu.memref_slice %arg12[%dma_start3A_41] : memref<256xi32, #tpu.memory_space<vmem>> -> memref<64xi32, #tpu.memory_space<vmem>>
    %dma_start3A_43 = arith.constant 0 : i32
    %dma_start3A_44 = arith.constant 0 : i32
    %dma_start3A_45 = tpu.memref_slice %arg7[%dma_start3A_43, %dma_start3A_44] : memref<100001x128xf32, #tpu.memory_space<hbm>> -> memref<100001x128xf32, #tpu.memory_space<hbm>>
    tpu.enqueue_indirect_dma source(%dma_start3A_45 : memref<100001x128xf32, #tpu.memory_space<hbm>>) target(%arg20 : memref<64x128xf32, #tpu.memory_space<vmem>>) offsets(%dma_start3A_42 : memref<64xi32, #tpu.memory_space<vmem>>) semaphore(%arg30 : memref<!tpu.dma_semaphore, #tpu.memory_space<semaphore_mem>>)
    %add3A_46 = arith.constant 8192 : i32
    %add3A_47 = arith.addi %add3A_46, %mul3A_2 : i32
    %add3A_48 = arith.constant 0 : i32
    %add3A_49 = arith.addi %add3A_47, %add3A_48 : i32
    %dma_wait3A = arith.constant 0 : i32
    %dma_wait3A_50 = tpu.memref_slice %arg11[%dma_wait3A] : memref<256xi32, #tpu.memory_space<vmem>> -> memref<64xi32, #tpu.memory_space<vmem>>
    %dma_wait3A_51 = arith.constant 0 : i32
    %dma_wait3A_52 = arith.constant 0 : i32
    %dma_wait3A_53 = tpu.memref_slice %arg4[%dma_wait3A_51, %dma_wait3A_52] : memref<1000001x128xf32, #tpu.memory_space<hbm>> -> memref<1000001x128xf32, #tpu.memory_space<hbm>>
    tpu.wait_indirect_dma semaphore(%arg23 : memref<!tpu.dma_semaphore, #tpu.memory_space<semaphore_mem>>) src(%dma_wait3A_53 : memref<1000001x128xf32, #tpu.memory_space<hbm>>) dst(%arg13 : memref<64x128xf32, #tpu.memory_space<vmem>>)
    %dma_wait3A_54 = arith.constant 0 : i32
    %dma_wait3A_55 = tpu.memref_slice %arg12[%dma_wait3A_54] : memref<256xi32, #tpu.memory_space<vmem>> -> memref<64xi32, #tpu.memory_space<vmem>>
    %dma_wait3A_56 = arith.constant 0 : i32
    %dma_wait3A_57 = arith.constant 0 : i32
    %dma_wait3A_58 = tpu.memref_slice %arg5[%dma_wait3A_56, %dma_wait3A_57] : memref<100001x128xf32, #tpu.memory_space<hbm>> -> memref<100001x128xf32, #tpu.memory_space<hbm>>
    tpu.wait_indirect_dma semaphore(%arg25 : memref<!tpu.dma_semaphore, #tpu.memory_space<semaphore_mem>>) src(%dma_wait3A_58 : memref<100001x128xf32, #tpu.memory_space<hbm>>) dst(%arg15 : memref<64x128xf32, #tpu.memory_space<vmem>>)
    %scan3A = arith.constant 0 : i32
    %scan3A_59 = arith.constant 0 : i32
    %scan3A_60 = arith.constant 64 : i32
    %scan3A_61 = arith.addi %scan3A_59, %scan3A_60 : i32
    %scan3A_62 = arith.constant 1 : i32
    %scan3A_63 = scf.for %scan3A_304 = %scan3A_59 to %scan3A_61 step %scan3A_62 iter_args(%scan3A_305 = %scan3A) -> (i32)  : i32 {
      %get3A = arith.index_cast %scan3A_304 : i32 to index
      %get3A_306 = arith.constant 0 : index
      %get3A_307 = tpu.vector_load %arg13[%get3A, %get3A_306] {strides = array<i32>} : memref<64x128xf32, #tpu.memory_space<vmem>>, vector<16xf32>,
      %get3A_308 = arith.index_cast %scan3A_304 : i32 to index
      %get3A_309 = arith.constant 0 : index
      %get3A_310 = tpu.vector_load %arg15[%get3A_308, %get3A_309] {strides = array<i32>} : memref<64x128xf32, #tpu.memory_space<vmem>>, vector<16xf32>,
      %mul3A_311 = arith.mulf %get3A_307, %get3A_310 : vector<16xf32>
      %get3A_312 = arith.index_cast %scan3A_304 : i32 to index
      %get3A_313 = arith.constant 16 : index
      %get3A_314 = tpu.vector_load %arg13[%get3A_312, %get3A_313] {strides = array<i32>} : memref<64x128xf32, #tpu.memory_space<vmem>>, vector<16xf32>,
      %get3A_315 = arith.index_cast %scan3A_304 : i32 to index
      %get3A_316 = arith.constant 16 : index
      %get3A_317 = tpu.vector_load %arg15[%get3A_315, %get3A_316] {strides = array<i32>} : memref<64x128xf32, #tpu.memory_space<vmem>>, vector<16xf32>,
      %mul3A_318 = arith.mulf %get3A_314, %get3A_317 : vector<16xf32>
      %pack3A = tpu.pack_subelements %mul3A_311, %mul3A_318 {pack_format = #tpu.pack_format<interleaved>, positions = array<i32: 0, 1>} : vector<16xf32>, vector<16xf32> -> vector<32xbf16>
      %swap3A = arith.index_cast %scan3A_304 : i32 to index
      %swap3A_319 = arith.constant 0 : index
      %swap3A_320 = tpu.vector_load %arg21[%swap3A, %swap3A_319] {strides = array<i32>} : memref<64x128xbf16, #tpu.memory_space<vmem>>, vector<32xbf16>,
      tpu.vector_store %arg21[%swap3A, %swap3A_319], %pack3A {strides = array<i32>} : memref<64x128xbf16, #tpu.memory_space<vmem>>, vector<32xbf16>,
      %get3A_321 = arith.index_cast %scan3A_304 : i32 to index
      %get3A_322 = arith.constant 32 : index
      %get3A_323 = tpu.vector_load %arg13[%get3A_321, %get3A_322] {strides = array<i32>} : memref<64x128xf32, #tpu.memory_space<vmem>>, vector<16xf32>,
      %get3A_324 = arith.index_cast %scan3A_304 : i32 to index
      %get3A_325 = arith.constant 32 : index
      %get3A_326 = tpu.vector_load %arg15[%get3A_324, %get3A_325] {strides = array<i32>} : memref<64x128xf32, #tpu.memory_space<vmem>>, vector<16xf32>,
      %mul3A_327 = arith.mulf %get3A_323, %get3A_326 : vector<16xf32>
      %get3A_328 = arith.index_cast %scan3A_304 : i32 to index
      %get3A_329 = arith.constant 48 : index
      %get3A_330 = tpu.vector_load %arg13[%get3A_328, %get3A_329] {strides = array<i32>} : memref<64x128xf32, #tpu.memory_space<vmem>>, vector<16xf32>,
      %get3A_331 = arith.index_cast %scan3A_304 : i32 to index
      %get3A_332 = arith.constant 48 : index
      %get3A_333 = tpu.vector_load %arg15[%get3A_331, %get3A_332] {strides = array<i32>} : memref<64x128xf32, #tpu.memory_space<vmem>>, vector<16xf32>,
      %mul3A_334 = arith.mulf %get3A_330, %get3A_333 : vector<16xf32>
      %pack3A_335 = tpu.pack_subelements %mul3A_327, %mul3A_334 {pack_format = #tpu.pack_format<interleaved>, positions = array<i32: 0, 1>} : vector<16xf32>, vector<16xf32> -> vector<32xbf16>
      %swap3A_336 = arith.index_cast %scan3A_304 : i32 to index
      %swap3A_337 = arith.constant 32 : index
      %swap3A_338 = tpu.vector_load %arg21[%swap3A_336, %swap3A_337] {strides = array<i32>} : memref<64x128xbf16, #tpu.memory_space<vmem>>, vector<32xbf16>,
      tpu.vector_store %arg21[%swap3A_336, %swap3A_337], %pack3A_335 {strides = array<i32>} : memref<64x128xbf16, #tpu.memory_space<vmem>>, vector<32xbf16>,
      %get3A_339 = arith.index_cast %scan3A_304 : i32 to index
      %get3A_340 = arith.constant 64 : index
      %get3A_341 = tpu.vector_load %arg13[%get3A_339, %get3A_340] {strides = array<i32>} : memref<64x128xf32, #tpu.memory_space<vmem>>, vector<16xf32>,
      %get3A_342 = arith.index_cast %scan3A_304 : i32 to index
      %get3A_343 = arith.constant 64 : index
      %get3A_344 = tpu.vector_load %arg15[%get3A_342, %get3A_343] {strides = array<i32>} : memref<64x128xf32, #tpu.memory_space<vmem>>, vector<16xf32>,
      %mul3A_345 = arith.mulf %get3A_341, %get3A_344 : vector<16xf32>
      %get3A_346 = arith.index_cast %scan3A_304 : i32 to index
      %get3A_347 = arith.constant 80 : index
      %get3A_348 = tpu.vector_load %arg13[%get3A_346, %get3A_347] {strides = array<i32>} : memref<64x128xf32, #tpu.memory_space<vmem>>, vector<16xf32>,
      %get3A_349 = arith.index_cast %scan3A_304 : i32 to index
      %get3A_350 = arith.constant 80 : index
      %get3A_351 = tpu.vector_load %arg15[%get3A_349, %get3A_350] {strides = array<i32>} : memref<64x128xf32, #tpu.memory_space<vmem>>, vector<16xf32>,
      %mul3A_352 = arith.mulf %get3A_348, %get3A_351 : vector<16xf32>
      %pack3A_353 = tpu.pack_subelements %mul3A_345, %mul3A_352 {pack_format = #tpu.pack_format<interleaved>, positions = array<i32: 0, 1>} : vector<16xf32>, vector<16xf32> -> vector<32xbf16>
      %swap3A_354 = arith.index_cast %scan3A_304 : i32 to index
      %swap3A_355 = arith.constant 64 : index
      %swap3A_356 = tpu.vector_load %arg21[%swap3A_354, %swap3A_355] {strides = array<i32>} : memref<64x128xbf16, #tpu.memory_space<vmem>>, vector<32xbf16>,
      tpu.vector_store %arg21[%swap3A_354, %swap3A_355], %pack3A_353 {strides = array<i32>} : memref<64x128xbf16, #tpu.memory_space<vmem>>, vector<32xbf16>,
      %get3A_357 = arith.index_cast %scan3A_304 : i32 to index
      %get3A_358 = arith.constant 96 : index
      %get3A_359 = tpu.vector_load %arg13[%get3A_357, %get3A_358] {strides = array<i32>} : memref<64x128xf32, #tpu.memory_space<vmem>>, vector<16xf32>,
      %get3A_360 = arith.index_cast %scan3A_304 : i32 to index
      %get3A_361 = arith.constant 96 : index
      %get3A_362 = tpu.vector_load %arg15[%get3A_360, %get3A_361] {strides = array<i32>} : memref<64x128xf32, #tpu.memory_space<vmem>>, vector<16xf32>,
      %mul3A_363 = arith.mulf %get3A_359, %get3A_362 : vector<16xf32>
      %get3A_364 = arith.index_cast %scan3A_304 : i32 to index
      %get3A_365 = arith.constant 112 : index
      %get3A_366 = tpu.vector_load %arg13[%get3A_364, %get3A_365] {strides = array<i32>} : memref<64x128xf32, #tpu.memory_space<vmem>>, vector<16xf32>,
      %get3A_367 = arith.index_cast %scan3A_304 : i32 to index
      %get3A_368 = arith.constant 112 : index
      %get3A_369 = tpu.vector_load %arg15[%get3A_367, %get3A_368] {strides = array<i32>} : memref<64x128xf32, #tpu.memory_space<vmem>>, vector<16xf32>,
      %mul3A_370 = arith.mulf %get3A_366, %get3A_369 : vector<16xf32>
      %pack3A_371 = tpu.pack_subelements %mul3A_363, %mul3A_370 {pack_format = #tpu.pack_format<interleaved>, positions = array<i32: 0, 1>} : vector<16xf32>, vector<16xf32> -> vector<32xbf16>
      %swap3A_372 = arith.index_cast %scan3A_304 : i32 to index
      %swap3A_373 = arith.constant 96 : index
      %swap3A_374 = tpu.vector_load %arg21[%swap3A_372, %swap3A_373] {strides = array<i32>} : memref<64x128xbf16, #tpu.memory_space<vmem>>, vector<32xbf16>,
      tpu.vector_store %arg21[%swap3A_372, %swap3A_373], %pack3A_371 {strides = array<i32>} : memref<64x128xbf16, #tpu.memory_space<vmem>>, vector<32xbf16>,
      %scan3A_375 = arith.constant 0 : i32
      scf.yield %scan3A_375 : i32
    }
    %scan3A_64 = arith.constant 64 : i32
    %dma_start3A_65 = arith.constant 0 : i32
    %dma_start3A_66 = tpu.memref_slice %arg8[%add3A_49, %dma_start3A_65] : memref<16384x128xbf16, #tpu.memory_space<hbm>> -> memref<64x128xbf16, #tpu.memory_space<hbm>>
    %dma_start3A_67 = arith.constant 0 : i32
    %dma_start3A_68 = tpu.memref_slice %arg8[%add3A_49, %dma_start3A_67] : memref<16384x128xbf16, #tpu.memory_space<hbm>> -> memref<64x128xbf16, #tpu.memory_space<hbm>>
    tpu.enqueue_dma source(%arg21 : memref<64x128xbf16, #tpu.memory_space<vmem>>) target(%dma_start3A_68 : memref<64x128xbf16, #tpu.memory_space<hbm>>) target_semaphore(%arg31 : memref<!tpu.dma_semaphore, #tpu.memory_space<semaphore_mem>>)
    %dma_wait3A_69 = arith.constant 0 : i32
    %dma_wait3A_70 = tpu.memref_slice %arg11[%dma_wait3A_69] : memref<256xi32, #tpu.memory_space<vmem>> -> memref<64xi32, #tpu.memory_space<vmem>>
    %dma_wait3A_71 = arith.constant 0 : i32
    %dma_wait3A_72 = arith.constant 0 : i32
    %dma_wait3A_73 = tpu.memref_slice %arg6[%dma_wait3A_71, %dma_wait3A_72] : memref<1000001x128xf32, #tpu.memory_space<hbm>> -> memref<1000001x128xf32, #tpu.memory_space<hbm>>
    tpu.wait_indirect_dma semaphore(%arg27 : memref<!tpu.dma_semaphore, #tpu.memory_space<semaphore_mem>>) src(%dma_wait3A_73 : memref<1000001x128xf32, #tpu.memory_space<hbm>>) dst(%arg17 : memref<64x128xf32, #tpu.memory_space<vmem>>)
    %dma_start3A_74 = arith.constant 0 : i32
    %dma_start3A_75 = tpu.memref_slice %arg9[%add3A_49, %dma_start3A_74] : memref<16384x128xf32, #tpu.memory_space<hbm>> -> memref<64x128xf32, #tpu.memory_space<hbm>>
    %dma_start3A_76 = arith.constant 0 : i32
    %dma_start3A_77 = tpu.memref_slice %arg9[%add3A_49, %dma_start3A_76] : memref<16384x128xf32, #tpu.memory_space<hbm>> -> memref<64x128xf32, #tpu.memory_space<hbm>>
    tpu.enqueue_dma source(%arg17 : memref<64x128xf32, #tpu.memory_space<vmem>>) target(%dma_start3A_77 : memref<64x128xf32, #tpu.memory_space<hbm>>) target_semaphore(%arg33 : memref<!tpu.dma_semaphore, #tpu.memory_space<semaphore_mem>>)
    %dma_wait3A_78 = arith.constant 0 : i32
    %dma_wait3A_79 = tpu.memref_slice %arg12[%dma_wait3A_78] : memref<256xi32, #tpu.memory_space<vmem>> -> memref<64xi32, #tpu.memory_space<vmem>>
    %dma_wait3A_80 = arith.constant 0 : i32
    %dma_wait3A_81 = arith.constant 0 : i32
    %dma_wait3A_82 = tpu.memref_slice %arg7[%dma_wait3A_80, %dma_wait3A_81] : memref<100001x128xf32, #tpu.memory_space<hbm>> -> memref<100001x128xf32, #tpu.memory_space<hbm>>
    tpu.wait_indirect_dma semaphore(%arg29 : memref<!tpu.dma_semaphore, #tpu.memory_space<semaphore_mem>>) src(%dma_wait3A_82 : memref<100001x128xf32, #tpu.memory_space<hbm>>) dst(%arg19 : memref<64x128xf32, #tpu.memory_space<vmem>>)
    %dma_start3A_83 = arith.constant 0 : i32
    %dma_start3A_84 = tpu.memref_slice %arg10[%add3A_49, %dma_start3A_83] : memref<16384x128xf32, #tpu.memory_space<hbm>> -> memref<64x128xf32, #tpu.memory_space<hbm>>
    %dma_start3A_85 = arith.constant 0 : i32
    %dma_start3A_86 = tpu.memref_slice %arg10[%add3A_49, %dma_start3A_85] : memref<16384x128xf32, #tpu.memory_space<hbm>> -> memref<64x128xf32, #tpu.memory_space<hbm>>
    tpu.enqueue_dma source(%arg19 : memref<64x128xf32, #tpu.memory_space<vmem>>) target(%dma_start3A_86 : memref<64x128xf32, #tpu.memory_space<hbm>>) target_semaphore(%arg35 : memref<!tpu.dma_semaphore, #tpu.memory_space<semaphore_mem>>)
    %dma_wait3A_87 = arith.constant 0 : i32
    %dma_wait3A_88 = tpu.memref_slice %arg8[%add3A_49, %dma_wait3A_87] : memref<16384x128xbf16, #tpu.memory_space<hbm>> -> memref<64x128xbf16, #tpu.memory_space<hbm>>
    %dma_wait3A_89 = arith.constant 0 : i32
    %dma_wait3A_90 = tpu.memref_slice %arg8[%add3A_49, %dma_wait3A_89] : memref<16384x128xbf16, #tpu.memory_space<hbm>> -> memref<64x128xbf16, #tpu.memory_space<hbm>>
    tpu.wait_dma2 semaphore(%arg31 : memref<!tpu.dma_semaphore, #tpu.memory_space<semaphore_mem>>) src(%arg21 : memref<64x128xbf16, #tpu.memory_space<vmem>>) dst(%dma_wait3A_90 : memref<64x128xbf16, #tpu.memory_space<hbm>>)
    %dma_wait3A_91 = arith.constant 0 : i32
    %dma_wait3A_92 = tpu.memref_slice %arg9[%add3A_49, %dma_wait3A_91] : memref<16384x128xf32, #tpu.memory_space<hbm>> -> memref<64x128xf32, #tpu.memory_space<hbm>>
    %dma_wait3A_93 = arith.constant 0 : i32
    %dma_wait3A_94 = tpu.memref_slice %arg9[%add3A_49, %dma_wait3A_93] : memref<16384x128xf32, #tpu.memory_space<hbm>> -> memref<64x128xf32, #tpu.memory_space<hbm>>
    tpu.wait_dma2 semaphore(%arg33 : memref<!tpu.dma_semaphore, #tpu.memory_space<semaphore_mem>>) src(%arg17 : memref<64x128xf32, #tpu.memory_space<vmem>>) dst(%dma_wait3A_94 : memref<64x128xf32, #tpu.memory_space<hbm>>)
    %dma_wait3A_95 = arith.constant 0 : i32
    %dma_wait3A_96 = tpu.memref_slice %arg10[%add3A_49, %dma_wait3A_95] : memref<16384x128xf32, #tpu.memory_space<hbm>> -> memref<64x128xf32, #tpu.memory_space<hbm>>
    %dma_wait3A_97 = arith.constant 0 : i32
    %dma_wait3A_98 = tpu.memref_slice %arg10[%add3A_49, %dma_wait3A_97] : memref<16384x128xf32, #tpu.memory_space<hbm>> -> memref<64x128xf32, #tpu.memory_space<hbm>>
    tpu.wait_dma2 semaphore(%arg35 : memref<!tpu.dma_semaphore, #tpu.memory_space<semaphore_mem>>) src(%arg19 : memref<64x128xf32, #tpu.memory_space<vmem>>) dst(%dma_wait3A_98 : memref<64x128xf32, #tpu.memory_space<hbm>>)
    %dma_start3A_99 = arith.constant 128 : i32
    %dma_start3A_100 = tpu.memref_slice %arg11[%dma_start3A_99] : memref<256xi32, #tpu.memory_space<vmem>> -> memref<64xi32, #tpu.memory_space<vmem>>
    %dma_start3A_101 = arith.constant 0 : i32
    %dma_start3A_102 = arith.constant 0 : i32
    %dma_start3A_103 = tpu.memref_slice %arg4[%dma_start3A_101, %dma_start3A_102] : memref<1000001x128xf32, #tpu.memory_space<hbm>> -> memref<1000001x128xf32, #tpu.memory_space<hbm>>
    tpu.enqueue_indirect_dma source(%dma_start3A_103 : memref<1000001x128xf32, #tpu.memory_space<hbm>>) target(%arg13 : memref<64x128xf32, #tpu.memory_space<vmem>>) offsets(%dma_start3A_100 : memref<64xi32, #tpu.memory_space<vmem>>) semaphore(%arg23 : memref<!tpu.dma_semaphore, #tpu.memory_space<semaphore_mem>>)
    %dma_start3A_104 = arith.constant 128 : i32
    %dma_start3A_105 = tpu.memref_slice %arg12[%dma_start3A_104] : memref<256xi32, #tpu.memory_space<vmem>> -> memref<64xi32, #tpu.memory_space<vmem>>
    %dma_start3A_106 = arith.constant 0 : i32
    %dma_start3A_107 = arith.constant 0 : i32
    %dma_start3A_108 = tpu.memref_slice %arg5[%dma_start3A_106, %dma_start3A_107] : memref<100001x128xf32, #tpu.memory_space<hbm>> -> memref<100001x128xf32, #tpu.memory_space<hbm>>
    tpu.enqueue_indirect_dma source(%dma_start3A_108 : memref<100001x128xf32, #tpu.memory_space<hbm>>) target(%arg15 : memref<64x128xf32, #tpu.memory_space<vmem>>) offsets(%dma_start3A_105 : memref<64xi32, #tpu.memory_space<vmem>>) semaphore(%arg25 : memref<!tpu.dma_semaphore, #tpu.memory_space<semaphore_mem>>)
    %dma_start3A_109 = arith.constant 128 : i32
    %dma_start3A_110 = tpu.memref_slice %arg11[%dma_start3A_109] : memref<256xi32, #tpu.memory_space<vmem>> -> memref<64xi32, #tpu.memory_space<vmem>>
    %dma_start3A_111 = arith.constant 0 : i32
    %dma_start3A_112 = arith.constant 0 : i32
    %dma_start3A_113 = tpu.memref_slice %arg6[%dma_start3A_111, %dma_start3A_112] : memref<1000001x128xf32, #tpu.memory_space<hbm>> -> memref<1000001x128xf32, #tpu.memory_space<hbm>>
    tpu.enqueue_indirect_dma source(%dma_start3A_113 : memref<1000001x128xf32, #tpu.memory_space<hbm>>) target(%arg17 : memref<64x128xf32, #tpu.memory_space<vmem>>) offsets(%dma_start3A_110 : memref<64xi32, #tpu.memory_space<vmem>>) semaphore(%arg27 : memref<!tpu.dma_semaphore, #tpu.memory_space<semaphore_mem>>)
    %dma_start3A_114 = arith.constant 128 : i32
    %dma_start3A_115 = tpu.memref_slice %arg12[%dma_start3A_114] : memref<256xi32, #tpu.memory_space<vmem>> -> memref<64xi32, #tpu.memory_space<vmem>>
    %dma_start3A_116 = arith.constant 0 : i32
    %dma_start3A_117 = arith.constant 0 : i32
    %dma_start3A_118 = tpu.memref_slice %arg7[%dma_start3A_116, %dma_start3A_117] : memref<100001x128xf32, #tpu.memory_space<hbm>> -> memref<100001x128xf32, #tpu.memory_space<hbm>>
    tpu.enqueue_indirect_dma source(%dma_start3A_118 : memref<100001x128xf32, #tpu.memory_space<hbm>>) target(%arg19 : memref<64x128xf32, #tpu.memory_space<vmem>>) offsets(%dma_start3A_115 : memref<64xi32, #tpu.memory_space<vmem>>) semaphore(%arg29 : memref<!tpu.dma_semaphore, #tpu.memory_space<semaphore_mem>>)
    %add3A_119 = arith.constant 8192 : i32
    %add3A_120 = arith.addi %add3A_119, %mul3A_2 : i32
    %add3A_121 = arith.constant 64 : i32
    %add3A_122 = arith.addi %add3A_120, %add3A_121 : i32
    %dma_wait3A_123 = arith.constant 64 : i32
    %dma_wait3A_124 = tpu.memref_slice %arg11[%dma_wait3A_123] : memref<256xi32, #tpu.memory_space<vmem>> -> memref<64xi32, #tpu.memory_space<vmem>>
    %dma_wait3A_125 = arith.constant 0 : i32
    %dma_wait3A_126 = arith.constant 0 : i32
    %dma_wait3A_127 = tpu.memref_slice %arg4[%dma_wait3A_125, %dma_wait3A_126] : memref<1000001x128xf32, #tpu.memory_space<hbm>> -> memref<1000001x128xf32, #tpu.memory_space<hbm>>
    tpu.wait_indirect_dma semaphore(%arg24 : memref<!tpu.dma_semaphore, #tpu.memory_space<semaphore_mem>>) src(%dma_wait3A_127 : memref<1000001x128xf32, #tpu.memory_space<hbm>>) dst(%arg14 : memref<64x128xf32, #tpu.memory_space<vmem>>)
    %dma_wait3A_128 = arith.constant 64 : i32
    %dma_wait3A_129 = tpu.memref_slice %arg12[%dma_wait3A_128] : memref<256xi32, #tpu.memory_space<vmem>> -> memref<64xi32, #tpu.memory_space<vmem>>
    %dma_wait3A_130 = arith.constant 0 : i32
    %dma_wait3A_131 = arith.constant 0 : i32
    %dma_wait3A_132 = tpu.memref_slice %arg5[%dma_wait3A_130, %dma_wait3A_131] : memref<100001x128xf32, #tpu.memory_space<hbm>> -> memref<100001x128xf32, #tpu.memory_space<hbm>>
    tpu.wait_indirect_dma semaphore(%arg26 : memref<!tpu.dma_semaphore, #tpu.memory_space<semaphore_mem>>) src(%dma_wait3A_132 : memref<100001x128xf32, #tpu.memory_space<hbm>>) dst(%arg16 : memref<64x128xf32, #tpu.memory_space<vmem>>)
    %scan3A_133 = arith.constant 0 : i32
    %scan3A_134 = arith.constant 0 : i32
    %scan3A_135 = arith.constant 64 : i32
    %scan3A_136 = arith.addi %scan3A_134, %scan3A_135 : i32
    %scan3A_137 = arith.constant 1 : i32
    %scan3A_138 = scf.for %scan3A_304 = %scan3A_134 to %scan3A_136 step %scan3A_137 iter_args(%scan3A_305 = %scan3A_133) -> (i32)  : i32 {
      %get3A = arith.index_cast %scan3A_304 : i32 to index
      %get3A_306 = arith.constant 0 : index
      %get3A_307 = tpu.vector_load %arg14[%get3A, %get3A_306] {strides = array<i32>} : memref<64x128xf32, #tpu.memory_space<vmem>>, vector<16xf32>,
      %get3A_308 = arith.index_cast %scan3A_304 : i32 to index
      %get3A_309 = arith.constant 0 : index
      %get3A_310 = tpu.vector_load %arg16[%get3A_308, %get3A_309] {strides = array<i32>} : memref<64x128xf32, #tpu.memory_space<vmem>>, vector<16xf32>,
      %mul3A_311 = arith.mulf %get3A_307, %get3A_310 : vector<16xf32>
      %get3A_312 = arith.index_cast %scan3A_304 : i32 to index
      %get3A_313 = arith.constant 16 : index
      %get3A_314 = tpu.vector_load %arg14[%get3A_312, %get3A_313] {strides = array<i32>} : memref<64x128xf32, #tpu.memory_space<vmem>>, vector<16xf32>,
      %get3A_315 = arith.index_cast %scan3A_304 : i32 to index
      %get3A_316 = arith.constant 16 : index
      %get3A_317 = tpu.vector_load %arg16[%get3A_315, %get3A_316] {strides = array<i32>} : memref<64x128xf32, #tpu.memory_space<vmem>>, vector<16xf32>,
      %mul3A_318 = arith.mulf %get3A_314, %get3A_317 : vector<16xf32>
      %pack3A = tpu.pack_subelements %mul3A_311, %mul3A_318 {pack_format = #tpu.pack_format<interleaved>, positions = array<i32: 0, 1>} : vector<16xf32>, vector<16xf32> -> vector<32xbf16>
      %swap3A = arith.index_cast %scan3A_304 : i32 to index
      %swap3A_319 = arith.constant 0 : index
      %swap3A_320 = tpu.vector_load %arg22[%swap3A, %swap3A_319] {strides = array<i32>} : memref<64x128xbf16, #tpu.memory_space<vmem>>, vector<32xbf16>,
      tpu.vector_store %arg22[%swap3A, %swap3A_319], %pack3A {strides = array<i32>} : memref<64x128xbf16, #tpu.memory_space<vmem>>, vector<32xbf16>,
      %get3A_321 = arith.index_cast %scan3A_304 : i32 to index
      %get3A_322 = arith.constant 32 : index
      %get3A_323 = tpu.vector_load %arg14[%get3A_321, %get3A_322] {strides = array<i32>} : memref<64x128xf32, #tpu.memory_space<vmem>>, vector<16xf32>,
      %get3A_324 = arith.index_cast %scan3A_304 : i32 to index
      %get3A_325 = arith.constant 32 : index
      %get3A_326 = tpu.vector_load %arg16[%get3A_324, %get3A_325] {strides = array<i32>} : memref<64x128xf32, #tpu.memory_space<vmem>>, vector<16xf32>,
      %mul3A_327 = arith.mulf %get3A_323, %get3A_326 : vector<16xf32>
      %get3A_328 = arith.index_cast %scan3A_304 : i32 to index
      %get3A_329 = arith.constant 48 : index
      %get3A_330 = tpu.vector_load %arg14[%get3A_328, %get3A_329] {strides = array<i32>} : memref<64x128xf32, #tpu.memory_space<vmem>>, vector<16xf32>,
      %get3A_331 = arith.index_cast %scan3A_304 : i32 to index
      %get3A_332 = arith.constant 48 : index
      %get3A_333 = tpu.vector_load %arg16[%get3A_331, %get3A_332] {strides = array<i32>} : memref<64x128xf32, #tpu.memory_space<vmem>>, vector<16xf32>,
      %mul3A_334 = arith.mulf %get3A_330, %get3A_333 : vector<16xf32>
      %pack3A_335 = tpu.pack_subelements %mul3A_327, %mul3A_334 {pack_format = #tpu.pack_format<interleaved>, positions = array<i32: 0, 1>} : vector<16xf32>, vector<16xf32> -> vector<32xbf16>
      %swap3A_336 = arith.index_cast %scan3A_304 : i32 to index
      %swap3A_337 = arith.constant 32 : index
      %swap3A_338 = tpu.vector_load %arg22[%swap3A_336, %swap3A_337] {strides = array<i32>} : memref<64x128xbf16, #tpu.memory_space<vmem>>, vector<32xbf16>,
      tpu.vector_store %arg22[%swap3A_336, %swap3A_337], %pack3A_335 {strides = array<i32>} : memref<64x128xbf16, #tpu.memory_space<vmem>>, vector<32xbf16>,
      %get3A_339 = arith.index_cast %scan3A_304 : i32 to index
      %get3A_340 = arith.constant 64 : index
      %get3A_341 = tpu.vector_load %arg14[%get3A_339, %get3A_340] {strides = array<i32>} : memref<64x128xf32, #tpu.memory_space<vmem>>, vector<16xf32>,
      %get3A_342 = arith.index_cast %scan3A_304 : i32 to index
      %get3A_343 = arith.constant 64 : index
      %get3A_344 = tpu.vector_load %arg16[%get3A_342, %get3A_343] {strides = array<i32>} : memref<64x128xf32, #tpu.memory_space<vmem>>, vector<16xf32>,
      %mul3A_345 = arith.mulf %get3A_341, %get3A_344 : vector<16xf32>
      %get3A_346 = arith.index_cast %scan3A_304 : i32 to index
      %get3A_347 = arith.constant 80 : index
      %get3A_348 = tpu.vector_load %arg14[%get3A_346, %get3A_347] {strides = array<i32>} : memref<64x128xf32, #tpu.memory_space<vmem>>, vector<16xf32>,
      %get3A_349 = arith.index_cast %scan3A_304 : i32 to index
      %get3A_350 = arith.constant 80 : index
      %get3A_351 = tpu.vector_load %arg16[%get3A_349, %get3A_350] {strides = array<i32>} : memref<64x128xf32, #tpu.memory_space<vmem>>, vector<16xf32>,
      %mul3A_352 = arith.mulf %get3A_348, %get3A_351 : vector<16xf32>
      %pack3A_353 = tpu.pack_subelements %mul3A_345, %mul3A_352 {pack_format = #tpu.pack_format<interleaved>, positions = array<i32: 0, 1>} : vector<16xf32>, vector<16xf32> -> vector<32xbf16>
      %swap3A_354 = arith.index_cast %scan3A_304 : i32 to index
      %swap3A_355 = arith.constant 64 : index
      %swap3A_356 = tpu.vector_load %arg22[%swap3A_354, %swap3A_355] {strides = array<i32>} : memref<64x128xbf16, #tpu.memory_space<vmem>>, vector<32xbf16>,
      tpu.vector_store %arg22[%swap3A_354, %swap3A_355], %pack3A_353 {strides = array<i32>} : memref<64x128xbf16, #tpu.memory_space<vmem>>, vector<32xbf16>,
      %get3A_357 = arith.index_cast %scan3A_304 : i32 to index
      %get3A_358 = arith.constant 96 : index
      %get3A_359 = tpu.vector_load %arg14[%get3A_357, %get3A_358] {strides = array<i32>} : memref<64x128xf32, #tpu.memory_space<vmem>>, vector<16xf32>,
      %get3A_360 = arith.index_cast %scan3A_304 : i32 to index
      %get3A_361 = arith.constant 96 : index
      %get3A_362 = tpu.vector_load %arg16[%get3A_360, %get3A_361] {strides = array<i32>} : memref<64x128xf32, #tpu.memory_space<vmem>>, vector<16xf32>,
      %mul3A_363 = arith.mulf %get3A_359, %get3A_362 : vector<16xf32>
      %get3A_364 = arith.index_cast %scan3A_304 : i32 to index
      %get3A_365 = arith.constant 112 : index
      %get3A_366 = tpu.vector_load %arg14[%get3A_364, %get3A_365] {strides = array<i32>} : memref<64x128xf32, #tpu.memory_space<vmem>>, vector<16xf32>,
      %get3A_367 = arith.index_cast %scan3A_304 : i32 to index
      %get3A_368 = arith.constant 112 : index
      %get3A_369 = tpu.vector_load %arg16[%get3A_367, %get3A_368] {strides = array<i32>} : memref<64x128xf32, #tpu.memory_space<vmem>>, vector<16xf32>,
      %mul3A_370 = arith.mulf %get3A_366, %get3A_369 : vector<16xf32>
      %pack3A_371 = tpu.pack_subelements %mul3A_363, %mul3A_370 {pack_format = #tpu.pack_format<interleaved>, positions = array<i32: 0, 1>} : vector<16xf32>, vector<16xf32> -> vector<32xbf16>
      %swap3A_372 = arith.index_cast %scan3A_304 : i32 to index
      %swap3A_373 = arith.constant 96 : index
      %swap3A_374 = tpu.vector_load %arg22[%swap3A_372, %swap3A_373] {strides = array<i32>} : memref<64x128xbf16, #tpu.memory_space<vmem>>, vector<32xbf16>,
      tpu.vector_store %arg22[%swap3A_372, %swap3A_373], %pack3A_371 {strides = array<i32>} : memref<64x128xbf16, #tpu.memory_space<vmem>>, vector<32xbf16>,
      %scan3A_375 = arith.constant 0 : i32
      scf.yield %scan3A_375 : i32
    }
    %scan3A_139 = arith.constant 64 : i32
    %dma_start3A_140 = arith.constant 0 : i32
    %dma_start3A_141 = tpu.memref_slice %arg8[%add3A_122, %dma_start3A_140] : memref<16384x128xbf16, #tpu.memory_space<hbm>> -> memref<64x128xbf16, #tpu.memory_space<hbm>>
    %dma_start3A_142 = arith.constant 0 : i32
    %dma_start3A_143 = tpu.memref_slice %arg8[%add3A_122, %dma_start3A_142] : memref<16384x128xbf16, #tpu.memory_space<hbm>> -> memref<64x128xbf16, #tpu.memory_space<hbm>>
    tpu.enqueue_dma source(%arg22 : memref<64x128xbf16, #tpu.memory_space<vmem>>) target(%dma_start3A_143 : memref<64x128xbf16, #tpu.memory_space<hbm>>) target_semaphore(%arg32 : memref<!tpu.dma_semaphore, #tpu.memory_space<semaphore_mem>>)
    %dma_wait3A_144 = arith.constant 64 : i32
    %dma_wait3A_145 = tpu.memref_slice %arg11[%dma_wait3A_144] : memref<256xi32, #tpu.memory_space<vmem>> -> memref<64xi32, #tpu.memory_space<vmem>>
    %dma_wait3A_146 = arith.constant 0 : i32
    %dma_wait3A_147 = arith.constant 0 : i32
    %dma_wait3A_148 = tpu.memref_slice %arg6[%dma_wait3A_146, %dma_wait3A_147] : memref<1000001x128xf32, #tpu.memory_space<hbm>> -> memref<1000001x128xf32, #tpu.memory_space<hbm>>
    tpu.wait_indirect_dma semaphore(%arg28 : memref<!tpu.dma_semaphore, #tpu.memory_space<semaphore_mem>>) src(%dma_wait3A_148 : memref<1000001x128xf32, #tpu.memory_space<hbm>>) dst(%arg18 : memref<64x128xf32, #tpu.memory_space<vmem>>)
    %dma_start3A_149 = arith.constant 0 : i32
    %dma_start3A_150 = tpu.memref_slice %arg9[%add3A_122, %dma_start3A_149] : memref<16384x128xf32, #tpu.memory_space<hbm>> -> memref<64x128xf32, #tpu.memory_space<hbm>>
    %dma_start3A_151 = arith.constant 0 : i32
    %dma_start3A_152 = tpu.memref_slice %arg9[%add3A_122, %dma_start3A_151] : memref<16384x128xf32, #tpu.memory_space<hbm>> -> memref<64x128xf32, #tpu.memory_space<hbm>>
    tpu.enqueue_dma source(%arg18 : memref<64x128xf32, #tpu.memory_space<vmem>>) target(%dma_start3A_152 : memref<64x128xf32, #tpu.memory_space<hbm>>) target_semaphore(%arg34 : memref<!tpu.dma_semaphore, #tpu.memory_space<semaphore_mem>>)
    %dma_wait3A_153 = arith.constant 64 : i32
    %dma_wait3A_154 = tpu.memref_slice %arg12[%dma_wait3A_153] : memref<256xi32, #tpu.memory_space<vmem>> -> memref<64xi32, #tpu.memory_space<vmem>>
    %dma_wait3A_155 = arith.constant 0 : i32
    %dma_wait3A_156 = arith.constant 0 : i32
    %dma_wait3A_157 = tpu.memref_slice %arg7[%dma_wait3A_155, %dma_wait3A_156] : memref<100001x128xf32, #tpu.memory_space<hbm>> -> memref<100001x128xf32, #tpu.memory_space<hbm>>
    tpu.wait_indirect_dma semaphore(%arg30 : memref<!tpu.dma_semaphore, #tpu.memory_space<semaphore_mem>>) src(%dma_wait3A_157 : memref<100001x128xf32, #tpu.memory_space<hbm>>) dst(%arg20 : memref<64x128xf32, #tpu.memory_space<vmem>>)
    %dma_start3A_158 = arith.constant 0 : i32
    %dma_start3A_159 = tpu.memref_slice %arg10[%add3A_122, %dma_start3A_158] : memref<16384x128xf32, #tpu.memory_space<hbm>> -> memref<64x128xf32, #tpu.memory_space<hbm>>
    %dma_start3A_160 = arith.constant 0 : i32
    %dma_start3A_161 = tpu.memref_slice %arg10[%add3A_122, %dma_start3A_160] : memref<16384x128xf32, #tpu.memory_space<hbm>> -> memref<64x128xf32, #tpu.memory_space<hbm>>
    tpu.enqueue_dma source(%arg20 : memref<64x128xf32, #tpu.memory_space<vmem>>) target(%dma_start3A_161 : memref<64x128xf32, #tpu.memory_space<hbm>>) target_semaphore(%arg36 : memref<!tpu.dma_semaphore, #tpu.memory_space<semaphore_mem>>)
    %dma_wait3A_162 = arith.constant 0 : i32
    %dma_wait3A_163 = tpu.memref_slice %arg8[%add3A_122, %dma_wait3A_162] : memref<16384x128xbf16, #tpu.memory_space<hbm>> -> memref<64x128xbf16, #tpu.memory_space<hbm>>
    %dma_wait3A_164 = arith.constant 0 : i32
    %dma_wait3A_165 = tpu.memref_slice %arg8[%add3A_122, %dma_wait3A_164] : memref<16384x128xbf16, #tpu.memory_space<hbm>> -> memref<64x128xbf16, #tpu.memory_space<hbm>>
    tpu.wait_dma2 semaphore(%arg32 : memref<!tpu.dma_semaphore, #tpu.memory_space<semaphore_mem>>) src(%arg22 : memref<64x128xbf16, #tpu.memory_space<vmem>>) dst(%dma_wait3A_165 : memref<64x128xbf16, #tpu.memory_space<hbm>>)
    %dma_wait3A_166 = arith.constant 0 : i32
    %dma_wait3A_167 = tpu.memref_slice %arg9[%add3A_122, %dma_wait3A_166] : memref<16384x128xf32, #tpu.memory_space<hbm>> -> memref<64x128xf32, #tpu.memory_space<hbm>>
    %dma_wait3A_168 = arith.constant 0 : i32
    %dma_wait3A_169 = tpu.memref_slice %arg9[%add3A_122, %dma_wait3A_168] : memref<16384x128xf32, #tpu.memory_space<hbm>> -> memref<64x128xf32, #tpu.memory_space<hbm>>
    tpu.wait_dma2 semaphore(%arg34 : memref<!tpu.dma_semaphore, #tpu.memory_space<semaphore_mem>>) src(%arg18 : memref<64x128xf32, #tpu.memory_space<vmem>>) dst(%dma_wait3A_169 : memref<64x128xf32, #tpu.memory_space<hbm>>)
    %dma_wait3A_170 = arith.constant 0 : i32
    %dma_wait3A_171 = tpu.memref_slice %arg10[%add3A_122, %dma_wait3A_170] : memref<16384x128xf32, #tpu.memory_space<hbm>> -> memref<64x128xf32, #tpu.memory_space<hbm>>
    %dma_wait3A_172 = arith.constant 0 : i32
    %dma_wait3A_173 = tpu.memref_slice %arg10[%add3A_122, %dma_wait3A_172] : memref<16384x128xf32, #tpu.memory_space<hbm>> -> memref<64x128xf32, #tpu.memory_space<hbm>>
    tpu.wait_dma2 semaphore(%arg36 : memref<!tpu.dma_semaphore, #tpu.memory_space<semaphore_mem>>) src(%arg20 : memref<64x128xf32, #tpu.memory_space<vmem>>) dst(%dma_wait3A_173 : memref<64x128xf32, #tpu.memory_space<hbm>>)
    %dma_start3A_174 = arith.constant 192 : i32
    %dma_start3A_175 = tpu.memref_slice %arg11[%dma_start3A_174] : memref<256xi32, #tpu.memory_space<vmem>> -> memref<64xi32, #tpu.memory_space<vmem>>
    %dma_start3A_176 = arith.constant 0 : i32
    %dma_start3A_177 = arith.constant 0 : i32
    %dma_start3A_178 = tpu.memref_slice %arg4[%dma_start3A_176, %dma_start3A_177] : memref<1000001x128xf32, #tpu.memory_space<hbm>> -> memref<1000001x128xf32, #tpu.memory_space<hbm>>
    tpu.enqueue_indirect_dma source(%dma_start3A_178 : memref<1000001x128xf32, #tpu.memory_space<hbm>>) target(%arg14 : memref<64x128xf32, #tpu.memory_space<vmem>>) offsets(%dma_start3A_175 : memref<64xi32, #tpu.memory_space<vmem>>) semaphore(%arg24 : memref<!tpu.dma_semaphore, #tpu.memory_space<semaphore_mem>>)
    %dma_start3A_179 = arith.constant 192 : i32
    %dma_start3A_180 = tpu.memref_slice %arg12[%dma_start3A_179] : memref<256xi32, #tpu.memory_space<vmem>> -> memref<64xi32, #tpu.memory_space<vmem>>
    %dma_start3A_181 = arith.constant 0 : i32
    %dma_start3A_182 = arith.constant 0 : i32
    %dma_start3A_183 = tpu.memref_slice %arg5[%dma_start3A_181, %dma_start3A_182] : memref<100001x128xf32, #tpu.memory_space<hbm>> -> memref<100001x128xf32, #tpu.memory_space<hbm>>
    tpu.enqueue_indirect_dma source(%dma_start3A_183 : memref<100001x128xf32, #tpu.memory_space<hbm>>) target(%arg16 : memref<64x128xf32, #tpu.memory_space<vmem>>) offsets(%dma_start3A_180 : memref<64xi32, #tpu.memory_space<vmem>>) semaphore(%arg26 : memref<!tpu.dma_semaphore, #tpu.memory_space<semaphore_mem>>)
    %dma_start3A_184 = arith.constant 192 : i32
    %dma_start3A_185 = tpu.memref_slice %arg11[%dma_start3A_184] : memref<256xi32, #tpu.memory_space<vmem>> -> memref<64xi32, #tpu.memory_space<vmem>>
    %dma_start3A_186 = arith.constant 0 : i32
    %dma_start3A_187 = arith.constant 0 : i32
    %dma_start3A_188 = tpu.memref_slice %arg6[%dma_start3A_186, %dma_start3A_187] : memref<1000001x128xf32, #tpu.memory_space<hbm>> -> memref<1000001x128xf32, #tpu.memory_space<hbm>>
    tpu.enqueue_indirect_dma source(%dma_start3A_188 : memref<1000001x128xf32, #tpu.memory_space<hbm>>) target(%arg18 : memref<64x128xf32, #tpu.memory_space<vmem>>) offsets(%dma_start3A_185 : memref<64xi32, #tpu.memory_space<vmem>>) semaphore(%arg28 : memref<!tpu.dma_semaphore, #tpu.memory_space<semaphore_mem>>)
    %dma_start3A_189 = arith.constant 192 : i32
    %dma_start3A_190 = tpu.memref_slice %arg12[%dma_start3A_189] : memref<256xi32, #tpu.memory_space<vmem>> -> memref<64xi32, #tpu.memory_space<vmem>>
    %dma_start3A_191 = arith.constant 0 : i32
    %dma_start3A_192 = arith.constant 0 : i32
    %dma_start3A_193 = tpu.memref_slice %arg7[%dma_start3A_191, %dma_start3A_192] : memref<100001x128xf32, #tpu.memory_space<hbm>> -> memref<100001x128xf32, #tpu.memory_space<hbm>>
    tpu.enqueue_indirect_dma source(%dma_start3A_193 : memref<100001x128xf32, #tpu.memory_space<hbm>>) target(%arg20 : memref<64x128xf32, #tpu.memory_space<vmem>>) offsets(%dma_start3A_190 : memref<64xi32, #tpu.memory_space<vmem>>) semaphore(%arg30 : memref<!tpu.dma_semaphore, #tpu.memory_space<semaphore_mem>>)
    %add3A_194 = arith.constant 8192 : i32
    %add3A_195 = arith.addi %add3A_194, %mul3A_2 : i32
    %add3A_196 = arith.constant 128 : i32
    %add3A_197 = arith.addi %add3A_195, %add3A_196 : i32
    %dma_wait3A_198 = arith.constant 128 : i32
    %dma_wait3A_199 = tpu.memref_slice %arg11[%dma_wait3A_198] : memref<256xi32, #tpu.memory_space<vmem>> -> memref<64xi32, #tpu.memory_space<vmem>>
    %dma_wait3A_200 = arith.constant 0 : i32
    %dma_wait3A_201 = arith.constant 0 : i32
    %dma_wait3A_202 = tpu.memref_slice %arg4[%dma_wait3A_200, %dma_wait3A_201] : memref<1000001x128xf32, #tpu.memory_space<hbm>> -> memref<1000001x128xf32, #tpu.memory_space<hbm>>
    tpu.wait_indirect_dma semaphore(%arg23 : memref<!tpu.dma_semaphore, #tpu.memory_space<semaphore_mem>>) src(%dma_wait3A_202 : memref<1000001x128xf32, #tpu.memory_space<hbm>>) dst(%arg13 : memref<64x128xf32, #tpu.memory_space<vmem>>)
    %dma_wait3A_203 = arith.constant 128 : i32
    %dma_wait3A_204 = tpu.memref_slice %arg12[%dma_wait3A_203] : memref<256xi32, #tpu.memory_space<vmem>> -> memref<64xi32, #tpu.memory_space<vmem>>
    %dma_wait3A_205 = arith.constant 0 : i32
    %dma_wait3A_206 = arith.constant 0 : i32
    %dma_wait3A_207 = tpu.memref_slice %arg5[%dma_wait3A_205, %dma_wait3A_206] : memref<100001x128xf32, #tpu.memory_space<hbm>> -> memref<100001x128xf32, #tpu.memory_space<hbm>>
    tpu.wait_indirect_dma semaphore(%arg25 : memref<!tpu.dma_semaphore, #tpu.memory_space<semaphore_mem>>) src(%dma_wait3A_207 : memref<100001x128xf32, #tpu.memory_space<hbm>>) dst(%arg15 : memref<64x128xf32, #tpu.memory_space<vmem>>)
    %scan3A_208 = arith.constant 0 : i32
    %scan3A_209 = arith.constant 0 : i32
    %scan3A_210 = arith.constant 64 : i32
    %scan3A_211 = arith.addi %scan3A_209, %scan3A_210 : i32
    %scan3A_212 = arith.constant 1 : i32
    %scan3A_213 = scf.for %scan3A_304 = %scan3A_209 to %scan3A_211 step %scan3A_212 iter_args(%scan3A_305 = %scan3A_208) -> (i32)  : i32 {
      %get3A = arith.index_cast %scan3A_304 : i32 to index
      %get3A_306 = arith.constant 0 : index
      %get3A_307 = tpu.vector_load %arg13[%get3A, %get3A_306] {strides = array<i32>} : memref<64x128xf32, #tpu.memory_space<vmem>>, vector<16xf32>,
      %get3A_308 = arith.index_cast %scan3A_304 : i32 to index
      %get3A_309 = arith.constant 0 : index
      %get3A_310 = tpu.vector_load %arg15[%get3A_308, %get3A_309] {strides = array<i32>} : memref<64x128xf32, #tpu.memory_space<vmem>>, vector<16xf32>,
      %mul3A_311 = arith.mulf %get3A_307, %get3A_310 : vector<16xf32>
      %get3A_312 = arith.index_cast %scan3A_304 : i32 to index
      %get3A_313 = arith.constant 16 : index
      %get3A_314 = tpu.vector_load %arg13[%get3A_312, %get3A_313] {strides = array<i32>} : memref<64x128xf32, #tpu.memory_space<vmem>>, vector<16xf32>,
      %get3A_315 = arith.index_cast %scan3A_304 : i32 to index
      %get3A_316 = arith.constant 16 : index
      %get3A_317 = tpu.vector_load %arg15[%get3A_315, %get3A_316] {strides = array<i32>} : memref<64x128xf32, #tpu.memory_space<vmem>>, vector<16xf32>,
      %mul3A_318 = arith.mulf %get3A_314, %get3A_317 : vector<16xf32>
      %pack3A = tpu.pack_subelements %mul3A_311, %mul3A_318 {pack_format = #tpu.pack_format<interleaved>, positions = array<i32: 0, 1>} : vector<16xf32>, vector<16xf32> -> vector<32xbf16>
      %swap3A = arith.index_cast %scan3A_304 : i32 to index
      %swap3A_319 = arith.constant 0 : index
      %swap3A_320 = tpu.vector_load %arg21[%swap3A, %swap3A_319] {strides = array<i32>} : memref<64x128xbf16, #tpu.memory_space<vmem>>, vector<32xbf16>,
      tpu.vector_store %arg21[%swap3A, %swap3A_319], %pack3A {strides = array<i32>} : memref<64x128xbf16, #tpu.memory_space<vmem>>, vector<32xbf16>,
      %get3A_321 = arith.index_cast %scan3A_304 : i32 to index
      %get3A_322 = arith.constant 32 : index
      %get3A_323 = tpu.vector_load %arg13[%get3A_321, %get3A_322] {strides = array<i32>} : memref<64x128xf32, #tpu.memory_space<vmem>>, vector<16xf32>,
      %get3A_324 = arith.index_cast %scan3A_304 : i32 to index
      %get3A_325 = arith.constant 32 : index
      %get3A_326 = tpu.vector_load %arg15[%get3A_324, %get3A_325] {strides = array<i32>} : memref<64x128xf32, #tpu.memory_space<vmem>>, vector<16xf32>,
      %mul3A_327 = arith.mulf %get3A_323, %get3A_326 : vector<16xf32>
      %get3A_328 = arith.index_cast %scan3A_304 : i32 to index
      %get3A_329 = arith.constant 48 : index
      %get3A_330 = tpu.vector_load %arg13[%get3A_328, %get3A_329] {strides = array<i32>} : memref<64x128xf32, #tpu.memory_space<vmem>>, vector<16xf32>,
      %get3A_331 = arith.index_cast %scan3A_304 : i32 to index
      %get3A_332 = arith.constant 48 : index
      %get3A_333 = tpu.vector_load %arg15[%get3A_331, %get3A_332] {strides = array<i32>} : memref<64x128xf32, #tpu.memory_space<vmem>>, vector<16xf32>,
      %mul3A_334 = arith.mulf %get3A_330, %get3A_333 : vector<16xf32>
      %pack3A_335 = tpu.pack_subelements %mul3A_327, %mul3A_334 {pack_format = #tpu.pack_format<interleaved>, positions = array<i32: 0, 1>} : vector<16xf32>, vector<16xf32> -> vector<32xbf16>
      %swap3A_336 = arith.index_cast %scan3A_304 : i32 to index
      %swap3A_337 = arith.constant 32 : index
      %swap3A_338 = tpu.vector_load %arg21[%swap3A_336, %swap3A_337] {strides = array<i32>} : memref<64x128xbf16, #tpu.memory_space<vmem>>, vector<32xbf16>,
      tpu.vector_store %arg21[%swap3A_336, %swap3A_337], %pack3A_335 {strides = array<i32>} : memref<64x128xbf16, #tpu.memory_space<vmem>>, vector<32xbf16>,
      %get3A_339 = arith.index_cast %scan3A_304 : i32 to index
      %get3A_340 = arith.constant 64 : index
      %get3A_341 = tpu.vector_load %arg13[%get3A_339, %get3A_340] {strides = array<i32>} : memref<64x128xf32, #tpu.memory_space<vmem>>, vector<16xf32>,
      %get3A_342 = arith.index_cast %scan3A_304 : i32 to index
      %get3A_343 = arith.constant 64 : index
      %get3A_344 = tpu.vector_load %arg15[%get3A_342, %get3A_343] {strides = array<i32>} : memref<64x128xf32, #tpu.memory_space<vmem>>, vector<16xf32>,
      %mul3A_345 = arith.mulf %get3A_341, %get3A_344 : vector<16xf32>
      %get3A_346 = arith.index_cast %scan3A_304 : i32 to index
      %get3A_347 = arith.constant 80 : index
      %get3A_348 = tpu.vector_load %arg13[%get3A_346, %get3A_347] {strides = array<i32>} : memref<64x128xf32, #tpu.memory_space<vmem>>, vector<16xf32>,
      %get3A_349 = arith.index_cast %scan3A_304 : i32 to index
      %get3A_350 = arith.constant 80 : index
      %get3A_351 = tpu.vector_load %arg15[%get3A_349, %get3A_350] {strides = array<i32>} : memref<64x128xf32, #tpu.memory_space<vmem>>, vector<16xf32>,
      %mul3A_352 = arith.mulf %get3A_348, %get3A_351 : vector<16xf32>
      %pack3A_353 = tpu.pack_subelements %mul3A_345, %mul3A_352 {pack_format = #tpu.pack_format<interleaved>, positions = array<i32: 0, 1>} : vector<16xf32>, vector<16xf32> -> vector<32xbf16>
      %swap3A_354 = arith.index_cast %scan3A_304 : i32 to index
      %swap3A_355 = arith.constant 64 : index
      %swap3A_356 = tpu.vector_load %arg21[%swap3A_354, %swap3A_355] {strides = array<i32>} : memref<64x128xbf16, #tpu.memory_space<vmem>>, vector<32xbf16>,
      tpu.vector_store %arg21[%swap3A_354, %swap3A_355], %pack3A_353 {strides = array<i32>} : memref<64x128xbf16, #tpu.memory_space<vmem>>, vector<32xbf16>,
      %get3A_357 = arith.index_cast %scan3A_304 : i32 to index
      %get3A_358 = arith.constant 96 : index
      %get3A_359 = tpu.vector_load %arg13[%get3A_357, %get3A_358] {strides = array<i32>} : memref<64x128xf32, #tpu.memory_space<vmem>>, vector<16xf32>,
      %get3A_360 = arith.index_cast %scan3A_304 : i32 to index
      %get3A_361 = arith.constant 96 : index
      %get3A_362 = tpu.vector_load %arg15[%get3A_360, %get3A_361] {strides = array<i32>} : memref<64x128xf32, #tpu.memory_space<vmem>>, vector<16xf32>,
      %mul3A_363 = arith.mulf %get3A_359, %get3A_362 : vector<16xf32>
      %get3A_364 = arith.index_cast %scan3A_304 : i32 to index
      %get3A_365 = arith.constant 112 : index
      %get3A_366 = tpu.vector_load %arg13[%get3A_364, %get3A_365] {strides = array<i32>} : memref<64x128xf32, #tpu.memory_space<vmem>>, vector<16xf32>,
      %get3A_367 = arith.index_cast %scan3A_304 : i32 to index
      %get3A_368 = arith.constant 112 : index
      %get3A_369 = tpu.vector_load %arg15[%get3A_367, %get3A_368] {strides = array<i32>} : memref<64x128xf32, #tpu.memory_space<vmem>>, vector<16xf32>,
      %mul3A_370 = arith.mulf %get3A_366, %get3A_369 : vector<16xf32>
      %pack3A_371 = tpu.pack_subelements %mul3A_363, %mul3A_370 {pack_format = #tpu.pack_format<interleaved>, positions = array<i32: 0, 1>} : vector<16xf32>, vector<16xf32> -> vector<32xbf16>
      %swap3A_372 = arith.index_cast %scan3A_304 : i32 to index
      %swap3A_373 = arith.constant 96 : index
      %swap3A_374 = tpu.vector_load %arg21[%swap3A_372, %swap3A_373] {strides = array<i32>} : memref<64x128xbf16, #tpu.memory_space<vmem>>, vector<32xbf16>,
      tpu.vector_store %arg21[%swap3A_372, %swap3A_373], %pack3A_371 {strides = array<i32>} : memref<64x128xbf16, #tpu.memory_space<vmem>>, vector<32xbf16>,
      %scan3A_375 = arith.constant 0 : i32
      scf.yield %scan3A_375 : i32
    }
    %scan3A_214 = arith.constant 64 : i32
    %dma_start3A_215 = arith.constant 0 : i32
    %dma_start3A_216 = tpu.memref_slice %arg8[%add3A_197, %dma_start3A_215] : memref<16384x128xbf16, #tpu.memory_space<hbm>> -> memref<64x128xbf16, #tpu.memory_space<hbm>>
    %dma_start3A_217 = arith.constant 0 : i32
    %dma_start3A_218 = tpu.memref_slice %arg8[%add3A_197, %dma_start3A_217] : memref<16384x128xbf16, #tpu.memory_space<hbm>> -> memref<64x128xbf16, #tpu.memory_space<hbm>>
    tpu.enqueue_dma source(%arg21 : memref<64x128xbf16, #tpu.memory_space<vmem>>) target(%dma_start3A_218 : memref<64x128xbf16, #tpu.memory_space<hbm>>) target_semaphore(%arg31 : memref<!tpu.dma_semaphore, #tpu.memory_space<semaphore_mem>>)
    %dma_wait3A_219 = arith.constant 128 : i32
    %dma_wait3A_220 = tpu.memref_slice %arg11[%dma_wait3A_219] : memref<256xi32, #tpu.memory_space<vmem>> -> memref<64xi32, #tpu.memory_space<vmem>>
    %dma_wait3A_221 = arith.constant 0 : i32
    %dma_wait3A_222 = arith.constant 0 : i32
    %dma_wait3A_223 = tpu.memref_slice %arg6[%dma_wait3A_221, %dma_wait3A_222] : memref<1000001x128xf32, #tpu.memory_space<hbm>> -> memref<1000001x128xf32, #tpu.memory_space<hbm>>
    tpu.wait_indirect_dma semaphore(%arg27 : memref<!tpu.dma_semaphore, #tpu.memory_space<semaphore_mem>>) src(%dma_wait3A_223 : memref<1000001x128xf32, #tpu.memory_space<hbm>>) dst(%arg17 : memref<64x128xf32, #tpu.memory_space<vmem>>)
    %dma_start3A_224 = arith.constant 0 : i32
    %dma_start3A_225 = tpu.memref_slice %arg9[%add3A_197, %dma_start3A_224] : memref<16384x128xf32, #tpu.memory_space<hbm>> -> memref<64x128xf32, #tpu.memory_space<hbm>>
    %dma_start3A_226 = arith.constant 0 : i32
    %dma_start3A_227 = tpu.memref_slice %arg9[%add3A_197, %dma_start3A_226] : memref<16384x128xf32, #tpu.memory_space<hbm>> -> memref<64x128xf32, #tpu.memory_space<hbm>>
    tpu.enqueue_dma source(%arg17 : memref<64x128xf32, #tpu.memory_space<vmem>>) target(%dma_start3A_227 : memref<64x128xf32, #tpu.memory_space<hbm>>) target_semaphore(%arg33 : memref<!tpu.dma_semaphore, #tpu.memory_space<semaphore_mem>>)
    %dma_wait3A_228 = arith.constant 128 : i32
    %dma_wait3A_229 = tpu.memref_slice %arg12[%dma_wait3A_228] : memref<256xi32, #tpu.memory_space<vmem>> -> memref<64xi32, #tpu.memory_space<vmem>>
    %dma_wait3A_230 = arith.constant 0 : i32
    %dma_wait3A_231 = arith.constant 0 : i32
    %dma_wait3A_232 = tpu.memref_slice %arg7[%dma_wait3A_230, %dma_wait3A_231] : memref<100001x128xf32, #tpu.memory_space<hbm>> -> memref<100001x128xf32, #tpu.memory_space<hbm>>
    tpu.wait_indirect_dma semaphore(%arg29 : memref<!tpu.dma_semaphore, #tpu.memory_space<semaphore_mem>>) src(%dma_wait3A_232 : memref<100001x128xf32, #tpu.memory_space<hbm>>) dst(%arg19 : memref<64x128xf32, #tpu.memory_space<vmem>>)
    %dma_start3A_233 = arith.constant 0 : i32
    %dma_start3A_234 = tpu.memref_slice %arg10[%add3A_197, %dma_start3A_233] : memref<16384x128xf32, #tpu.memory_space<hbm>> -> memref<64x128xf32, #tpu.memory_space<hbm>>
    %dma_start3A_235 = arith.constant 0 : i32
    %dma_start3A_236 = tpu.memref_slice %arg10[%add3A_197, %dma_start3A_235] : memref<16384x128xf32, #tpu.memory_space<hbm>> -> memref<64x128xf32, #tpu.memory_space<hbm>>
    tpu.enqueue_dma source(%arg19 : memref<64x128xf32, #tpu.memory_space<vmem>>) target(%dma_start3A_236 : memref<64x128xf32, #tpu.memory_space<hbm>>) target_semaphore(%arg35 : memref<!tpu.dma_semaphore, #tpu.memory_space<semaphore_mem>>)
    %add3A_237 = arith.constant 8192 : i32
    %add3A_238 = arith.addi %add3A_237, %mul3A_2 : i32
    %add3A_239 = arith.constant 192 : i32
    %add3A_240 = arith.addi %add3A_238, %add3A_239 : i32
    %dma_wait3A_241 = arith.constant 192 : i32
    %dma_wait3A_242 = tpu.memref_slice %arg11[%dma_wait3A_241] : memref<256xi32, #tpu.memory_space<vmem>> -> memref<64xi32, #tpu.memory_space<vmem>>
    %dma_wait3A_243 = arith.constant 0 : i32
    %dma_wait3A_244 = arith.constant 0 : i32
    %dma_wait3A_245 = tpu.memref_slice %arg4[%dma_wait3A_243, %dma_wait3A_244] : memref<1000001x128xf32, #tpu.memory_space<hbm>> -> memref<1000001x128xf32, #tpu.memory_space<hbm>>
    tpu.wait_indirect_dma semaphore(%arg24 : memref<!tpu.dma_semaphore, #tpu.memory_space<semaphore_mem>>) src(%dma_wait3A_245 : memref<1000001x128xf32, #tpu.memory_space<hbm>>) dst(%arg14 : memref<64x128xf32, #tpu.memory_space<vmem>>)
    %dma_wait3A_246 = arith.constant 192 : i32
    %dma_wait3A_247 = tpu.memref_slice %arg12[%dma_wait3A_246] : memref<256xi32, #tpu.memory_space<vmem>> -> memref<64xi32, #tpu.memory_space<vmem>>
    %dma_wait3A_248 = arith.constant 0 : i32
    %dma_wait3A_249 = arith.constant 0 : i32
    %dma_wait3A_250 = tpu.memref_slice %arg5[%dma_wait3A_248, %dma_wait3A_249] : memref<100001x128xf32, #tpu.memory_space<hbm>> -> memref<100001x128xf32, #tpu.memory_space<hbm>>
    tpu.wait_indirect_dma semaphore(%arg26 : memref<!tpu.dma_semaphore, #tpu.memory_space<semaphore_mem>>) src(%dma_wait3A_250 : memref<100001x128xf32, #tpu.memory_space<hbm>>) dst(%arg16 : memref<64x128xf32, #tpu.memory_space<vmem>>)
    %scan3A_251 = arith.constant 0 : i32
    %scan3A_252 = arith.constant 0 : i32
    %scan3A_253 = arith.constant 64 : i32
    %scan3A_254 = arith.addi %scan3A_252, %scan3A_253 : i32
    %scan3A_255 = arith.constant 1 : i32
    %scan3A_256 = scf.for %scan3A_304 = %scan3A_252 to %scan3A_254 step %scan3A_255 iter_args(%scan3A_305 = %scan3A_251) -> (i32)  : i32 {
      %get3A = arith.index_cast %scan3A_304 : i32 to index
      %get3A_306 = arith.constant 0 : index
      %get3A_307 = tpu.vector_load %arg14[%get3A, %get3A_306] {strides = array<i32>} : memref<64x128xf32, #tpu.memory_space<vmem>>, vector<16xf32>,
      %get3A_308 = arith.index_cast %scan3A_304 : i32 to index
      %get3A_309 = arith.constant 0 : index
      %get3A_310 = tpu.vector_load %arg16[%get3A_308, %get3A_309] {strides = array<i32>} : memref<64x128xf32, #tpu.memory_space<vmem>>, vector<16xf32>,
      %mul3A_311 = arith.mulf %get3A_307, %get3A_310 : vector<16xf32>
      %get3A_312 = arith.index_cast %scan3A_304 : i32 to index
      %get3A_313 = arith.constant 16 : index
      %get3A_314 = tpu.vector_load %arg14[%get3A_312, %get3A_313] {strides = array<i32>} : memref<64x128xf32, #tpu.memory_space<vmem>>, vector<16xf32>,
      %get3A_315 = arith.index_cast %scan3A_304 : i32 to index
      %get3A_316 = arith.constant 16 : index
      %get3A_317 = tpu.vector_load %arg16[%get3A_315, %get3A_316] {strides = array<i32>} : memref<64x128xf32, #tpu.memory_space<vmem>>, vector<16xf32>,
      %mul3A_318 = arith.mulf %get3A_314, %get3A_317 : vector<16xf32>
      %pack3A = tpu.pack_subelements %mul3A_311, %mul3A_318 {pack_format = #tpu.pack_format<interleaved>, positions = array<i32: 0, 1>} : vector<16xf32>, vector<16xf32> -> vector<32xbf16>
      %swap3A = arith.index_cast %scan3A_304 : i32 to index
      %swap3A_319 = arith.constant 0 : index
      %swap3A_320 = tpu.vector_load %arg22[%swap3A, %swap3A_319] {strides = array<i32>} : memref<64x128xbf16, #tpu.memory_space<vmem>>, vector<32xbf16>,
      tpu.vector_store %arg22[%swap3A, %swap3A_319], %pack3A {strides = array<i32>} : memref<64x128xbf16, #tpu.memory_space<vmem>>, vector<32xbf16>,
      %get3A_321 = arith.index_cast %scan3A_304 : i32 to index
      %get3A_322 = arith.constant 32 : index
      %get3A_323 = tpu.vector_load %arg14[%get3A_321, %get3A_322] {strides = array<i32>} : memref<64x128xf32, #tpu.memory_space<vmem>>, vector<16xf32>,
      %get3A_324 = arith.index_cast %scan3A_304 : i32 to index
      %get3A_325 = arith.constant 32 : index
      %get3A_326 = tpu.vector_load %arg16[%get3A_324, %get3A_325] {strides = array<i32>} : memref<64x128xf32, #tpu.memory_space<vmem>>, vector<16xf32>,
      %mul3A_327 = arith.mulf %get3A_323, %get3A_326 : vector<16xf32>
      %get3A_328 = arith.index_cast %scan3A_304 : i32 to index
      %get3A_329 = arith.constant 48 : index
      %get3A_330 = tpu.vector_load %arg14[%get3A_328, %get3A_329] {strides = array<i32>} : memref<64x128xf32, #tpu.memory_space<vmem>>, vector<16xf32>,
      %get3A_331 = arith.index_cast %scan3A_304 : i32 to index
      %get3A_332 = arith.constant 48 : index
      %get3A_333 = tpu.vector_load %arg16[%get3A_331, %get3A_332] {strides = array<i32>} : memref<64x128xf32, #tpu.memory_space<vmem>>, vector<16xf32>,
      %mul3A_334 = arith.mulf %get3A_330, %get3A_333 : vector<16xf32>
      %pack3A_335 = tpu.pack_subelements %mul3A_327, %mul3A_334 {pack_format = #tpu.pack_format<interleaved>, positions = array<i32: 0, 1>} : vector<16xf32>, vector<16xf32> -> vector<32xbf16>
      %swap3A_336 = arith.index_cast %scan3A_304 : i32 to index
      %swap3A_337 = arith.constant 32 : index
      %swap3A_338 = tpu.vector_load %arg22[%swap3A_336, %swap3A_337] {strides = array<i32>} : memref<64x128xbf16, #tpu.memory_space<vmem>>, vector<32xbf16>,
      tpu.vector_store %arg22[%swap3A_336, %swap3A_337], %pack3A_335 {strides = array<i32>} : memref<64x128xbf16, #tpu.memory_space<vmem>>, vector<32xbf16>,
      %get3A_339 = arith.index_cast %scan3A_304 : i32 to index
      %get3A_340 = arith.constant 64 : index
      %get3A_341 = tpu.vector_load %arg14[%get3A_339, %get3A_340] {strides = array<i32>} : memref<64x128xf32, #tpu.memory_space<vmem>>, vector<16xf32>,
      %get3A_342 = arith.index_cast %scan3A_304 : i32 to index
      %get3A_343 = arith.constant 64 : index
      %get3A_344 = tpu.vector_load %arg16[%get3A_342, %get3A_343] {strides = array<i32>} : memref<64x128xf32, #tpu.memory_space<vmem>>, vector<16xf32>,
      %mul3A_345 = arith.mulf %get3A_341, %get3A_344 : vector<16xf32>
      %get3A_346 = arith.index_cast %scan3A_304 : i32 to index
      %get3A_347 = arith.constant 80 : index
      %get3A_348 = tpu.vector_load %arg14[%get3A_346, %get3A_347] {strides = array<i32>} : memref<64x128xf32, #tpu.memory_space<vmem>>, vector<16xf32>,
      %get3A_349 = arith.index_cast %scan3A_304 : i32 to index
      %get3A_350 = arith.constant 80 : index
      %get3A_351 = tpu.vector_load %arg16[%get3A_349, %get3A_350] {strides = array<i32>} : memref<64x128xf32, #tpu.memory_space<vmem>>, vector<16xf32>,
      %mul3A_352 = arith.mulf %get3A_348, %get3A_351 : vector<16xf32>
      %pack3A_353 = tpu.pack_subelements %mul3A_345, %mul3A_352 {pack_format = #tpu.pack_format<interleaved>, positions = array<i32: 0, 1>} : vector<16xf32>, vector<16xf32> -> vector<32xbf16>
      %swap3A_354 = arith.index_cast %scan3A_304 : i32 to index
      %swap3A_355 = arith.constant 64 : index
      %swap3A_356 = tpu.vector_load %arg22[%swap3A_354, %swap3A_355] {strides = array<i32>} : memref<64x128xbf16, #tpu.memory_space<vmem>>, vector<32xbf16>,
      tpu.vector_store %arg22[%swap3A_354, %swap3A_355], %pack3A_353 {strides = array<i32>} : memref<64x128xbf16, #tpu.memory_space<vmem>>, vector<32xbf16>,
      %get3A_357 = arith.index_cast %scan3A_304 : i32 to index
      %get3A_358 = arith.constant 96 : index
      %get3A_359 = tpu.vector_load %arg14[%get3A_357, %get3A_358] {strides = array<i32>} : memref<64x128xf32, #tpu.memory_space<vmem>>, vector<16xf32>,
      %get3A_360 = arith.index_cast %scan3A_304 : i32 to index
      %get3A_361 = arith.constant 96 : index
      %get3A_362 = tpu.vector_load %arg16[%get3A_360, %get3A_361] {strides = array<i32>} : memref<64x128xf32, #tpu.memory_space<vmem>>, vector<16xf32>,
      %mul3A_363 = arith.mulf %get3A_359, %get3A_362 : vector<16xf32>
      %get3A_364 = arith.index_cast %scan3A_304 : i32 to index
      %get3A_365 = arith.constant 112 : index
      %get3A_366 = tpu.vector_load %arg14[%get3A_364, %get3A_365] {strides = array<i32>} : memref<64x128xf32, #tpu.memory_space<vmem>>, vector<16xf32>,
      %get3A_367 = arith.index_cast %scan3A_304 : i32 to index
      %get3A_368 = arith.constant 112 : index
      %get3A_369 = tpu.vector_load %arg16[%get3A_367, %get3A_368] {strides = array<i32>} : memref<64x128xf32, #tpu.memory_space<vmem>>, vector<16xf32>,
      %mul3A_370 = arith.mulf %get3A_366, %get3A_369 : vector<16xf32>
      %pack3A_371 = tpu.pack_subelements %mul3A_363, %mul3A_370 {pack_format = #tpu.pack_format<interleaved>, positions = array<i32: 0, 1>} : vector<16xf32>, vector<16xf32> -> vector<32xbf16>
      %swap3A_372 = arith.index_cast %scan3A_304 : i32 to index
      %swap3A_373 = arith.constant 96 : index
      %swap3A_374 = tpu.vector_load %arg22[%swap3A_372, %swap3A_373] {strides = array<i32>} : memref<64x128xbf16, #tpu.memory_space<vmem>>, vector<32xbf16>,
      tpu.vector_store %arg22[%swap3A_372, %swap3A_373], %pack3A_371 {strides = array<i32>} : memref<64x128xbf16, #tpu.memory_space<vmem>>, vector<32xbf16>,
      %scan3A_375 = arith.constant 0 : i32
      scf.yield %scan3A_375 : i32
    }
    %scan3A_257 = arith.constant 64 : i32
    %dma_start3A_258 = arith.constant 0 : i32
    %dma_start3A_259 = tpu.memref_slice %arg8[%add3A_240, %dma_start3A_258] : memref<16384x128xbf16, #tpu.memory_space<hbm>> -> memref<64x128xbf16, #tpu.memory_space<hbm>>
    %dma_start3A_260 = arith.constant 0 : i32
    %dma_start3A_261 = tpu.memref_slice %arg8[%add3A_240, %dma_start3A_260] : memref<16384x128xbf16, #tpu.memory_space<hbm>> -> memref<64x128xbf16, #tpu.memory_space<hbm>>
    tpu.enqueue_dma source(%arg22 : memref<64x128xbf16, #tpu.memory_space<vmem>>) target(%dma_start3A_261 : memref<64x128xbf16, #tpu.memory_space<hbm>>) target_semaphore(%arg32 : memref<!tpu.dma_semaphore, #tpu.memory_space<semaphore_mem>>)
    %dma_wait3A_262 = arith.constant 192 : i32
    %dma_wait3A_263 = tpu.memref_slice %arg11[%dma_wait3A_262] : memref<256xi32, #tpu.memory_space<vmem>> -> memref<64xi32, #tpu.memory_space<vmem>>
    %dma_wait3A_264 = arith.constant 0 : i32
    %dma_wait3A_265 = arith.constant 0 : i32
    %dma_wait3A_266 = tpu.memref_slice %arg6[%dma_wait3A_264, %dma_wait3A_265] : memref<1000001x128xf32, #tpu.memory_space<hbm>> -> memref<1000001x128xf32, #tpu.memory_space<hbm>>
    tpu.wait_indirect_dma semaphore(%arg28 : memref<!tpu.dma_semaphore, #tpu.memory_space<semaphore_mem>>) src(%dma_wait3A_266 : memref<1000001x128xf32, #tpu.memory_space<hbm>>) dst(%arg18 : memref<64x128xf32, #tpu.memory_space<vmem>>)
    %dma_start3A_267 = arith.constant 0 : i32
    %dma_start3A_268 = tpu.memref_slice %arg9[%add3A_240, %dma_start3A_267] : memref<16384x128xf32, #tpu.memory_space<hbm>> -> memref<64x128xf32, #tpu.memory_space<hbm>>
    %dma_start3A_269 = arith.constant 0 : i32
    %dma_start3A_270 = tpu.memref_slice %arg9[%add3A_240, %dma_start3A_269] : memref<16384x128xf32, #tpu.memory_space<hbm>> -> memref<64x128xf32, #tpu.memory_space<hbm>>
    tpu.enqueue_dma source(%arg18 : memref<64x128xf32, #tpu.memory_space<vmem>>) target(%dma_start3A_270 : memref<64x128xf32, #tpu.memory_space<hbm>>) target_semaphore(%arg34 : memref<!tpu.dma_semaphore, #tpu.memory_space<semaphore_mem>>)
    %dma_wait3A_271 = arith.constant 192 : i32
    %dma_wait3A_272 = tpu.memref_slice %arg12[%dma_wait3A_271] : memref<256xi32, #tpu.memory_space<vmem>> -> memref<64xi32, #tpu.memory_space<vmem>>
    %dma_wait3A_273 = arith.constant 0 : i32
    %dma_wait3A_274 = arith.constant 0 : i32
    %dma_wait3A_275 = tpu.memref_slice %arg7[%dma_wait3A_273, %dma_wait3A_274] : memref<100001x128xf32, #tpu.memory_space<hbm>> -> memref<100001x128xf32, #tpu.memory_space<hbm>>
    tpu.wait_indirect_dma semaphore(%arg30 : memref<!tpu.dma_semaphore, #tpu.memory_space<semaphore_mem>>) src(%dma_wait3A_275 : memref<100001x128xf32, #tpu.memory_space<hbm>>) dst(%arg20 : memref<64x128xf32, #tpu.memory_space<vmem>>)
    %dma_start3A_276 = arith.constant 0 : i32
    %dma_start3A_277 = tpu.memref_slice %arg10[%add3A_240, %dma_start3A_276] : memref<16384x128xf32, #tpu.memory_space<hbm>> -> memref<64x128xf32, #tpu.memory_space<hbm>>
    %dma_start3A_278 = arith.constant 0 : i32
    %dma_start3A_279 = tpu.memref_slice %arg10[%add3A_240, %dma_start3A_278] : memref<16384x128xf32, #tpu.memory_space<hbm>> -> memref<64x128xf32, #tpu.memory_space<hbm>>
    tpu.enqueue_dma source(%arg20 : memref<64x128xf32, #tpu.memory_space<vmem>>) target(%dma_start3A_279 : memref<64x128xf32, #tpu.memory_space<hbm>>) target_semaphore(%arg36 : memref<!tpu.dma_semaphore, #tpu.memory_space<semaphore_mem>>)
    %dma_wait3A_280 = arith.constant 0 : i32
    %dma_wait3A_281 = tpu.memref_slice %arg8[%add3A_197, %dma_wait3A_280] : memref<16384x128xbf16, #tpu.memory_space<hbm>> -> memref<64x128xbf16, #tpu.memory_space<hbm>>
    %dma_wait3A_282 = arith.constant 0 : i32
    %dma_wait3A_283 = tpu.memref_slice %arg8[%add3A_197, %dma_wait3A_282] : memref<16384x128xbf16, #tpu.memory_space<hbm>> -> memref<64x128xbf16, #tpu.memory_space<hbm>>
    tpu.wait_dma2 semaphore(%arg31 : memref<!tpu.dma_semaphore, #tpu.memory_space<semaphore_mem>>) src(%arg21 : memref<64x128xbf16, #tpu.memory_space<vmem>>) dst(%dma_wait3A_283 : memref<64x128xbf16, #tpu.memory_space<hbm>>)
    %dma_wait3A_284 = arith.constant 0 : i32
    %dma_wait3A_285 = tpu.memref_slice %arg9[%add3A_197, %dma_wait3A_284] : memref<16384x128xf32, #tpu.memory_space<hbm>> -> memref<64x128xf32, #tpu.memory_space<hbm>>
    %dma_wait3A_286 = arith.constant 0 : i32
    %dma_wait3A_287 = tpu.memref_slice %arg9[%add3A_197, %dma_wait3A_286] : memref<16384x128xf32, #tpu.memory_space<hbm>> -> memref<64x128xf32, #tpu.memory_space<hbm>>
    tpu.wait_dma2 semaphore(%arg33 : memref<!tpu.dma_semaphore, #tpu.memory_space<semaphore_mem>>) src(%arg17 : memref<64x128xf32, #tpu.memory_space<vmem>>) dst(%dma_wait3A_287 : memref<64x128xf32, #tpu.memory_space<hbm>>)
    %dma_wait3A_288 = arith.constant 0 : i32
    %dma_wait3A_289 = tpu.memref_slice %arg10[%add3A_197, %dma_wait3A_288] : memref<16384x128xf32, #tpu.memory_space<hbm>> -> memref<64x128xf32, #tpu.memory_space<hbm>>
    %dma_wait3A_290 = arith.constant 0 : i32
    %dma_wait3A_291 = tpu.memref_slice %arg10[%add3A_197, %dma_wait3A_290] : memref<16384x128xf32, #tpu.memory_space<hbm>> -> memref<64x128xf32, #tpu.memory_space<hbm>>
    tpu.wait_dma2 semaphore(%arg35 : memref<!tpu.dma_semaphore, #tpu.memory_space<semaphore_mem>>) src(%arg19 : memref<64x128xf32, #tpu.memory_space<vmem>>) dst(%dma_wait3A_291 : memref<64x128xf32, #tpu.memory_space<hbm>>)
    %dma_wait3A_292 = arith.constant 0 : i32
    %dma_wait3A_293 = tpu.memref_slice %arg8[%add3A_240, %dma_wait3A_292] : memref<16384x128xbf16, #tpu.memory_space<hbm>> -> memref<64x128xbf16, #tpu.memory_space<hbm>>
    %dma_wait3A_294 = arith.constant 0 : i32
    %dma_wait3A_295 = tpu.memref_slice %arg8[%add3A_240, %dma_wait3A_294] : memref<16384x128xbf16, #tpu.memory_space<hbm>> -> memref<64x128xbf16, #tpu.memory_space<hbm>>
    tpu.wait_dma2 semaphore(%arg32 : memref<!tpu.dma_semaphore, #tpu.memory_space<semaphore_mem>>) src(%arg22 : memref<64x128xbf16, #tpu.memory_space<vmem>>) dst(%dma_wait3A_295 : memref<64x128xbf16, #tpu.memory_space<hbm>>)
    %dma_wait3A_296 = arith.constant 0 : i32
    %dma_wait3A_297 = tpu.memref_slice %arg9[%add3A_240, %dma_wait3A_296] : memref<16384x128xf32, #tpu.memory_space<hbm>> -> memref<64x128xf32, #tpu.memory_space<hbm>>
    %dma_wait3A_298 = arith.constant 0 : i32
    %dma_wait3A_299 = tpu.memref_slice %arg9[%add3A_240, %dma_wait3A_298] : memref<16384x128xf32, #tpu.memory_space<hbm>> -> memref<64x128xf32, #tpu.memory_space<hbm>>
    tpu.wait_dma2 semaphore(%arg34 : memref<!tpu.dma_semaphore, #tpu.memory_space<semaphore_mem>>) src(%arg18 : memref<64x128xf32, #tpu.memory_space<vmem>>) dst(%dma_wait3A_299 : memref<64x128xf32, #tpu.memory_space<hbm>>)
    %dma_wait3A_300 = arith.constant 0 : i32
    %dma_wait3A_301 = tpu.memref_slice %arg10[%add3A_240, %dma_wait3A_300] : memref<16384x128xf32, #tpu.memory_space<hbm>> -> memref<64x128xf32, #tpu.memory_space<hbm>>
    %dma_wait3A_302 = arith.constant 0 : i32
    %dma_wait3A_303 = tpu.memref_slice %arg10[%add3A_240, %dma_wait3A_302] : memref<16384x128xf32, #tpu.memory_space<hbm>> -> memref<64x128xf32, #tpu.memory_space<hbm>>
    tpu.wait_dma2 semaphore(%arg36 : memref<!tpu.dma_semaphore, #tpu.memory_space<semaphore_mem>>) src(%arg20 : memref<64x128xf32, #tpu.memory_space<vmem>>) dst(%dma_wait3A_303 : memref<64x128xf32, #tpu.memory_space<hbm>>)
    return
  }
}

#map = affine_map<(d0, d1) -> (0)>
#map1 = affine_map<(d0, d1) -> (0, 0)>
module attributes {stable_mosaic.version = 14 : i64} {
  func.func @_sc_body(%arg0: i32, %arg1: i32, %arg2: memref<16384xi32, #tpu.memory_space<hbm>>, %arg3: memref<16384xi32, #tpu.memory_space<hbm>>, %arg4: memref<1000001x128xf32, #tpu.memory_space<hbm>>, %arg5: memref<100001x128xf32, #tpu.memory_space<hbm>>, %arg6: memref<1000001x128xf32, #tpu.memory_space<hbm>>, %arg7: memref<100001x128xf32, #tpu.memory_space<hbm>>, %arg8: memref<16384x128xbf16, #tpu.memory_space<hbm>>, %arg9: memref<16384x128xf32, #tpu.memory_space<hbm>>, %arg10: memref<16384x128xf32, #tpu.memory_space<hbm>>, %arg11: memref<256xi32, #tpu.memory_space<vmem>>, %arg12: memref<256xi32, #tpu.memory_space<vmem>>, %arg13: memref<64x128xf32, #tpu.memory_space<vmem>>, %arg14: memref<64x128xf32, #tpu.memory_space<vmem>>, %arg15: memref<64x128xf32, #tpu.memory_space<vmem>>, %arg16: memref<64x128xf32, #tpu.memory_space<vmem>>, %arg17: memref<64x128xf32, #tpu.memory_space<vmem>>, %arg18: memref<64x128xf32, #tpu.memory_space<vmem>>, %arg19: memref<64x128xf32, #tpu.memory_space<vmem>>, %arg20: memref<64x128xf32, #tpu.memory_space<vmem>>, %arg21: memref<64x128xbf16, #tpu.memory_space<vmem>>, %arg22: memref<64x128xbf16, #tpu.memory_space<vmem>>, %arg23: memref<!tpu.dma_semaphore, #tpu.memory_space<semaphore_mem>>, %arg24: memref<!tpu.dma_semaphore, #tpu.memory_space<semaphore_mem>>, %arg25: memref<!tpu.dma_semaphore, #tpu.memory_space<semaphore_mem>>, %arg26: memref<!tpu.dma_semaphore, #tpu.memory_space<semaphore_mem>>, %arg27: memref<!tpu.dma_semaphore, #tpu.memory_space<semaphore_mem>>, %arg28: memref<!tpu.dma_semaphore, #tpu.memory_space<semaphore_mem>>, %arg29: memref<!tpu.dma_semaphore, #tpu.memory_space<semaphore_mem>>, %arg30: memref<!tpu.dma_semaphore, #tpu.memory_space<semaphore_mem>>, %arg31: memref<!tpu.dma_semaphore, #tpu.memory_space<semaphore_mem>>, %arg32: memref<!tpu.dma_semaphore, #tpu.memory_space<semaphore_mem>>, %arg33: memref<!tpu.dma_semaphore, #tpu.memory_space<semaphore_mem>>, %arg34: memref<!tpu.dma_semaphore, #tpu.memory_space<semaphore_mem>>, %arg35: memref<!tpu.dma_semaphore, #tpu.memory_space<semaphore_mem>>, %arg36: memref<!tpu.dma_semaphore, #tpu.memory_space<semaphore_mem>>) attributes {dimension_semantics = [#tpu.dimension_semantics<core_parallel>, #tpu.dimension_semantics<subcore_parallel>], iteration_bounds = array<i64: 2, 16>, scalar_prefetch = 0 : i64, scratch_operands = 26 : i64, tpu.core_type = #tpu.core_type<sc_vector_subcore>, window_params = [{transform_indices = #map}, {transform_indices = #map}, {transform_indices = #map1}, {transform_indices = #map1}, {transform_indices = #map1}, {transform_indices = #map1}, {transform_indices = #map1}, {transform_indices = #map1}, {transform_indices = #map1}]} {
    %mul3A = arith.constant 2 : i32
    %mul3A_0 = arith.muli %arg1, %mul3A : i32
    %add3A = arith.addi %mul3A_0, %arg0 : i32
    %mul3A_1 = arith.constant 256 : i32
    %mul3A_2 = arith.muli %add3A, %mul3A_1 : i32
    %add3A_3 = arith.constant 0 : i32
    %add3A_4 = arith.addi %add3A_3, %mul3A_2 : i32
    "tpu.region"() ({
      %run_scoped3A = tpu.sem_alloc : memref<!tpu.dma_semaphore, #tpu.memory_space<semaphore_mem>>
      %dma_start3A_304 = tpu.memref_slice %arg2[%add3A_4] : memref<16384xi32, #tpu.memory_space<hbm>> -> memref<256xi32, #tpu.memory_space<hbm>>
      %dma_start3A_305 = tpu.memref_slice %arg2[%add3A_4] : memref<16384xi32, #tpu.memory_space<hbm>> -> memref<256xi32, #tpu.memory_space<hbm>>
      tpu.enqueue_dma source(%dma_start3A_305 : memref<256xi32, #tpu.memory_space<hbm>>) target(%arg11 : memref<256xi32, #tpu.memory_space<vmem>>) target_semaphore(%run_scoped3A : memref<!tpu.dma_semaphore, #tpu.memory_space<semaphore_mem>>)
      %dma_wait3A_306 = tpu.memref_slice %arg2[%add3A_4] : memref<16384xi32, #tpu.memory_space<hbm>> -> memref<256xi32, #tpu.memory_space<hbm>>
      %dma_wait3A_307 = tpu.memref_slice %arg2[%add3A_4] : memref<16384xi32, #tpu.memory_space<hbm>> -> memref<256xi32, #tpu.memory_space<hbm>>
      tpu.wait_dma2 semaphore(%run_scoped3A : memref<!tpu.dma_semaphore, #tpu.memory_space<semaphore_mem>>) src(%dma_wait3A_307 : memref<256xi32, #tpu.memory_space<hbm>>) dst(%arg11 : memref<256xi32, #tpu.memory_space<vmem>>)
      tpu.yield
    }) : () -> ()
    %add3A_5 = arith.constant 0 : i32
    %add3A_6 = arith.addi %add3A_5, %mul3A_2 : i32
    "tpu.region"() ({
      %run_scoped3A = tpu.sem_alloc : memref<!tpu.dma_semaphore, #tpu.memory_space<semaphore_mem>>
      %dma_start3A_304 = tpu.memref_slice %arg3[%add3A_6] : memref<16384xi32, #tpu.memory_space<hbm>> -> memref<256xi32, #tpu.memory_space<hbm>>
      %dma_start3A_305 = tpu.memref_slice %arg3[%add3A_6] : memref<16384xi32, #tpu.memory_space<hbm>> -> memref<256xi32, #tpu.memory_space<hbm>>
      tpu.enqueue_dma source(%dma_start3A_305 : memref<256xi32, #tpu.memory_space<hbm>>) target(%arg12 : memref<256xi32, #tpu.memory_space<vmem>>) target_semaphore(%run_scoped3A : memref<!tpu.dma_semaphore, #tpu.memory_space<semaphore_mem>>)
      %dma_wait3A_306 = tpu.memref_slice %arg3[%add3A_6] : memref<16384xi32, #tpu.memory_space<hbm>> -> memref<256xi32, #tpu.memory_space<hbm>>
      %dma_wait3A_307 = tpu.memref_slice %arg3[%add3A_6] : memref<16384xi32, #tpu.memory_space<hbm>> -> memref<256xi32, #tpu.memory_space<hbm>>
      tpu.wait_dma2 semaphore(%run_scoped3A : memref<!tpu.dma_semaphore, #tpu.memory_space<semaphore_mem>>) src(%dma_wait3A_307 : memref<256xi32, #tpu.memory_space<hbm>>) dst(%arg12 : memref<256xi32, #tpu.memory_space<vmem>>)
      tpu.yield
    }) : () -> ()
    %dma_start3A = arith.constant 0 : i32
    %dma_start3A_7 = tpu.memref_slice %arg11[%dma_start3A] : memref<256xi32, #tpu.memory_space<vmem>> -> memref<64xi32, #tpu.memory_space<vmem>>
    %dma_start3A_8 = arith.constant 0 : i32
    %dma_start3A_9 = arith.constant 0 : i32
    %dma_start3A_10 = tpu.memref_slice %arg4[%dma_start3A_8, %dma_start3A_9] : memref<1000001x128xf32, #tpu.memory_space<hbm>> -> memref<1000001x128xf32, #tpu.memory_space<hbm>>
    tpu.enqueue_indirect_dma source(%dma_start3A_10 : memref<1000001x128xf32, #tpu.memory_space<hbm>>) target(%arg13 : memref<64x128xf32, #tpu.memory_space<vmem>>) offsets(%dma_start3A_7 : memref<64xi32, #tpu.memory_space<vmem>>) semaphore(%arg23 : memref<!tpu.dma_semaphore, #tpu.memory_space<semaphore_mem>>)
    %dma_start3A_11 = arith.constant 0 : i32
    %dma_start3A_12 = tpu.memref_slice %arg12[%dma_start3A_11] : memref<256xi32, #tpu.memory_space<vmem>> -> memref<64xi32, #tpu.memory_space<vmem>>
    %dma_start3A_13 = arith.constant 0 : i32
    %dma_start3A_14 = arith.constant 0 : i32
    %dma_start3A_15 = tpu.memref_slice %arg5[%dma_start3A_13, %dma_start3A_14] : memref<100001x128xf32, #tpu.memory_space<hbm>> -> memref<100001x128xf32, #tpu.memory_space<hbm>>
    tpu.enqueue_indirect_dma source(%dma_start3A_15 : memref<100001x128xf32, #tpu.memory_space<hbm>>) target(%arg15 : memref<64x128xf32, #tpu.memory_space<vmem>>) offsets(%dma_start3A_12 : memref<64xi32, #tpu.memory_space<vmem>>) semaphore(%arg25 : memref<!tpu.dma_semaphore, #tpu.memory_space<semaphore_mem>>)
    %dma_start3A_16 = arith.constant 0 : i32
    %dma_start3A_17 = tpu.memref_slice %arg11[%dma_start3A_16] : memref<256xi32, #tpu.memory_space<vmem>> -> memref<64xi32, #tpu.memory_space<vmem>>
    %dma_start3A_18 = arith.constant 0 : i32
    %dma_start3A_19 = arith.constant 0 : i32
    %dma_start3A_20 = tpu.memref_slice %arg6[%dma_start3A_18, %dma_start3A_19] : memref<1000001x128xf32, #tpu.memory_space<hbm>> -> memref<1000001x128xf32, #tpu.memory_space<hbm>>
    tpu.enqueue_indirect_dma source(%dma_start3A_20 : memref<1000001x128xf32, #tpu.memory_space<hbm>>) target(%arg17 : memref<64x128xf32, #tpu.memory_space<vmem>>) offsets(%dma_start3A_17 : memref<64xi32, #tpu.memory_space<vmem>>) semaphore(%arg27 : memref<!tpu.dma_semaphore, #tpu.memory_space<semaphore_mem>>)
    %dma_start3A_21 = arith.constant 0 : i32
    %dma_start3A_22 = tpu.memref_slice %arg12[%dma_start3A_21] : memref<256xi32, #tpu.memory_space<vmem>> -> memref<64xi32, #tpu.memory_space<vmem>>
    %dma_start3A_23 = arith.constant 0 : i32
    %dma_start3A_24 = arith.constant 0 : i32
    %dma_start3A_25 = tpu.memref_slice %arg7[%dma_start3A_23, %dma_start3A_24] : memref<100001x128xf32, #tpu.memory_space<hbm>> -> memref<100001x128xf32, #tpu.memory_space<hbm>>
    tpu.enqueue_indirect_dma source(%dma_start3A_25 : memref<100001x128xf32, #tpu.memory_space<hbm>>) target(%arg19 : memref<64x128xf32, #tpu.memory_space<vmem>>) offsets(%dma_start3A_22 : memref<64xi32, #tpu.memory_space<vmem>>) semaphore(%arg29 : memref<!tpu.dma_semaphore, #tpu.memory_space<semaphore_mem>>)
    %dma_start3A_26 = arith.constant 64 : i32
    %dma_start3A_27 = tpu.memref_slice %arg11[%dma_start3A_26] : memref<256xi32, #tpu.memory_space<vmem>> -> memref<64xi32, #tpu.memory_space<vmem>>
    %dma_start3A_28 = arith.constant 0 : i32
    %dma_start3A_29 = arith.constant 0 : i32
    %dma_start3A_30 = tpu.memref_slice %arg4[%dma_start3A_28, %dma_start3A_29] : memref<1000001x128xf32, #tpu.memory_space<hbm>> -> memref<1000001x128xf32, #tpu.memory_space<hbm>>
    tpu.enqueue_indirect_dma source(%dma_start3A_30 : memref<1000001x128xf32, #tpu.memory_space<hbm>>) target(%arg14 : memref<64x128xf32, #tpu.memory_space<vmem>>) offsets(%dma_start3A_27 : memref<64xi32, #tpu.memory_space<vmem>>) semaphore(%arg24 : memref<!tpu.dma_semaphore, #tpu.memory_space<semaphore_mem>>)
    %dma_start3A_31 = arith.constant 64 : i32
    %dma_start3A_32 = tpu.memref_slice %arg12[%dma_start3A_31] : memref<256xi32, #tpu.memory_space<vmem>> -> memref<64xi32, #tpu.memory_space<vmem>>
    %dma_start3A_33 = arith.constant 0 : i32
    %dma_start3A_34 = arith.constant 0 : i32
    %dma_start3A_35 = tpu.memref_slice %arg5[%dma_start3A_33, %dma_start3A_34] : memref<100001x128xf32, #tpu.memory_space<hbm>> -> memref<100001x128xf32, #tpu.memory_space<hbm>>
    tpu.enqueue_indirect_dma source(%dma_start3A_35 : memref<100001x128xf32, #tpu.memory_space<hbm>>) target(%arg16 : memref<64x128xf32, #tpu.memory_space<vmem>>) offsets(%dma_start3A_32 : memref<64xi32, #tpu.memory_space<vmem>>) semaphore(%arg26 : memref<!tpu.dma_semaphore, #tpu.memory_space<semaphore_mem>>)
    %dma_start3A_36 = arith.constant 64 : i32
    %dma_start3A_37 = tpu.memref_slice %arg11[%dma_start3A_36] : memref<256xi32, #tpu.memory_space<vmem>> -> memref<64xi32, #tpu.memory_space<vmem>>
    %dma_start3A_38 = arith.constant 0 : i32
    %dma_start3A_39 = arith.constant 0 : i32
    %dma_start3A_40 = tpu.memref_slice %arg6[%dma_start3A_38, %dma_start3A_39] : memref<1000001x128xf32, #tpu.memory_space<hbm>> -> memref<1000001x128xf32, #tpu.memory_space<hbm>>
    tpu.enqueue_indirect_dma source(%dma_start3A_40 : memref<1000001x128xf32, #tpu.memory_space<hbm>>) target(%arg18 : memref<64x128xf32, #tpu.memory_space<vmem>>) offsets(%dma_start3A_37 : memref<64xi32, #tpu.memory_space<vmem>>) semaphore(%arg28 : memref<!tpu.dma_semaphore, #tpu.memory_space<semaphore_mem>>)
    %dma_start3A_41 = arith.constant 64 : i32
    %dma_start3A_42 = tpu.memref_slice %arg12[%dma_start3A_41] : memref<256xi32, #tpu.memory_space<vmem>> -> memref<64xi32, #tpu.memory_space<vmem>>
    %dma_start3A_43 = arith.constant 0 : i32
    %dma_start3A_44 = arith.constant 0 : i32
    %dma_start3A_45 = tpu.memref_slice %arg7[%dma_start3A_43, %dma_start3A_44] : memref<100001x128xf32, #tpu.memory_space<hbm>> -> memref<100001x128xf32, #tpu.memory_space<hbm>>
    tpu.enqueue_indirect_dma source(%dma_start3A_45 : memref<100001x128xf32, #tpu.memory_space<hbm>>) target(%arg20 : memref<64x128xf32, #tpu.memory_space<vmem>>) offsets(%dma_start3A_42 : memref<64xi32, #tpu.memory_space<vmem>>) semaphore(%arg30 : memref<!tpu.dma_semaphore, #tpu.memory_space<semaphore_mem>>)
    %add3A_46 = arith.constant 0 : i32
    %add3A_47 = arith.addi %add3A_46, %mul3A_2 : i32
    %add3A_48 = arith.constant 0 : i32
    %add3A_49 = arith.addi %add3A_47, %add3A_48 : i32
    %dma_wait3A = arith.constant 0 : i32
    %dma_wait3A_50 = tpu.memref_slice %arg11[%dma_wait3A] : memref<256xi32, #tpu.memory_space<vmem>> -> memref<64xi32, #tpu.memory_space<vmem>>
    %dma_wait3A_51 = arith.constant 0 : i32
    %dma_wait3A_52 = arith.constant 0 : i32
    %dma_wait3A_53 = tpu.memref_slice %arg4[%dma_wait3A_51, %dma_wait3A_52] : memref<1000001x128xf32, #tpu.memory_space<hbm>> -> memref<1000001x128xf32, #tpu.memory_space<hbm>>
    tpu.wait_indirect_dma semaphore(%arg23 : memref<!tpu.dma_semaphore, #tpu.memory_space<semaphore_mem>>) src(%dma_wait3A_53 : memref<1000001x128xf32, #tpu.memory_space<hbm>>) dst(%arg13 : memref<64x128xf32, #tpu.memory_space<vmem>>)
    %dma_wait3A_54 = arith.constant 0 : i32
    %dma_wait3A_55 = tpu.memref_slice %arg12[%dma_wait3A_54] : memref<256xi32, #tpu.memory_space<vmem>> -> memref<64xi32, #tpu.memory_space<vmem>>
    %dma_wait3A_56 = arith.constant 0 : i32
    %dma_wait3A_57 = arith.constant 0 : i32
    %dma_wait3A_58 = tpu.memref_slice %arg5[%dma_wait3A_56, %dma_wait3A_57] : memref<100001x128xf32, #tpu.memory_space<hbm>> -> memref<100001x128xf32, #tpu.memory_space<hbm>>
    tpu.wait_indirect_dma semaphore(%arg25 : memref<!tpu.dma_semaphore, #tpu.memory_space<semaphore_mem>>) src(%dma_wait3A_58 : memref<100001x128xf32, #tpu.memory_space<hbm>>) dst(%arg15 : memref<64x128xf32, #tpu.memory_space<vmem>>)
    %scan3A = arith.constant 0 : i32
    %scan3A_59 = arith.constant 0 : i32
    %scan3A_60 = arith.constant 64 : i32
    %scan3A_61 = arith.addi %scan3A_59, %scan3A_60 : i32
    %scan3A_62 = arith.constant 1 : i32
    %scan3A_63 = scf.for %scan3A_304 = %scan3A_59 to %scan3A_61 step %scan3A_62 iter_args(%scan3A_305 = %scan3A) -> (i32)  : i32 {
      %get3A = arith.index_cast %scan3A_304 : i32 to index
      %get3A_306 = arith.constant 0 : index
      %get3A_307 = tpu.vector_load %arg13[%get3A, %get3A_306] {strides = array<i32>} : memref<64x128xf32, #tpu.memory_space<vmem>>, vector<16xf32>,
      %get3A_308 = arith.index_cast %scan3A_304 : i32 to index
      %get3A_309 = arith.constant 0 : index
      %get3A_310 = tpu.vector_load %arg15[%get3A_308, %get3A_309] {strides = array<i32>} : memref<64x128xf32, #tpu.memory_space<vmem>>, vector<16xf32>,
      %mul3A_311 = arith.mulf %get3A_307, %get3A_310 : vector<16xf32>
      %get3A_312 = arith.index_cast %scan3A_304 : i32 to index
      %get3A_313 = arith.constant 16 : index
      %get3A_314 = tpu.vector_load %arg13[%get3A_312, %get3A_313] {strides = array<i32>} : memref<64x128xf32, #tpu.memory_space<vmem>>, vector<16xf32>,
      %get3A_315 = arith.index_cast %scan3A_304 : i32 to index
      %get3A_316 = arith.constant 16 : index
      %get3A_317 = tpu.vector_load %arg15[%get3A_315, %get3A_316] {strides = array<i32>} : memref<64x128xf32, #tpu.memory_space<vmem>>, vector<16xf32>,
      %mul3A_318 = arith.mulf %get3A_314, %get3A_317 : vector<16xf32>
      %pack3A = tpu.pack_subelements %mul3A_311, %mul3A_318 {pack_format = #tpu.pack_format<interleaved>, positions = array<i32: 0, 1>} : vector<16xf32>, vector<16xf32> -> vector<32xbf16>
      %swap3A = arith.index_cast %scan3A_304 : i32 to index
      %swap3A_319 = arith.constant 0 : index
      %swap3A_320 = tpu.vector_load %arg21[%swap3A, %swap3A_319] {strides = array<i32>} : memref<64x128xbf16, #tpu.memory_space<vmem>>, vector<32xbf16>,
      tpu.vector_store %arg21[%swap3A, %swap3A_319], %pack3A {strides = array<i32>} : memref<64x128xbf16, #tpu.memory_space<vmem>>, vector<32xbf16>,
      %get3A_321 = arith.index_cast %scan3A_304 : i32 to index
      %get3A_322 = arith.constant 32 : index
      %get3A_323 = tpu.vector_load %arg13[%get3A_321, %get3A_322] {strides = array<i32>} : memref<64x128xf32, #tpu.memory_space<vmem>>, vector<16xf32>,
      %get3A_324 = arith.index_cast %scan3A_304 : i32 to index
      %get3A_325 = arith.constant 32 : index
      %get3A_326 = tpu.vector_load %arg15[%get3A_324, %get3A_325] {strides = array<i32>} : memref<64x128xf32, #tpu.memory_space<vmem>>, vector<16xf32>,
      %mul3A_327 = arith.mulf %get3A_323, %get3A_326 : vector<16xf32>
      %get3A_328 = arith.index_cast %scan3A_304 : i32 to index
      %get3A_329 = arith.constant 48 : index
      %get3A_330 = tpu.vector_load %arg13[%get3A_328, %get3A_329] {strides = array<i32>} : memref<64x128xf32, #tpu.memory_space<vmem>>, vector<16xf32>,
      %get3A_331 = arith.index_cast %scan3A_304 : i32 to index
      %get3A_332 = arith.constant 48 : index
      %get3A_333 = tpu.vector_load %arg15[%get3A_331, %get3A_332] {strides = array<i32>} : memref<64x128xf32, #tpu.memory_space<vmem>>, vector<16xf32>,
      %mul3A_334 = arith.mulf %get3A_330, %get3A_333 : vector<16xf32>
      %pack3A_335 = tpu.pack_subelements %mul3A_327, %mul3A_334 {pack_format = #tpu.pack_format<interleaved>, positions = array<i32: 0, 1>} : vector<16xf32>, vector<16xf32> -> vector<32xbf16>
      %swap3A_336 = arith.index_cast %scan3A_304 : i32 to index
      %swap3A_337 = arith.constant 32 : index
      %swap3A_338 = tpu.vector_load %arg21[%swap3A_336, %swap3A_337] {strides = array<i32>} : memref<64x128xbf16, #tpu.memory_space<vmem>>, vector<32xbf16>,
      tpu.vector_store %arg21[%swap3A_336, %swap3A_337], %pack3A_335 {strides = array<i32>} : memref<64x128xbf16, #tpu.memory_space<vmem>>, vector<32xbf16>,
      %get3A_339 = arith.index_cast %scan3A_304 : i32 to index
      %get3A_340 = arith.constant 64 : index
      %get3A_341 = tpu.vector_load %arg13[%get3A_339, %get3A_340] {strides = array<i32>} : memref<64x128xf32, #tpu.memory_space<vmem>>, vector<16xf32>,
      %get3A_342 = arith.index_cast %scan3A_304 : i32 to index
      %get3A_343 = arith.constant 64 : index
      %get3A_344 = tpu.vector_load %arg15[%get3A_342, %get3A_343] {strides = array<i32>} : memref<64x128xf32, #tpu.memory_space<vmem>>, vector<16xf32>,
      %mul3A_345 = arith.mulf %get3A_341, %get3A_344 : vector<16xf32>
      %get3A_346 = arith.index_cast %scan3A_304 : i32 to index
      %get3A_347 = arith.constant 80 : index
      %get3A_348 = tpu.vector_load %arg13[%get3A_346, %get3A_347] {strides = array<i32>} : memref<64x128xf32, #tpu.memory_space<vmem>>, vector<16xf32>,
      %get3A_349 = arith.index_cast %scan3A_304 : i32 to index
      %get3A_350 = arith.constant 80 : index
      %get3A_351 = tpu.vector_load %arg15[%get3A_349, %get3A_350] {strides = array<i32>} : memref<64x128xf32, #tpu.memory_space<vmem>>, vector<16xf32>,
      %mul3A_352 = arith.mulf %get3A_348, %get3A_351 : vector<16xf32>
      %pack3A_353 = tpu.pack_subelements %mul3A_345, %mul3A_352 {pack_format = #tpu.pack_format<interleaved>, positions = array<i32: 0, 1>} : vector<16xf32>, vector<16xf32> -> vector<32xbf16>
      %swap3A_354 = arith.index_cast %scan3A_304 : i32 to index
      %swap3A_355 = arith.constant 64 : index
      %swap3A_356 = tpu.vector_load %arg21[%swap3A_354, %swap3A_355] {strides = array<i32>} : memref<64x128xbf16, #tpu.memory_space<vmem>>, vector<32xbf16>,
      tpu.vector_store %arg21[%swap3A_354, %swap3A_355], %pack3A_353 {strides = array<i32>} : memref<64x128xbf16, #tpu.memory_space<vmem>>, vector<32xbf16>,
      %get3A_357 = arith.index_cast %scan3A_304 : i32 to index
      %get3A_358 = arith.constant 96 : index
      %get3A_359 = tpu.vector_load %arg13[%get3A_357, %get3A_358] {strides = array<i32>} : memref<64x128xf32, #tpu.memory_space<vmem>>, vector<16xf32>,
      %get3A_360 = arith.index_cast %scan3A_304 : i32 to index
      %get3A_361 = arith.constant 96 : index
      %get3A_362 = tpu.vector_load %arg15[%get3A_360, %get3A_361] {strides = array<i32>} : memref<64x128xf32, #tpu.memory_space<vmem>>, vector<16xf32>,
      %mul3A_363 = arith.mulf %get3A_359, %get3A_362 : vector<16xf32>
      %get3A_364 = arith.index_cast %scan3A_304 : i32 to index
      %get3A_365 = arith.constant 112 : index
      %get3A_366 = tpu.vector_load %arg13[%get3A_364, %get3A_365] {strides = array<i32>} : memref<64x128xf32, #tpu.memory_space<vmem>>, vector<16xf32>,
      %get3A_367 = arith.index_cast %scan3A_304 : i32 to index
      %get3A_368 = arith.constant 112 : index
      %get3A_369 = tpu.vector_load %arg15[%get3A_367, %get3A_368] {strides = array<i32>} : memref<64x128xf32, #tpu.memory_space<vmem>>, vector<16xf32>,
      %mul3A_370 = arith.mulf %get3A_366, %get3A_369 : vector<16xf32>
      %pack3A_371 = tpu.pack_subelements %mul3A_363, %mul3A_370 {pack_format = #tpu.pack_format<interleaved>, positions = array<i32: 0, 1>} : vector<16xf32>, vector<16xf32> -> vector<32xbf16>
      %swap3A_372 = arith.index_cast %scan3A_304 : i32 to index
      %swap3A_373 = arith.constant 96 : index
      %swap3A_374 = tpu.vector_load %arg21[%swap3A_372, %swap3A_373] {strides = array<i32>} : memref<64x128xbf16, #tpu.memory_space<vmem>>, vector<32xbf16>,
      tpu.vector_store %arg21[%swap3A_372, %swap3A_373], %pack3A_371 {strides = array<i32>} : memref<64x128xbf16, #tpu.memory_space<vmem>>, vector<32xbf16>,
      %scan3A_375 = arith.constant 0 : i32
      scf.yield %scan3A_375 : i32
    }
    %scan3A_64 = arith.constant 64 : i32
    %dma_start3A_65 = arith.constant 0 : i32
    %dma_start3A_66 = tpu.memref_slice %arg8[%add3A_49, %dma_start3A_65] : memref<16384x128xbf16, #tpu.memory_space<hbm>> -> memref<64x128xbf16, #tpu.memory_space<hbm>>
    %dma_start3A_67 = arith.constant 0 : i32
    %dma_start3A_68 = tpu.memref_slice %arg8[%add3A_49, %dma_start3A_67] : memref<16384x128xbf16, #tpu.memory_space<hbm>> -> memref<64x128xbf16, #tpu.memory_space<hbm>>
    tpu.enqueue_dma source(%arg21 : memref<64x128xbf16, #tpu.memory_space<vmem>>) target(%dma_start3A_68 : memref<64x128xbf16, #tpu.memory_space<hbm>>) target_semaphore(%arg31 : memref<!tpu.dma_semaphore, #tpu.memory_space<semaphore_mem>>)
    %dma_wait3A_69 = arith.constant 0 : i32
    %dma_wait3A_70 = tpu.memref_slice %arg11[%dma_wait3A_69] : memref<256xi32, #tpu.memory_space<vmem>> -> memref<64xi32, #tpu.memory_space<vmem>>
    %dma_wait3A_71 = arith.constant 0 : i32
    %dma_wait3A_72 = arith.constant 0 : i32
    %dma_wait3A_73 = tpu.memref_slice %arg6[%dma_wait3A_71, %dma_wait3A_72] : memref<1000001x128xf32, #tpu.memory_space<hbm>> -> memref<1000001x128xf32, #tpu.memory_space<hbm>>
    tpu.wait_indirect_dma semaphore(%arg27 : memref<!tpu.dma_semaphore, #tpu.memory_space<semaphore_mem>>) src(%dma_wait3A_73 : memref<1000001x128xf32, #tpu.memory_space<hbm>>) dst(%arg17 : memref<64x128xf32, #tpu.memory_space<vmem>>)
    %dma_start3A_74 = arith.constant 0 : i32
    %dma_start3A_75 = tpu.memref_slice %arg9[%add3A_49, %dma_start3A_74] : memref<16384x128xf32, #tpu.memory_space<hbm>> -> memref<64x128xf32, #tpu.memory_space<hbm>>
    %dma_start3A_76 = arith.constant 0 : i32
    %dma_start3A_77 = tpu.memref_slice %arg9[%add3A_49, %dma_start3A_76] : memref<16384x128xf32, #tpu.memory_space<hbm>> -> memref<64x128xf32, #tpu.memory_space<hbm>>
    tpu.enqueue_dma source(%arg17 : memref<64x128xf32, #tpu.memory_space<vmem>>) target(%dma_start3A_77 : memref<64x128xf32, #tpu.memory_space<hbm>>) target_semaphore(%arg33 : memref<!tpu.dma_semaphore, #tpu.memory_space<semaphore_mem>>)
    %dma_wait3A_78 = arith.constant 0 : i32
    %dma_wait3A_79 = tpu.memref_slice %arg12[%dma_wait3A_78] : memref<256xi32, #tpu.memory_space<vmem>> -> memref<64xi32, #tpu.memory_space<vmem>>
    %dma_wait3A_80 = arith.constant 0 : i32
    %dma_wait3A_81 = arith.constant 0 : i32
    %dma_wait3A_82 = tpu.memref_slice %arg7[%dma_wait3A_80, %dma_wait3A_81] : memref<100001x128xf32, #tpu.memory_space<hbm>> -> memref<100001x128xf32, #tpu.memory_space<hbm>>
    tpu.wait_indirect_dma semaphore(%arg29 : memref<!tpu.dma_semaphore, #tpu.memory_space<semaphore_mem>>) src(%dma_wait3A_82 : memref<100001x128xf32, #tpu.memory_space<hbm>>) dst(%arg19 : memref<64x128xf32, #tpu.memory_space<vmem>>)
    %dma_start3A_83 = arith.constant 0 : i32
    %dma_start3A_84 = tpu.memref_slice %arg10[%add3A_49, %dma_start3A_83] : memref<16384x128xf32, #tpu.memory_space<hbm>> -> memref<64x128xf32, #tpu.memory_space<hbm>>
    %dma_start3A_85 = arith.constant 0 : i32
    %dma_start3A_86 = tpu.memref_slice %arg10[%add3A_49, %dma_start3A_85] : memref<16384x128xf32, #tpu.memory_space<hbm>> -> memref<64x128xf32, #tpu.memory_space<hbm>>
    tpu.enqueue_dma source(%arg19 : memref<64x128xf32, #tpu.memory_space<vmem>>) target(%dma_start3A_86 : memref<64x128xf32, #tpu.memory_space<hbm>>) target_semaphore(%arg35 : memref<!tpu.dma_semaphore, #tpu.memory_space<semaphore_mem>>)
    %dma_wait3A_87 = arith.constant 0 : i32
    %dma_wait3A_88 = tpu.memref_slice %arg8[%add3A_49, %dma_wait3A_87] : memref<16384x128xbf16, #tpu.memory_space<hbm>> -> memref<64x128xbf16, #tpu.memory_space<hbm>>
    %dma_wait3A_89 = arith.constant 0 : i32
    %dma_wait3A_90 = tpu.memref_slice %arg8[%add3A_49, %dma_wait3A_89] : memref<16384x128xbf16, #tpu.memory_space<hbm>> -> memref<64x128xbf16, #tpu.memory_space<hbm>>
    tpu.wait_dma2 semaphore(%arg31 : memref<!tpu.dma_semaphore, #tpu.memory_space<semaphore_mem>>) src(%arg21 : memref<64x128xbf16, #tpu.memory_space<vmem>>) dst(%dma_wait3A_90 : memref<64x128xbf16, #tpu.memory_space<hbm>>)
    %dma_wait3A_91 = arith.constant 0 : i32
    %dma_wait3A_92 = tpu.memref_slice %arg9[%add3A_49, %dma_wait3A_91] : memref<16384x128xf32, #tpu.memory_space<hbm>> -> memref<64x128xf32, #tpu.memory_space<hbm>>
    %dma_wait3A_93 = arith.constant 0 : i32
    %dma_wait3A_94 = tpu.memref_slice %arg9[%add3A_49, %dma_wait3A_93] : memref<16384x128xf32, #tpu.memory_space<hbm>> -> memref<64x128xf32, #tpu.memory_space<hbm>>
    tpu.wait_dma2 semaphore(%arg33 : memref<!tpu.dma_semaphore, #tpu.memory_space<semaphore_mem>>) src(%arg17 : memref<64x128xf32, #tpu.memory_space<vmem>>) dst(%dma_wait3A_94 : memref<64x128xf32, #tpu.memory_space<hbm>>)
    %dma_wait3A_95 = arith.constant 0 : i32
    %dma_wait3A_96 = tpu.memref_slice %arg10[%add3A_49, %dma_wait3A_95] : memref<16384x128xf32, #tpu.memory_space<hbm>> -> memref<64x128xf32, #tpu.memory_space<hbm>>
    %dma_wait3A_97 = arith.constant 0 : i32
    %dma_wait3A_98 = tpu.memref_slice %arg10[%add3A_49, %dma_wait3A_97] : memref<16384x128xf32, #tpu.memory_space<hbm>> -> memref<64x128xf32, #tpu.memory_space<hbm>>
    tpu.wait_dma2 semaphore(%arg35 : memref<!tpu.dma_semaphore, #tpu.memory_space<semaphore_mem>>) src(%arg19 : memref<64x128xf32, #tpu.memory_space<vmem>>) dst(%dma_wait3A_98 : memref<64x128xf32, #tpu.memory_space<hbm>>)
    %dma_start3A_99 = arith.constant 128 : i32
    %dma_start3A_100 = tpu.memref_slice %arg11[%dma_start3A_99] : memref<256xi32, #tpu.memory_space<vmem>> -> memref<64xi32, #tpu.memory_space<vmem>>
    %dma_start3A_101 = arith.constant 0 : i32
    %dma_start3A_102 = arith.constant 0 : i32
    %dma_start3A_103 = tpu.memref_slice %arg4[%dma_start3A_101, %dma_start3A_102] : memref<1000001x128xf32, #tpu.memory_space<hbm>> -> memref<1000001x128xf32, #tpu.memory_space<hbm>>
    tpu.enqueue_indirect_dma source(%dma_start3A_103 : memref<1000001x128xf32, #tpu.memory_space<hbm>>) target(%arg13 : memref<64x128xf32, #tpu.memory_space<vmem>>) offsets(%dma_start3A_100 : memref<64xi32, #tpu.memory_space<vmem>>) semaphore(%arg23 : memref<!tpu.dma_semaphore, #tpu.memory_space<semaphore_mem>>)
    %dma_start3A_104 = arith.constant 128 : i32
    %dma_start3A_105 = tpu.memref_slice %arg12[%dma_start3A_104] : memref<256xi32, #tpu.memory_space<vmem>> -> memref<64xi32, #tpu.memory_space<vmem>>
    %dma_start3A_106 = arith.constant 0 : i32
    %dma_start3A_107 = arith.constant 0 : i32
    %dma_start3A_108 = tpu.memref_slice %arg5[%dma_start3A_106, %dma_start3A_107] : memref<100001x128xf32, #tpu.memory_space<hbm>> -> memref<100001x128xf32, #tpu.memory_space<hbm>>
    tpu.enqueue_indirect_dma source(%dma_start3A_108 : memref<100001x128xf32, #tpu.memory_space<hbm>>) target(%arg15 : memref<64x128xf32, #tpu.memory_space<vmem>>) offsets(%dma_start3A_105 : memref<64xi32, #tpu.memory_space<vmem>>) semaphore(%arg25 : memref<!tpu.dma_semaphore, #tpu.memory_space<semaphore_mem>>)
    %dma_start3A_109 = arith.constant 128 : i32
    %dma_start3A_110 = tpu.memref_slice %arg11[%dma_start3A_109] : memref<256xi32, #tpu.memory_space<vmem>> -> memref<64xi32, #tpu.memory_space<vmem>>
    %dma_start3A_111 = arith.constant 0 : i32
    %dma_start3A_112 = arith.constant 0 : i32
    %dma_start3A_113 = tpu.memref_slice %arg6[%dma_start3A_111, %dma_start3A_112] : memref<1000001x128xf32, #tpu.memory_space<hbm>> -> memref<1000001x128xf32, #tpu.memory_space<hbm>>
    tpu.enqueue_indirect_dma source(%dma_start3A_113 : memref<1000001x128xf32, #tpu.memory_space<hbm>>) target(%arg17 : memref<64x128xf32, #tpu.memory_space<vmem>>) offsets(%dma_start3A_110 : memref<64xi32, #tpu.memory_space<vmem>>) semaphore(%arg27 : memref<!tpu.dma_semaphore, #tpu.memory_space<semaphore_mem>>)
    %dma_start3A_114 = arith.constant 128 : i32
    %dma_start3A_115 = tpu.memref_slice %arg12[%dma_start3A_114] : memref<256xi32, #tpu.memory_space<vmem>> -> memref<64xi32, #tpu.memory_space<vmem>>
    %dma_start3A_116 = arith.constant 0 : i32
    %dma_start3A_117 = arith.constant 0 : i32
    %dma_start3A_118 = tpu.memref_slice %arg7[%dma_start3A_116, %dma_start3A_117] : memref<100001x128xf32, #tpu.memory_space<hbm>> -> memref<100001x128xf32, #tpu.memory_space<hbm>>
    tpu.enqueue_indirect_dma source(%dma_start3A_118 : memref<100001x128xf32, #tpu.memory_space<hbm>>) target(%arg19 : memref<64x128xf32, #tpu.memory_space<vmem>>) offsets(%dma_start3A_115 : memref<64xi32, #tpu.memory_space<vmem>>) semaphore(%arg29 : memref<!tpu.dma_semaphore, #tpu.memory_space<semaphore_mem>>)
    %add3A_119 = arith.constant 0 : i32
    %add3A_120 = arith.addi %add3A_119, %mul3A_2 : i32
    %add3A_121 = arith.constant 64 : i32
    %add3A_122 = arith.addi %add3A_120, %add3A_121 : i32
    %dma_wait3A_123 = arith.constant 64 : i32
    %dma_wait3A_124 = tpu.memref_slice %arg11[%dma_wait3A_123] : memref<256xi32, #tpu.memory_space<vmem>> -> memref<64xi32, #tpu.memory_space<vmem>>
    %dma_wait3A_125 = arith.constant 0 : i32
    %dma_wait3A_126 = arith.constant 0 : i32
    %dma_wait3A_127 = tpu.memref_slice %arg4[%dma_wait3A_125, %dma_wait3A_126] : memref<1000001x128xf32, #tpu.memory_space<hbm>> -> memref<1000001x128xf32, #tpu.memory_space<hbm>>
    tpu.wait_indirect_dma semaphore(%arg24 : memref<!tpu.dma_semaphore, #tpu.memory_space<semaphore_mem>>) src(%dma_wait3A_127 : memref<1000001x128xf32, #tpu.memory_space<hbm>>) dst(%arg14 : memref<64x128xf32, #tpu.memory_space<vmem>>)
    %dma_wait3A_128 = arith.constant 64 : i32
    %dma_wait3A_129 = tpu.memref_slice %arg12[%dma_wait3A_128] : memref<256xi32, #tpu.memory_space<vmem>> -> memref<64xi32, #tpu.memory_space<vmem>>
    %dma_wait3A_130 = arith.constant 0 : i32
    %dma_wait3A_131 = arith.constant 0 : i32
    %dma_wait3A_132 = tpu.memref_slice %arg5[%dma_wait3A_130, %dma_wait3A_131] : memref<100001x128xf32, #tpu.memory_space<hbm>> -> memref<100001x128xf32, #tpu.memory_space<hbm>>
    tpu.wait_indirect_dma semaphore(%arg26 : memref<!tpu.dma_semaphore, #tpu.memory_space<semaphore_mem>>) src(%dma_wait3A_132 : memref<100001x128xf32, #tpu.memory_space<hbm>>) dst(%arg16 : memref<64x128xf32, #tpu.memory_space<vmem>>)
    %scan3A_133 = arith.constant 0 : i32
    %scan3A_134 = arith.constant 0 : i32
    %scan3A_135 = arith.constant 64 : i32
    %scan3A_136 = arith.addi %scan3A_134, %scan3A_135 : i32
    %scan3A_137 = arith.constant 1 : i32
    %scan3A_138 = scf.for %scan3A_304 = %scan3A_134 to %scan3A_136 step %scan3A_137 iter_args(%scan3A_305 = %scan3A_133) -> (i32)  : i32 {
      %get3A = arith.index_cast %scan3A_304 : i32 to index
      %get3A_306 = arith.constant 0 : index
      %get3A_307 = tpu.vector_load %arg14[%get3A, %get3A_306] {strides = array<i32>} : memref<64x128xf32, #tpu.memory_space<vmem>>, vector<16xf32>,
      %get3A_308 = arith.index_cast %scan3A_304 : i32 to index
      %get3A_309 = arith.constant 0 : index
      %get3A_310 = tpu.vector_load %arg16[%get3A_308, %get3A_309] {strides = array<i32>} : memref<64x128xf32, #tpu.memory_space<vmem>>, vector<16xf32>,
      %mul3A_311 = arith.mulf %get3A_307, %get3A_310 : vector<16xf32>
      %get3A_312 = arith.index_cast %scan3A_304 : i32 to index
      %get3A_313 = arith.constant 16 : index
      %get3A_314 = tpu.vector_load %arg14[%get3A_312, %get3A_313] {strides = array<i32>} : memref<64x128xf32, #tpu.memory_space<vmem>>, vector<16xf32>,
      %get3A_315 = arith.index_cast %scan3A_304 : i32 to index
      %get3A_316 = arith.constant 16 : index
      %get3A_317 = tpu.vector_load %arg16[%get3A_315, %get3A_316] {strides = array<i32>} : memref<64x128xf32, #tpu.memory_space<vmem>>, vector<16xf32>,
      %mul3A_318 = arith.mulf %get3A_314, %get3A_317 : vector<16xf32>
      %pack3A = tpu.pack_subelements %mul3A_311, %mul3A_318 {pack_format = #tpu.pack_format<interleaved>, positions = array<i32: 0, 1>} : vector<16xf32>, vector<16xf32> -> vector<32xbf16>
      %swap3A = arith.index_cast %scan3A_304 : i32 to index
      %swap3A_319 = arith.constant 0 : index
      %swap3A_320 = tpu.vector_load %arg22[%swap3A, %swap3A_319] {strides = array<i32>} : memref<64x128xbf16, #tpu.memory_space<vmem>>, vector<32xbf16>,
      tpu.vector_store %arg22[%swap3A, %swap3A_319], %pack3A {strides = array<i32>} : memref<64x128xbf16, #tpu.memory_space<vmem>>, vector<32xbf16>,
      %get3A_321 = arith.index_cast %scan3A_304 : i32 to index
      %get3A_322 = arith.constant 32 : index
      %get3A_323 = tpu.vector_load %arg14[%get3A_321, %get3A_322] {strides = array<i32>} : memref<64x128xf32, #tpu.memory_space<vmem>>, vector<16xf32>,
      %get3A_324 = arith.index_cast %scan3A_304 : i32 to index
      %get3A_325 = arith.constant 32 : index
      %get3A_326 = tpu.vector_load %arg16[%get3A_324, %get3A_325] {strides = array<i32>} : memref<64x128xf32, #tpu.memory_space<vmem>>, vector<16xf32>,
      %mul3A_327 = arith.mulf %get3A_323, %get3A_326 : vector<16xf32>
      %get3A_328 = arith.index_cast %scan3A_304 : i32 to index
      %get3A_329 = arith.constant 48 : index
      %get3A_330 = tpu.vector_load %arg14[%get3A_328, %get3A_329] {strides = array<i32>} : memref<64x128xf32, #tpu.memory_space<vmem>>, vector<16xf32>,
      %get3A_331 = arith.index_cast %scan3A_304 : i32 to index
      %get3A_332 = arith.constant 48 : index
      %get3A_333 = tpu.vector_load %arg16[%get3A_331, %get3A_332] {strides = array<i32>} : memref<64x128xf32, #tpu.memory_space<vmem>>, vector<16xf32>,
      %mul3A_334 = arith.mulf %get3A_330, %get3A_333 : vector<16xf32>
      %pack3A_335 = tpu.pack_subelements %mul3A_327, %mul3A_334 {pack_format = #tpu.pack_format<interleaved>, positions = array<i32: 0, 1>} : vector<16xf32>, vector<16xf32> -> vector<32xbf16>
      %swap3A_336 = arith.index_cast %scan3A_304 : i32 to index
      %swap3A_337 = arith.constant 32 : index
      %swap3A_338 = tpu.vector_load %arg22[%swap3A_336, %swap3A_337] {strides = array<i32>} : memref<64x128xbf16, #tpu.memory_space<vmem>>, vector<32xbf16>,
      tpu.vector_store %arg22[%swap3A_336, %swap3A_337], %pack3A_335 {strides = array<i32>} : memref<64x128xbf16, #tpu.memory_space<vmem>>, vector<32xbf16>,
      %get3A_339 = arith.index_cast %scan3A_304 : i32 to index
      %get3A_340 = arith.constant 64 : index
      %get3A_341 = tpu.vector_load %arg14[%get3A_339, %get3A_340] {strides = array<i32>} : memref<64x128xf32, #tpu.memory_space<vmem>>, vector<16xf32>,
      %get3A_342 = arith.index_cast %scan3A_304 : i32 to index
      %get3A_343 = arith.constant 64 : index
      %get3A_344 = tpu.vector_load %arg16[%get3A_342, %get3A_343] {strides = array<i32>} : memref<64x128xf32, #tpu.memory_space<vmem>>, vector<16xf32>,
      %mul3A_345 = arith.mulf %get3A_341, %get3A_344 : vector<16xf32>
      %get3A_346 = arith.index_cast %scan3A_304 : i32 to index
      %get3A_347 = arith.constant 80 : index
      %get3A_348 = tpu.vector_load %arg14[%get3A_346, %get3A_347] {strides = array<i32>} : memref<64x128xf32, #tpu.memory_space<vmem>>, vector<16xf32>,
      %get3A_349 = arith.index_cast %scan3A_304 : i32 to index
      %get3A_350 = arith.constant 80 : index
      %get3A_351 = tpu.vector_load %arg16[%get3A_349, %get3A_350] {strides = array<i32>} : memref<64x128xf32, #tpu.memory_space<vmem>>, vector<16xf32>,
      %mul3A_352 = arith.mulf %get3A_348, %get3A_351 : vector<16xf32>
      %pack3A_353 = tpu.pack_subelements %mul3A_345, %mul3A_352 {pack_format = #tpu.pack_format<interleaved>, positions = array<i32: 0, 1>} : vector<16xf32>, vector<16xf32> -> vector<32xbf16>
      %swap3A_354 = arith.index_cast %scan3A_304 : i32 to index
      %swap3A_355 = arith.constant 64 : index
      %swap3A_356 = tpu.vector_load %arg22[%swap3A_354, %swap3A_355] {strides = array<i32>} : memref<64x128xbf16, #tpu.memory_space<vmem>>, vector<32xbf16>,
      tpu.vector_store %arg22[%swap3A_354, %swap3A_355], %pack3A_353 {strides = array<i32>} : memref<64x128xbf16, #tpu.memory_space<vmem>>, vector<32xbf16>,
      %get3A_357 = arith.index_cast %scan3A_304 : i32 to index
      %get3A_358 = arith.constant 96 : index
      %get3A_359 = tpu.vector_load %arg14[%get3A_357, %get3A_358] {strides = array<i32>} : memref<64x128xf32, #tpu.memory_space<vmem>>, vector<16xf32>,
      %get3A_360 = arith.index_cast %scan3A_304 : i32 to index
      %get3A_361 = arith.constant 96 : index
      %get3A_362 = tpu.vector_load %arg16[%get3A_360, %get3A_361] {strides = array<i32>} : memref<64x128xf32, #tpu.memory_space<vmem>>, vector<16xf32>,
      %mul3A_363 = arith.mulf %get3A_359, %get3A_362 : vector<16xf32>
      %get3A_364 = arith.index_cast %scan3A_304 : i32 to index
      %get3A_365 = arith.constant 112 : index
      %get3A_366 = tpu.vector_load %arg14[%get3A_364, %get3A_365] {strides = array<i32>} : memref<64x128xf32, #tpu.memory_space<vmem>>, vector<16xf32>,
      %get3A_367 = arith.index_cast %scan3A_304 : i32 to index
      %get3A_368 = arith.constant 112 : index
      %get3A_369 = tpu.vector_load %arg16[%get3A_367, %get3A_368] {strides = array<i32>} : memref<64x128xf32, #tpu.memory_space<vmem>>, vector<16xf32>,
      %mul3A_370 = arith.mulf %get3A_366, %get3A_369 : vector<16xf32>
      %pack3A_371 = tpu.pack_subelements %mul3A_363, %mul3A_370 {pack_format = #tpu.pack_format<interleaved>, positions = array<i32: 0, 1>} : vector<16xf32>, vector<16xf32> -> vector<32xbf16>
      %swap3A_372 = arith.index_cast %scan3A_304 : i32 to index
      %swap3A_373 = arith.constant 96 : index
      %swap3A_374 = tpu.vector_load %arg22[%swap3A_372, %swap3A_373] {strides = array<i32>} : memref<64x128xbf16, #tpu.memory_space<vmem>>, vector<32xbf16>,
      tpu.vector_store %arg22[%swap3A_372, %swap3A_373], %pack3A_371 {strides = array<i32>} : memref<64x128xbf16, #tpu.memory_space<vmem>>, vector<32xbf16>,
      %scan3A_375 = arith.constant 0 : i32
      scf.yield %scan3A_375 : i32
    }
    %scan3A_139 = arith.constant 64 : i32
    %dma_start3A_140 = arith.constant 0 : i32
    %dma_start3A_141 = tpu.memref_slice %arg8[%add3A_122, %dma_start3A_140] : memref<16384x128xbf16, #tpu.memory_space<hbm>> -> memref<64x128xbf16, #tpu.memory_space<hbm>>
    %dma_start3A_142 = arith.constant 0 : i32
    %dma_start3A_143 = tpu.memref_slice %arg8[%add3A_122, %dma_start3A_142] : memref<16384x128xbf16, #tpu.memory_space<hbm>> -> memref<64x128xbf16, #tpu.memory_space<hbm>>
    tpu.enqueue_dma source(%arg22 : memref<64x128xbf16, #tpu.memory_space<vmem>>) target(%dma_start3A_143 : memref<64x128xbf16, #tpu.memory_space<hbm>>) target_semaphore(%arg32 : memref<!tpu.dma_semaphore, #tpu.memory_space<semaphore_mem>>)
    %dma_wait3A_144 = arith.constant 64 : i32
    %dma_wait3A_145 = tpu.memref_slice %arg11[%dma_wait3A_144] : memref<256xi32, #tpu.memory_space<vmem>> -> memref<64xi32, #tpu.memory_space<vmem>>
    %dma_wait3A_146 = arith.constant 0 : i32
    %dma_wait3A_147 = arith.constant 0 : i32
    %dma_wait3A_148 = tpu.memref_slice %arg6[%dma_wait3A_146, %dma_wait3A_147] : memref<1000001x128xf32, #tpu.memory_space<hbm>> -> memref<1000001x128xf32, #tpu.memory_space<hbm>>
    tpu.wait_indirect_dma semaphore(%arg28 : memref<!tpu.dma_semaphore, #tpu.memory_space<semaphore_mem>>) src(%dma_wait3A_148 : memref<1000001x128xf32, #tpu.memory_space<hbm>>) dst(%arg18 : memref<64x128xf32, #tpu.memory_space<vmem>>)
    %dma_start3A_149 = arith.constant 0 : i32
    %dma_start3A_150 = tpu.memref_slice %arg9[%add3A_122, %dma_start3A_149] : memref<16384x128xf32, #tpu.memory_space<hbm>> -> memref<64x128xf32, #tpu.memory_space<hbm>>
    %dma_start3A_151 = arith.constant 0 : i32
    %dma_start3A_152 = tpu.memref_slice %arg9[%add3A_122, %dma_start3A_151] : memref<16384x128xf32, #tpu.memory_space<hbm>> -> memref<64x128xf32, #tpu.memory_space<hbm>>
    tpu.enqueue_dma source(%arg18 : memref<64x128xf32, #tpu.memory_space<vmem>>) target(%dma_start3A_152 : memref<64x128xf32, #tpu.memory_space<hbm>>) target_semaphore(%arg34 : memref<!tpu.dma_semaphore, #tpu.memory_space<semaphore_mem>>)
    %dma_wait3A_153 = arith.constant 64 : i32
    %dma_wait3A_154 = tpu.memref_slice %arg12[%dma_wait3A_153] : memref<256xi32, #tpu.memory_space<vmem>> -> memref<64xi32, #tpu.memory_space<vmem>>
    %dma_wait3A_155 = arith.constant 0 : i32
    %dma_wait3A_156 = arith.constant 0 : i32
    %dma_wait3A_157 = tpu.memref_slice %arg7[%dma_wait3A_155, %dma_wait3A_156] : memref<100001x128xf32, #tpu.memory_space<hbm>> -> memref<100001x128xf32, #tpu.memory_space<hbm>>
    tpu.wait_indirect_dma semaphore(%arg30 : memref<!tpu.dma_semaphore, #tpu.memory_space<semaphore_mem>>) src(%dma_wait3A_157 : memref<100001x128xf32, #tpu.memory_space<hbm>>) dst(%arg20 : memref<64x128xf32, #tpu.memory_space<vmem>>)
    %dma_start3A_158 = arith.constant 0 : i32
    %dma_start3A_159 = tpu.memref_slice %arg10[%add3A_122, %dma_start3A_158] : memref<16384x128xf32, #tpu.memory_space<hbm>> -> memref<64x128xf32, #tpu.memory_space<hbm>>
    %dma_start3A_160 = arith.constant 0 : i32
    %dma_start3A_161 = tpu.memref_slice %arg10[%add3A_122, %dma_start3A_160] : memref<16384x128xf32, #tpu.memory_space<hbm>> -> memref<64x128xf32, #tpu.memory_space<hbm>>
    tpu.enqueue_dma source(%arg20 : memref<64x128xf32, #tpu.memory_space<vmem>>) target(%dma_start3A_161 : memref<64x128xf32, #tpu.memory_space<hbm>>) target_semaphore(%arg36 : memref<!tpu.dma_semaphore, #tpu.memory_space<semaphore_mem>>)
    %dma_wait3A_162 = arith.constant 0 : i32
    %dma_wait3A_163 = tpu.memref_slice %arg8[%add3A_122, %dma_wait3A_162] : memref<16384x128xbf16, #tpu.memory_space<hbm>> -> memref<64x128xbf16, #tpu.memory_space<hbm>>
    %dma_wait3A_164 = arith.constant 0 : i32
    %dma_wait3A_165 = tpu.memref_slice %arg8[%add3A_122, %dma_wait3A_164] : memref<16384x128xbf16, #tpu.memory_space<hbm>> -> memref<64x128xbf16, #tpu.memory_space<hbm>>
    tpu.wait_dma2 semaphore(%arg32 : memref<!tpu.dma_semaphore, #tpu.memory_space<semaphore_mem>>) src(%arg22 : memref<64x128xbf16, #tpu.memory_space<vmem>>) dst(%dma_wait3A_165 : memref<64x128xbf16, #tpu.memory_space<hbm>>)
    %dma_wait3A_166 = arith.constant 0 : i32
    %dma_wait3A_167 = tpu.memref_slice %arg9[%add3A_122, %dma_wait3A_166] : memref<16384x128xf32, #tpu.memory_space<hbm>> -> memref<64x128xf32, #tpu.memory_space<hbm>>
    %dma_wait3A_168 = arith.constant 0 : i32
    %dma_wait3A_169 = tpu.memref_slice %arg9[%add3A_122, %dma_wait3A_168] : memref<16384x128xf32, #tpu.memory_space<hbm>> -> memref<64x128xf32, #tpu.memory_space<hbm>>
    tpu.wait_dma2 semaphore(%arg34 : memref<!tpu.dma_semaphore, #tpu.memory_space<semaphore_mem>>) src(%arg18 : memref<64x128xf32, #tpu.memory_space<vmem>>) dst(%dma_wait3A_169 : memref<64x128xf32, #tpu.memory_space<hbm>>)
    %dma_wait3A_170 = arith.constant 0 : i32
    %dma_wait3A_171 = tpu.memref_slice %arg10[%add3A_122, %dma_wait3A_170] : memref<16384x128xf32, #tpu.memory_space<hbm>> -> memref<64x128xf32, #tpu.memory_space<hbm>>
    %dma_wait3A_172 = arith.constant 0 : i32
    %dma_wait3A_173 = tpu.memref_slice %arg10[%add3A_122, %dma_wait3A_172] : memref<16384x128xf32, #tpu.memory_space<hbm>> -> memref<64x128xf32, #tpu.memory_space<hbm>>
    tpu.wait_dma2 semaphore(%arg36 : memref<!tpu.dma_semaphore, #tpu.memory_space<semaphore_mem>>) src(%arg20 : memref<64x128xf32, #tpu.memory_space<vmem>>) dst(%dma_wait3A_173 : memref<64x128xf32, #tpu.memory_space<hbm>>)
    %dma_start3A_174 = arith.constant 192 : i32
    %dma_start3A_175 = tpu.memref_slice %arg11[%dma_start3A_174] : memref<256xi32, #tpu.memory_space<vmem>> -> memref<64xi32, #tpu.memory_space<vmem>>
    %dma_start3A_176 = arith.constant 0 : i32
    %dma_start3A_177 = arith.constant 0 : i32
    %dma_start3A_178 = tpu.memref_slice %arg4[%dma_start3A_176, %dma_start3A_177] : memref<1000001x128xf32, #tpu.memory_space<hbm>> -> memref<1000001x128xf32, #tpu.memory_space<hbm>>
    tpu.enqueue_indirect_dma source(%dma_start3A_178 : memref<1000001x128xf32, #tpu.memory_space<hbm>>) target(%arg14 : memref<64x128xf32, #tpu.memory_space<vmem>>) offsets(%dma_start3A_175 : memref<64xi32, #tpu.memory_space<vmem>>) semaphore(%arg24 : memref<!tpu.dma_semaphore, #tpu.memory_space<semaphore_mem>>)
    %dma_start3A_179 = arith.constant 192 : i32
    %dma_start3A_180 = tpu.memref_slice %arg12[%dma_start3A_179] : memref<256xi32, #tpu.memory_space<vmem>> -> memref<64xi32, #tpu.memory_space<vmem>>
    %dma_start3A_181 = arith.constant 0 : i32
    %dma_start3A_182 = arith.constant 0 : i32
    %dma_start3A_183 = tpu.memref_slice %arg5[%dma_start3A_181, %dma_start3A_182] : memref<100001x128xf32, #tpu.memory_space<hbm>> -> memref<100001x128xf32, #tpu.memory_space<hbm>>
    tpu.enqueue_indirect_dma source(%dma_start3A_183 : memref<100001x128xf32, #tpu.memory_space<hbm>>) target(%arg16 : memref<64x128xf32, #tpu.memory_space<vmem>>) offsets(%dma_start3A_180 : memref<64xi32, #tpu.memory_space<vmem>>) semaphore(%arg26 : memref<!tpu.dma_semaphore, #tpu.memory_space<semaphore_mem>>)
    %dma_start3A_184 = arith.constant 192 : i32
    %dma_start3A_185 = tpu.memref_slice %arg11[%dma_start3A_184] : memref<256xi32, #tpu.memory_space<vmem>> -> memref<64xi32, #tpu.memory_space<vmem>>
    %dma_start3A_186 = arith.constant 0 : i32
    %dma_start3A_187 = arith.constant 0 : i32
    %dma_start3A_188 = tpu.memref_slice %arg6[%dma_start3A_186, %dma_start3A_187] : memref<1000001x128xf32, #tpu.memory_space<hbm>> -> memref<1000001x128xf32, #tpu.memory_space<hbm>>
    tpu.enqueue_indirect_dma source(%dma_start3A_188 : memref<1000001x128xf32, #tpu.memory_space<hbm>>) target(%arg18 : memref<64x128xf32, #tpu.memory_space<vmem>>) offsets(%dma_start3A_185 : memref<64xi32, #tpu.memory_space<vmem>>) semaphore(%arg28 : memref<!tpu.dma_semaphore, #tpu.memory_space<semaphore_mem>>)
    %dma_start3A_189 = arith.constant 192 : i32
    %dma_start3A_190 = tpu.memref_slice %arg12[%dma_start3A_189] : memref<256xi32, #tpu.memory_space<vmem>> -> memref<64xi32, #tpu.memory_space<vmem>>
    %dma_start3A_191 = arith.constant 0 : i32
    %dma_start3A_192 = arith.constant 0 : i32
    %dma_start3A_193 = tpu.memref_slice %arg7[%dma_start3A_191, %dma_start3A_192] : memref<100001x128xf32, #tpu.memory_space<hbm>> -> memref<100001x128xf32, #tpu.memory_space<hbm>>
    tpu.enqueue_indirect_dma source(%dma_start3A_193 : memref<100001x128xf32, #tpu.memory_space<hbm>>) target(%arg20 : memref<64x128xf32, #tpu.memory_space<vmem>>) offsets(%dma_start3A_190 : memref<64xi32, #tpu.memory_space<vmem>>) semaphore(%arg30 : memref<!tpu.dma_semaphore, #tpu.memory_space<semaphore_mem>>)
    %add3A_194 = arith.constant 0 : i32
    %add3A_195 = arith.addi %add3A_194, %mul3A_2 : i32
    %add3A_196 = arith.constant 128 : i32
    %add3A_197 = arith.addi %add3A_195, %add3A_196 : i32
    %dma_wait3A_198 = arith.constant 128 : i32
    %dma_wait3A_199 = tpu.memref_slice %arg11[%dma_wait3A_198] : memref<256xi32, #tpu.memory_space<vmem>> -> memref<64xi32, #tpu.memory_space<vmem>>
    %dma_wait3A_200 = arith.constant 0 : i32
    %dma_wait3A_201 = arith.constant 0 : i32
    %dma_wait3A_202 = tpu.memref_slice %arg4[%dma_wait3A_200, %dma_wait3A_201] : memref<1000001x128xf32, #tpu.memory_space<hbm>> -> memref<1000001x128xf32, #tpu.memory_space<hbm>>
    tpu.wait_indirect_dma semaphore(%arg23 : memref<!tpu.dma_semaphore, #tpu.memory_space<semaphore_mem>>) src(%dma_wait3A_202 : memref<1000001x128xf32, #tpu.memory_space<hbm>>) dst(%arg13 : memref<64x128xf32, #tpu.memory_space<vmem>>)
    %dma_wait3A_203 = arith.constant 128 : i32
    %dma_wait3A_204 = tpu.memref_slice %arg12[%dma_wait3A_203] : memref<256xi32, #tpu.memory_space<vmem>> -> memref<64xi32, #tpu.memory_space<vmem>>
    %dma_wait3A_205 = arith.constant 0 : i32
    %dma_wait3A_206 = arith.constant 0 : i32
    %dma_wait3A_207 = tpu.memref_slice %arg5[%dma_wait3A_205, %dma_wait3A_206] : memref<100001x128xf32, #tpu.memory_space<hbm>> -> memref<100001x128xf32, #tpu.memory_space<hbm>>
    tpu.wait_indirect_dma semaphore(%arg25 : memref<!tpu.dma_semaphore, #tpu.memory_space<semaphore_mem>>) src(%dma_wait3A_207 : memref<100001x128xf32, #tpu.memory_space<hbm>>) dst(%arg15 : memref<64x128xf32, #tpu.memory_space<vmem>>)
    %scan3A_208 = arith.constant 0 : i32
    %scan3A_209 = arith.constant 0 : i32
    %scan3A_210 = arith.constant 64 : i32
    %scan3A_211 = arith.addi %scan3A_209, %scan3A_210 : i32
    %scan3A_212 = arith.constant 1 : i32
    %scan3A_213 = scf.for %scan3A_304 = %scan3A_209 to %scan3A_211 step %scan3A_212 iter_args(%scan3A_305 = %scan3A_208) -> (i32)  : i32 {
      %get3A = arith.index_cast %scan3A_304 : i32 to index
      %get3A_306 = arith.constant 0 : index
      %get3A_307 = tpu.vector_load %arg13[%get3A, %get3A_306] {strides = array<i32>} : memref<64x128xf32, #tpu.memory_space<vmem>>, vector<16xf32>,
      %get3A_308 = arith.index_cast %scan3A_304 : i32 to index
      %get3A_309 = arith.constant 0 : index
      %get3A_310 = tpu.vector_load %arg15[%get3A_308, %get3A_309] {strides = array<i32>} : memref<64x128xf32, #tpu.memory_space<vmem>>, vector<16xf32>,
      %mul3A_311 = arith.mulf %get3A_307, %get3A_310 : vector<16xf32>
      %get3A_312 = arith.index_cast %scan3A_304 : i32 to index
      %get3A_313 = arith.constant 16 : index
      %get3A_314 = tpu.vector_load %arg13[%get3A_312, %get3A_313] {strides = array<i32>} : memref<64x128xf32, #tpu.memory_space<vmem>>, vector<16xf32>,
      %get3A_315 = arith.index_cast %scan3A_304 : i32 to index
      %get3A_316 = arith.constant 16 : index
      %get3A_317 = tpu.vector_load %arg15[%get3A_315, %get3A_316] {strides = array<i32>} : memref<64x128xf32, #tpu.memory_space<vmem>>, vector<16xf32>,
      %mul3A_318 = arith.mulf %get3A_314, %get3A_317 : vector<16xf32>
      %pack3A = tpu.pack_subelements %mul3A_311, %mul3A_318 {pack_format = #tpu.pack_format<interleaved>, positions = array<i32: 0, 1>} : vector<16xf32>, vector<16xf32> -> vector<32xbf16>
      %swap3A = arith.index_cast %scan3A_304 : i32 to index
      %swap3A_319 = arith.constant 0 : index
      %swap3A_320 = tpu.vector_load %arg21[%swap3A, %swap3A_319] {strides = array<i32>} : memref<64x128xbf16, #tpu.memory_space<vmem>>, vector<32xbf16>,
      tpu.vector_store %arg21[%swap3A, %swap3A_319], %pack3A {strides = array<i32>} : memref<64x128xbf16, #tpu.memory_space<vmem>>, vector<32xbf16>,
      %get3A_321 = arith.index_cast %scan3A_304 : i32 to index
      %get3A_322 = arith.constant 32 : index
      %get3A_323 = tpu.vector_load %arg13[%get3A_321, %get3A_322] {strides = array<i32>} : memref<64x128xf32, #tpu.memory_space<vmem>>, vector<16xf32>,
      %get3A_324 = arith.index_cast %scan3A_304 : i32 to index
      %get3A_325 = arith.constant 32 : index
      %get3A_326 = tpu.vector_load %arg15[%get3A_324, %get3A_325] {strides = array<i32>} : memref<64x128xf32, #tpu.memory_space<vmem>>, vector<16xf32>,
      %mul3A_327 = arith.mulf %get3A_323, %get3A_326 : vector<16xf32>
      %get3A_328 = arith.index_cast %scan3A_304 : i32 to index
      %get3A_329 = arith.constant 48 : index
      %get3A_330 = tpu.vector_load %arg13[%get3A_328, %get3A_329] {strides = array<i32>} : memref<64x128xf32, #tpu.memory_space<vmem>>, vector<16xf32>,
      %get3A_331 = arith.index_cast %scan3A_304 : i32 to index
      %get3A_332 = arith.constant 48 : index
      %get3A_333 = tpu.vector_load %arg15[%get3A_331, %get3A_332] {strides = array<i32>} : memref<64x128xf32, #tpu.memory_space<vmem>>, vector<16xf32>,
      %mul3A_334 = arith.mulf %get3A_330, %get3A_333 : vector<16xf32>
      %pack3A_335 = tpu.pack_subelements %mul3A_327, %mul3A_334 {pack_format = #tpu.pack_format<interleaved>, positions = array<i32: 0, 1>} : vector<16xf32>, vector<16xf32> -> vector<32xbf16>
      %swap3A_336 = arith.index_cast %scan3A_304 : i32 to index
      %swap3A_337 = arith.constant 32 : index
      %swap3A_338 = tpu.vector_load %arg21[%swap3A_336, %swap3A_337] {strides = array<i32>} : memref<64x128xbf16, #tpu.memory_space<vmem>>, vector<32xbf16>,
      tpu.vector_store %arg21[%swap3A_336, %swap3A_337], %pack3A_335 {strides = array<i32>} : memref<64x128xbf16, #tpu.memory_space<vmem>>, vector<32xbf16>,
      %get3A_339 = arith.index_cast %scan3A_304 : i32 to index
      %get3A_340 = arith.constant 64 : index
      %get3A_341 = tpu.vector_load %arg13[%get3A_339, %get3A_340] {strides = array<i32>} : memref<64x128xf32, #tpu.memory_space<vmem>>, vector<16xf32>,
      %get3A_342 = arith.index_cast %scan3A_304 : i32 to index
      %get3A_343 = arith.constant 64 : index
      %get3A_344 = tpu.vector_load %arg15[%get3A_342, %get3A_343] {strides = array<i32>} : memref<64x128xf32, #tpu.memory_space<vmem>>, vector<16xf32>,
      %mul3A_345 = arith.mulf %get3A_341, %get3A_344 : vector<16xf32>
      %get3A_346 = arith.index_cast %scan3A_304 : i32 to index
      %get3A_347 = arith.constant 80 : index
      %get3A_348 = tpu.vector_load %arg13[%get3A_346, %get3A_347] {strides = array<i32>} : memref<64x128xf32, #tpu.memory_space<vmem>>, vector<16xf32>,
      %get3A_349 = arith.index_cast %scan3A_304 : i32 to index
      %get3A_350 = arith.constant 80 : index
      %get3A_351 = tpu.vector_load %arg15[%get3A_349, %get3A_350] {strides = array<i32>} : memref<64x128xf32, #tpu.memory_space<vmem>>, vector<16xf32>,
      %mul3A_352 = arith.mulf %get3A_348, %get3A_351 : vector<16xf32>
      %pack3A_353 = tpu.pack_subelements %mul3A_345, %mul3A_352 {pack_format = #tpu.pack_format<interleaved>, positions = array<i32: 0, 1>} : vector<16xf32>, vector<16xf32> -> vector<32xbf16>
      %swap3A_354 = arith.index_cast %scan3A_304 : i32 to index
      %swap3A_355 = arith.constant 64 : index
      %swap3A_356 = tpu.vector_load %arg21[%swap3A_354, %swap3A_355] {strides = array<i32>} : memref<64x128xbf16, #tpu.memory_space<vmem>>, vector<32xbf16>,
      tpu.vector_store %arg21[%swap3A_354, %swap3A_355], %pack3A_353 {strides = array<i32>} : memref<64x128xbf16, #tpu.memory_space<vmem>>, vector<32xbf16>,
      %get3A_357 = arith.index_cast %scan3A_304 : i32 to index
      %get3A_358 = arith.constant 96 : index
      %get3A_359 = tpu.vector_load %arg13[%get3A_357, %get3A_358] {strides = array<i32>} : memref<64x128xf32, #tpu.memory_space<vmem>>, vector<16xf32>,
      %get3A_360 = arith.index_cast %scan3A_304 : i32 to index
      %get3A_361 = arith.constant 96 : index
      %get3A_362 = tpu.vector_load %arg15[%get3A_360, %get3A_361] {strides = array<i32>} : memref<64x128xf32, #tpu.memory_space<vmem>>, vector<16xf32>,
      %mul3A_363 = arith.mulf %get3A_359, %get3A_362 : vector<16xf32>
      %get3A_364 = arith.index_cast %scan3A_304 : i32 to index
      %get3A_365 = arith.constant 112 : index
      %get3A_366 = tpu.vector_load %arg13[%get3A_364, %get3A_365] {strides = array<i32>} : memref<64x128xf32, #tpu.memory_space<vmem>>, vector<16xf32>,
      %get3A_367 = arith.index_cast %scan3A_304 : i32 to index
      %get3A_368 = arith.constant 112 : index
      %get3A_369 = tpu.vector_load %arg15[%get3A_367, %get3A_368] {strides = array<i32>} : memref<64x128xf32, #tpu.memory_space<vmem>>, vector<16xf32>,
      %mul3A_370 = arith.mulf %get3A_366, %get3A_369 : vector<16xf32>
      %pack3A_371 = tpu.pack_subelements %mul3A_363, %mul3A_370 {pack_format = #tpu.pack_format<interleaved>, positions = array<i32: 0, 1>} : vector<16xf32>, vector<16xf32> -> vector<32xbf16>
      %swap3A_372 = arith.index_cast %scan3A_304 : i32 to index
      %swap3A_373 = arith.constant 96 : index
      %swap3A_374 = tpu.vector_load %arg21[%swap3A_372, %swap3A_373] {strides = array<i32>} : memref<64x128xbf16, #tpu.memory_space<vmem>>, vector<32xbf16>,
      tpu.vector_store %arg21[%swap3A_372, %swap3A_373], %pack3A_371 {strides = array<i32>} : memref<64x128xbf16, #tpu.memory_space<vmem>>, vector<32xbf16>,
      %scan3A_375 = arith.constant 0 : i32
      scf.yield %scan3A_375 : i32
    }
    %scan3A_214 = arith.constant 64 : i32
    %dma_start3A_215 = arith.constant 0 : i32
    %dma_start3A_216 = tpu.memref_slice %arg8[%add3A_197, %dma_start3A_215] : memref<16384x128xbf16, #tpu.memory_space<hbm>> -> memref<64x128xbf16, #tpu.memory_space<hbm>>
    %dma_start3A_217 = arith.constant 0 : i32
    %dma_start3A_218 = tpu.memref_slice %arg8[%add3A_197, %dma_start3A_217] : memref<16384x128xbf16, #tpu.memory_space<hbm>> -> memref<64x128xbf16, #tpu.memory_space<hbm>>
    tpu.enqueue_dma source(%arg21 : memref<64x128xbf16, #tpu.memory_space<vmem>>) target(%dma_start3A_218 : memref<64x128xbf16, #tpu.memory_space<hbm>>) target_semaphore(%arg31 : memref<!tpu.dma_semaphore, #tpu.memory_space<semaphore_mem>>)
    %dma_wait3A_219 = arith.constant 128 : i32
    %dma_wait3A_220 = tpu.memref_slice %arg11[%dma_wait3A_219] : memref<256xi32, #tpu.memory_space<vmem>> -> memref<64xi32, #tpu.memory_space<vmem>>
    %dma_wait3A_221 = arith.constant 0 : i32
    %dma_wait3A_222 = arith.constant 0 : i32
    %dma_wait3A_223 = tpu.memref_slice %arg6[%dma_wait3A_221, %dma_wait3A_222] : memref<1000001x128xf32, #tpu.memory_space<hbm>> -> memref<1000001x128xf32, #tpu.memory_space<hbm>>
    tpu.wait_indirect_dma semaphore(%arg27 : memref<!tpu.dma_semaphore, #tpu.memory_space<semaphore_mem>>) src(%dma_wait3A_223 : memref<1000001x128xf32, #tpu.memory_space<hbm>>) dst(%arg17 : memref<64x128xf32, #tpu.memory_space<vmem>>)
    %dma_start3A_224 = arith.constant 0 : i32
    %dma_start3A_225 = tpu.memref_slice %arg9[%add3A_197, %dma_start3A_224] : memref<16384x128xf32, #tpu.memory_space<hbm>> -> memref<64x128xf32, #tpu.memory_space<hbm>>
    %dma_start3A_226 = arith.constant 0 : i32
    %dma_start3A_227 = tpu.memref_slice %arg9[%add3A_197, %dma_start3A_226] : memref<16384x128xf32, #tpu.memory_space<hbm>> -> memref<64x128xf32, #tpu.memory_space<hbm>>
    tpu.enqueue_dma source(%arg17 : memref<64x128xf32, #tpu.memory_space<vmem>>) target(%dma_start3A_227 : memref<64x128xf32, #tpu.memory_space<hbm>>) target_semaphore(%arg33 : memref<!tpu.dma_semaphore, #tpu.memory_space<semaphore_mem>>)
    %dma_wait3A_228 = arith.constant 128 : i32
    %dma_wait3A_229 = tpu.memref_slice %arg12[%dma_wait3A_228] : memref<256xi32, #tpu.memory_space<vmem>> -> memref<64xi32, #tpu.memory_space<vmem>>
    %dma_wait3A_230 = arith.constant 0 : i32
    %dma_wait3A_231 = arith.constant 0 : i32
    %dma_wait3A_232 = tpu.memref_slice %arg7[%dma_wait3A_230, %dma_wait3A_231] : memref<100001x128xf32, #tpu.memory_space<hbm>> -> memref<100001x128xf32, #tpu.memory_space<hbm>>
    tpu.wait_indirect_dma semaphore(%arg29 : memref<!tpu.dma_semaphore, #tpu.memory_space<semaphore_mem>>) src(%dma_wait3A_232 : memref<100001x128xf32, #tpu.memory_space<hbm>>) dst(%arg19 : memref<64x128xf32, #tpu.memory_space<vmem>>)
    %dma_start3A_233 = arith.constant 0 : i32
    %dma_start3A_234 = tpu.memref_slice %arg10[%add3A_197, %dma_start3A_233] : memref<16384x128xf32, #tpu.memory_space<hbm>> -> memref<64x128xf32, #tpu.memory_space<hbm>>
    %dma_start3A_235 = arith.constant 0 : i32
    %dma_start3A_236 = tpu.memref_slice %arg10[%add3A_197, %dma_start3A_235] : memref<16384x128xf32, #tpu.memory_space<hbm>> -> memref<64x128xf32, #tpu.memory_space<hbm>>
    tpu.enqueue_dma source(%arg19 : memref<64x128xf32, #tpu.memory_space<vmem>>) target(%dma_start3A_236 : memref<64x128xf32, #tpu.memory_space<hbm>>) target_semaphore(%arg35 : memref<!tpu.dma_semaphore, #tpu.memory_space<semaphore_mem>>)
    %add3A_237 = arith.constant 0 : i32
    %add3A_238 = arith.addi %add3A_237, %mul3A_2 : i32
    %add3A_239 = arith.constant 192 : i32
    %add3A_240 = arith.addi %add3A_238, %add3A_239 : i32
    %dma_wait3A_241 = arith.constant 192 : i32
    %dma_wait3A_242 = tpu.memref_slice %arg11[%dma_wait3A_241] : memref<256xi32, #tpu.memory_space<vmem>> -> memref<64xi32, #tpu.memory_space<vmem>>
    %dma_wait3A_243 = arith.constant 0 : i32
    %dma_wait3A_244 = arith.constant 0 : i32
    %dma_wait3A_245 = tpu.memref_slice %arg4[%dma_wait3A_243, %dma_wait3A_244] : memref<1000001x128xf32, #tpu.memory_space<hbm>> -> memref<1000001x128xf32, #tpu.memory_space<hbm>>
    tpu.wait_indirect_dma semaphore(%arg24 : memref<!tpu.dma_semaphore, #tpu.memory_space<semaphore_mem>>) src(%dma_wait3A_245 : memref<1000001x128xf32, #tpu.memory_space<hbm>>) dst(%arg14 : memref<64x128xf32, #tpu.memory_space<vmem>>)
    %dma_wait3A_246 = arith.constant 192 : i32
    %dma_wait3A_247 = tpu.memref_slice %arg12[%dma_wait3A_246] : memref<256xi32, #tpu.memory_space<vmem>> -> memref<64xi32, #tpu.memory_space<vmem>>
    %dma_wait3A_248 = arith.constant 0 : i32
    %dma_wait3A_249 = arith.constant 0 : i32
    %dma_wait3A_250 = tpu.memref_slice %arg5[%dma_wait3A_248, %dma_wait3A_249] : memref<100001x128xf32, #tpu.memory_space<hbm>> -> memref<100001x128xf32, #tpu.memory_space<hbm>>
    tpu.wait_indirect_dma semaphore(%arg26 : memref<!tpu.dma_semaphore, #tpu.memory_space<semaphore_mem>>) src(%dma_wait3A_250 : memref<100001x128xf32, #tpu.memory_space<hbm>>) dst(%arg16 : memref<64x128xf32, #tpu.memory_space<vmem>>)
    %scan3A_251 = arith.constant 0 : i32
    %scan3A_252 = arith.constant 0 : i32
    %scan3A_253 = arith.constant 64 : i32
    %scan3A_254 = arith.addi %scan3A_252, %scan3A_253 : i32
    %scan3A_255 = arith.constant 1 : i32
    %scan3A_256 = scf.for %scan3A_304 = %scan3A_252 to %scan3A_254 step %scan3A_255 iter_args(%scan3A_305 = %scan3A_251) -> (i32)  : i32 {
      %get3A = arith.index_cast %scan3A_304 : i32 to index
      %get3A_306 = arith.constant 0 : index
      %get3A_307 = tpu.vector_load %arg14[%get3A, %get3A_306] {strides = array<i32>} : memref<64x128xf32, #tpu.memory_space<vmem>>, vector<16xf32>,
      %get3A_308 = arith.index_cast %scan3A_304 : i32 to index
      %get3A_309 = arith.constant 0 : index
      %get3A_310 = tpu.vector_load %arg16[%get3A_308, %get3A_309] {strides = array<i32>} : memref<64x128xf32, #tpu.memory_space<vmem>>, vector<16xf32>,
      %mul3A_311 = arith.mulf %get3A_307, %get3A_310 : vector<16xf32>
      %get3A_312 = arith.index_cast %scan3A_304 : i32 to index
      %get3A_313 = arith.constant 16 : index
      %get3A_314 = tpu.vector_load %arg14[%get3A_312, %get3A_313] {strides = array<i32>} : memref<64x128xf32, #tpu.memory_space<vmem>>, vector<16xf32>,
      %get3A_315 = arith.index_cast %scan3A_304 : i32 to index
      %get3A_316 = arith.constant 16 : index
      %get3A_317 = tpu.vector_load %arg16[%get3A_315, %get3A_316] {strides = array<i32>} : memref<64x128xf32, #tpu.memory_space<vmem>>, vector<16xf32>,
      %mul3A_318 = arith.mulf %get3A_314, %get3A_317 : vector<16xf32>
      %pack3A = tpu.pack_subelements %mul3A_311, %mul3A_318 {pack_format = #tpu.pack_format<interleaved>, positions = array<i32: 0, 1>} : vector<16xf32>, vector<16xf32> -> vector<32xbf16>
      %swap3A = arith.index_cast %scan3A_304 : i32 to index
      %swap3A_319 = arith.constant 0 : index
      %swap3A_320 = tpu.vector_load %arg22[%swap3A, %swap3A_319] {strides = array<i32>} : memref<64x128xbf16, #tpu.memory_space<vmem>>, vector<32xbf16>,
      tpu.vector_store %arg22[%swap3A, %swap3A_319], %pack3A {strides = array<i32>} : memref<64x128xbf16, #tpu.memory_space<vmem>>, vector<32xbf16>,
      %get3A_321 = arith.index_cast %scan3A_304 : i32 to index
      %get3A_322 = arith.constant 32 : index
      %get3A_323 = tpu.vector_load %arg14[%get3A_321, %get3A_322] {strides = array<i32>} : memref<64x128xf32, #tpu.memory_space<vmem>>, vector<16xf32>,
      %get3A_324 = arith.index_cast %scan3A_304 : i32 to index
      %get3A_325 = arith.constant 32 : index
      %get3A_326 = tpu.vector_load %arg16[%get3A_324, %get3A_325] {strides = array<i32>} : memref<64x128xf32, #tpu.memory_space<vmem>>, vector<16xf32>,
      %mul3A_327 = arith.mulf %get3A_323, %get3A_326 : vector<16xf32>
      %get3A_328 = arith.index_cast %scan3A_304 : i32 to index
      %get3A_329 = arith.constant 48 : index
      %get3A_330 = tpu.vector_load %arg14[%get3A_328, %get3A_329] {strides = array<i32>} : memref<64x128xf32, #tpu.memory_space<vmem>>, vector<16xf32>,
      %get3A_331 = arith.index_cast %scan3A_304 : i32 to index
      %get3A_332 = arith.constant 48 : index
      %get3A_333 = tpu.vector_load %arg16[%get3A_331, %get3A_332] {strides = array<i32>} : memref<64x128xf32, #tpu.memory_space<vmem>>, vector<16xf32>,
      %mul3A_334 = arith.mulf %get3A_330, %get3A_333 : vector<16xf32>
      %pack3A_335 = tpu.pack_subelements %mul3A_327, %mul3A_334 {pack_format = #tpu.pack_format<interleaved>, positions = array<i32: 0, 1>} : vector<16xf32>, vector<16xf32> -> vector<32xbf16>
      %swap3A_336 = arith.index_cast %scan3A_304 : i32 to index
      %swap3A_337 = arith.constant 32 : index
      %swap3A_338 = tpu.vector_load %arg22[%swap3A_336, %swap3A_337] {strides = array<i32>} : memref<64x128xbf16, #tpu.memory_space<vmem>>, vector<32xbf16>,
      tpu.vector_store %arg22[%swap3A_336, %swap3A_337], %pack3A_335 {strides = array<i32>} : memref<64x128xbf16, #tpu.memory_space<vmem>>, vector<32xbf16>,
      %get3A_339 = arith.index_cast %scan3A_304 : i32 to index
      %get3A_340 = arith.constant 64 : index
      %get3A_341 = tpu.vector_load %arg14[%get3A_339, %get3A_340] {strides = array<i32>} : memref<64x128xf32, #tpu.memory_space<vmem>>, vector<16xf32>,
      %get3A_342 = arith.index_cast %scan3A_304 : i32 to index
      %get3A_343 = arith.constant 64 : index
      %get3A_344 = tpu.vector_load %arg16[%get3A_342, %get3A_343] {strides = array<i32>} : memref<64x128xf32, #tpu.memory_space<vmem>>, vector<16xf32>,
      %mul3A_345 = arith.mulf %get3A_341, %get3A_344 : vector<16xf32>
      %get3A_346 = arith.index_cast %scan3A_304 : i32 to index
      %get3A_347 = arith.constant 80 : index
      %get3A_348 = tpu.vector_load %arg14[%get3A_346, %get3A_347] {strides = array<i32>} : memref<64x128xf32, #tpu.memory_space<vmem>>, vector<16xf32>,
      %get3A_349 = arith.index_cast %scan3A_304 : i32 to index
      %get3A_350 = arith.constant 80 : index
      %get3A_351 = tpu.vector_load %arg16[%get3A_349, %get3A_350] {strides = array<i32>} : memref<64x128xf32, #tpu.memory_space<vmem>>, vector<16xf32>,
      %mul3A_352 = arith.mulf %get3A_348, %get3A_351 : vector<16xf32>
      %pack3A_353 = tpu.pack_subelements %mul3A_345, %mul3A_352 {pack_format = #tpu.pack_format<interleaved>, positions = array<i32: 0, 1>} : vector<16xf32>, vector<16xf32> -> vector<32xbf16>
      %swap3A_354 = arith.index_cast %scan3A_304 : i32 to index
      %swap3A_355 = arith.constant 64 : index
      %swap3A_356 = tpu.vector_load %arg22[%swap3A_354, %swap3A_355] {strides = array<i32>} : memref<64x128xbf16, #tpu.memory_space<vmem>>, vector<32xbf16>,
      tpu.vector_store %arg22[%swap3A_354, %swap3A_355], %pack3A_353 {strides = array<i32>} : memref<64x128xbf16, #tpu.memory_space<vmem>>, vector<32xbf16>,
      %get3A_357 = arith.index_cast %scan3A_304 : i32 to index
      %get3A_358 = arith.constant 96 : index
      %get3A_359 = tpu.vector_load %arg14[%get3A_357, %get3A_358] {strides = array<i32>} : memref<64x128xf32, #tpu.memory_space<vmem>>, vector<16xf32>,
      %get3A_360 = arith.index_cast %scan3A_304 : i32 to index
      %get3A_361 = arith.constant 96 : index
      %get3A_362 = tpu.vector_load %arg16[%get3A_360, %get3A_361] {strides = array<i32>} : memref<64x128xf32, #tpu.memory_space<vmem>>, vector<16xf32>,
      %mul3A_363 = arith.mulf %get3A_359, %get3A_362 : vector<16xf32>
      %get3A_364 = arith.index_cast %scan3A_304 : i32 to index
      %get3A_365 = arith.constant 112 : index
      %get3A_366 = tpu.vector_load %arg14[%get3A_364, %get3A_365] {strides = array<i32>} : memref<64x128xf32, #tpu.memory_space<vmem>>, vector<16xf32>,
      %get3A_367 = arith.index_cast %scan3A_304 : i32 to index
      %get3A_368 = arith.constant 112 : index
      %get3A_369 = tpu.vector_load %arg16[%get3A_367, %get3A_368] {strides = array<i32>} : memref<64x128xf32, #tpu.memory_space<vmem>>, vector<16xf32>,
      %mul3A_370 = arith.mulf %get3A_366, %get3A_369 : vector<16xf32>
      %pack3A_371 = tpu.pack_subelements %mul3A_363, %mul3A_370 {pack_format = #tpu.pack_format<interleaved>, positions = array<i32: 0, 1>} : vector<16xf32>, vector<16xf32> -> vector<32xbf16>
      %swap3A_372 = arith.index_cast %scan3A_304 : i32 to index
      %swap3A_373 = arith.constant 96 : index
      %swap3A_374 = tpu.vector_load %arg22[%swap3A_372, %swap3A_373] {strides = array<i32>} : memref<64x128xbf16, #tpu.memory_space<vmem>>, vector<32xbf16>,
      tpu.vector_store %arg22[%swap3A_372, %swap3A_373], %pack3A_371 {strides = array<i32>} : memref<64x128xbf16, #tpu.memory_space<vmem>>, vector<32xbf16>,
      %scan3A_375 = arith.constant 0 : i32
      scf.yield %scan3A_375 : i32
    }
    %scan3A_257 = arith.constant 64 : i32
    %dma_start3A_258 = arith.constant 0 : i32
    %dma_start3A_259 = tpu.memref_slice %arg8[%add3A_240, %dma_start3A_258] : memref<16384x128xbf16, #tpu.memory_space<hbm>> -> memref<64x128xbf16, #tpu.memory_space<hbm>>
    %dma_start3A_260 = arith.constant 0 : i32
    %dma_start3A_261 = tpu.memref_slice %arg8[%add3A_240, %dma_start3A_260] : memref<16384x128xbf16, #tpu.memory_space<hbm>> -> memref<64x128xbf16, #tpu.memory_space<hbm>>
    tpu.enqueue_dma source(%arg22 : memref<64x128xbf16, #tpu.memory_space<vmem>>) target(%dma_start3A_261 : memref<64x128xbf16, #tpu.memory_space<hbm>>) target_semaphore(%arg32 : memref<!tpu.dma_semaphore, #tpu.memory_space<semaphore_mem>>)
    %dma_wait3A_262 = arith.constant 192 : i32
    %dma_wait3A_263 = tpu.memref_slice %arg11[%dma_wait3A_262] : memref<256xi32, #tpu.memory_space<vmem>> -> memref<64xi32, #tpu.memory_space<vmem>>
    %dma_wait3A_264 = arith.constant 0 : i32
    %dma_wait3A_265 = arith.constant 0 : i32
    %dma_wait3A_266 = tpu.memref_slice %arg6[%dma_wait3A_264, %dma_wait3A_265] : memref<1000001x128xf32, #tpu.memory_space<hbm>> -> memref<1000001x128xf32, #tpu.memory_space<hbm>>
    tpu.wait_indirect_dma semaphore(%arg28 : memref<!tpu.dma_semaphore, #tpu.memory_space<semaphore_mem>>) src(%dma_wait3A_266 : memref<1000001x128xf32, #tpu.memory_space<hbm>>) dst(%arg18 : memref<64x128xf32, #tpu.memory_space<vmem>>)
    %dma_start3A_267 = arith.constant 0 : i32
    %dma_start3A_268 = tpu.memref_slice %arg9[%add3A_240, %dma_start3A_267] : memref<16384x128xf32, #tpu.memory_space<hbm>> -> memref<64x128xf32, #tpu.memory_space<hbm>>
    %dma_start3A_269 = arith.constant 0 : i32
    %dma_start3A_270 = tpu.memref_slice %arg9[%add3A_240, %dma_start3A_269] : memref<16384x128xf32, #tpu.memory_space<hbm>> -> memref<64x128xf32, #tpu.memory_space<hbm>>
    tpu.enqueue_dma source(%arg18 : memref<64x128xf32, #tpu.memory_space<vmem>>) target(%dma_start3A_270 : memref<64x128xf32, #tpu.memory_space<hbm>>) target_semaphore(%arg34 : memref<!tpu.dma_semaphore, #tpu.memory_space<semaphore_mem>>)
    %dma_wait3A_271 = arith.constant 192 : i32
    %dma_wait3A_272 = tpu.memref_slice %arg12[%dma_wait3A_271] : memref<256xi32, #tpu.memory_space<vmem>> -> memref<64xi32, #tpu.memory_space<vmem>>
    %dma_wait3A_273 = arith.constant 0 : i32
    %dma_wait3A_274 = arith.constant 0 : i32
    %dma_wait3A_275 = tpu.memref_slice %arg7[%dma_wait3A_273, %dma_wait3A_274] : memref<100001x128xf32, #tpu.memory_space<hbm>> -> memref<100001x128xf32, #tpu.memory_space<hbm>>
    tpu.wait_indirect_dma semaphore(%arg30 : memref<!tpu.dma_semaphore, #tpu.memory_space<semaphore_mem>>) src(%dma_wait3A_275 : memref<100001x128xf32, #tpu.memory_space<hbm>>) dst(%arg20 : memref<64x128xf32, #tpu.memory_space<vmem>>)
    %dma_start3A_276 = arith.constant 0 : i32
    %dma_start3A_277 = tpu.memref_slice %arg10[%add3A_240, %dma_start3A_276] : memref<16384x128xf32, #tpu.memory_space<hbm>> -> memref<64x128xf32, #tpu.memory_space<hbm>>
    %dma_start3A_278 = arith.constant 0 : i32
    %dma_start3A_279 = tpu.memref_slice %arg10[%add3A_240, %dma_start3A_278] : memref<16384x128xf32, #tpu.memory_space<hbm>> -> memref<64x128xf32, #tpu.memory_space<hbm>>
    tpu.enqueue_dma source(%arg20 : memref<64x128xf32, #tpu.memory_space<vmem>>) target(%dma_start3A_279 : memref<64x128xf32, #tpu.memory_space<hbm>>) target_semaphore(%arg36 : memref<!tpu.dma_semaphore, #tpu.memory_space<semaphore_mem>>)
    %dma_wait3A_280 = arith.constant 0 : i32
    %dma_wait3A_281 = tpu.memref_slice %arg8[%add3A_197, %dma_wait3A_280] : memref<16384x128xbf16, #tpu.memory_space<hbm>> -> memref<64x128xbf16, #tpu.memory_space<hbm>>
    %dma_wait3A_282 = arith.constant 0 : i32
    %dma_wait3A_283 = tpu.memref_slice %arg8[%add3A_197, %dma_wait3A_282] : memref<16384x128xbf16, #tpu.memory_space<hbm>> -> memref<64x128xbf16, #tpu.memory_space<hbm>>
    tpu.wait_dma2 semaphore(%arg31 : memref<!tpu.dma_semaphore, #tpu.memory_space<semaphore_mem>>) src(%arg21 : memref<64x128xbf16, #tpu.memory_space<vmem>>) dst(%dma_wait3A_283 : memref<64x128xbf16, #tpu.memory_space<hbm>>)
    %dma_wait3A_284 = arith.constant 0 : i32
    %dma_wait3A_285 = tpu.memref_slice %arg9[%add3A_197, %dma_wait3A_284] : memref<16384x128xf32, #tpu.memory_space<hbm>> -> memref<64x128xf32, #tpu.memory_space<hbm>>
    %dma_wait3A_286 = arith.constant 0 : i32
    %dma_wait3A_287 = tpu.memref_slice %arg9[%add3A_197, %dma_wait3A_286] : memref<16384x128xf32, #tpu.memory_space<hbm>> -> memref<64x128xf32, #tpu.memory_space<hbm>>
    tpu.wait_dma2 semaphore(%arg33 : memref<!tpu.dma_semaphore, #tpu.memory_space<semaphore_mem>>) src(%arg17 : memref<64x128xf32, #tpu.memory_space<vmem>>) dst(%dma_wait3A_287 : memref<64x128xf32, #tpu.memory_space<hbm>>)
    %dma_wait3A_288 = arith.constant 0 : i32
    %dma_wait3A_289 = tpu.memref_slice %arg10[%add3A_197, %dma_wait3A_288] : memref<16384x128xf32, #tpu.memory_space<hbm>> -> memref<64x128xf32, #tpu.memory_space<hbm>>
    %dma_wait3A_290 = arith.constant 0 : i32
    %dma_wait3A_291 = tpu.memref_slice %arg10[%add3A_197, %dma_wait3A_290] : memref<16384x128xf32, #tpu.memory_space<hbm>> -> memref<64x128xf32, #tpu.memory_space<hbm>>
    tpu.wait_dma2 semaphore(%arg35 : memref<!tpu.dma_semaphore, #tpu.memory_space<semaphore_mem>>) src(%arg19 : memref<64x128xf32, #tpu.memory_space<vmem>>) dst(%dma_wait3A_291 : memref<64x128xf32, #tpu.memory_space<hbm>>)
    %dma_wait3A_292 = arith.constant 0 : i32
    %dma_wait3A_293 = tpu.memref_slice %arg8[%add3A_240, %dma_wait3A_292] : memref<16384x128xbf16, #tpu.memory_space<hbm>> -> memref<64x128xbf16, #tpu.memory_space<hbm>>
    %dma_wait3A_294 = arith.constant 0 : i32
    %dma_wait3A_295 = tpu.memref_slice %arg8[%add3A_240, %dma_wait3A_294] : memref<16384x128xbf16, #tpu.memory_space<hbm>> -> memref<64x128xbf16, #tpu.memory_space<hbm>>
    tpu.wait_dma2 semaphore(%arg32 : memref<!tpu.dma_semaphore, #tpu.memory_space<semaphore_mem>>) src(%arg22 : memref<64x128xbf16, #tpu.memory_space<vmem>>) dst(%dma_wait3A_295 : memref<64x128xbf16, #tpu.memory_space<hbm>>)
    %dma_wait3A_296 = arith.constant 0 : i32
    %dma_wait3A_297 = tpu.memref_slice %arg9[%add3A_240, %dma_wait3A_296] : memref<16384x128xf32, #tpu.memory_space<hbm>> -> memref<64x128xf32, #tpu.memory_space<hbm>>
    %dma_wait3A_298 = arith.constant 0 : i32
    %dma_wait3A_299 = tpu.memref_slice %arg9[%add3A_240, %dma_wait3A_298] : memref<16384x128xf32, #tpu.memory_space<hbm>> -> memref<64x128xf32, #tpu.memory_space<hbm>>
    tpu.wait_dma2 semaphore(%arg34 : memref<!tpu.dma_semaphore, #tpu.memory_space<semaphore_mem>>) src(%arg18 : memref<64x128xf32, #tpu.memory_space<vmem>>) dst(%dma_wait3A_299 : memref<64x128xf32, #tpu.memory_space<hbm>>)
    %dma_wait3A_300 = arith.constant 0 : i32
    %dma_wait3A_301 = tpu.memref_slice %arg10[%add3A_240, %dma_wait3A_300] : memref<16384x128xf32, #tpu.memory_space<hbm>> -> memref<64x128xf32, #tpu.memory_space<hbm>>
    %dma_wait3A_302 = arith.constant 0 : i32
    %dma_wait3A_303 = tpu.memref_slice %arg10[%add3A_240, %dma_wait3A_302] : memref<16384x128xf32, #tpu.memory_space<hbm>> -> memref<64x128xf32, #tpu.memory_space<hbm>>
    tpu.wait_dma2 semaphore(%arg36 : memref<!tpu.dma_semaphore, #tpu.memory_space<semaphore_mem>>) src(%arg20 : memref<64x128xf32, #tpu.memory_space<vmem>>) dst(%dma_wait3A_303 : memref<64x128xf32, #tpu.memory_space<hbm>>)
    return
  }
}

module attributes {stable_mosaic.version = 14 : i64} {
  func.func @_dense_body(%arg0: i32, %arg1: memref<2048x128xbf16, #tpu.memory_space<vmem>>, %arg2: memref<2048x128xf32, #tpu.memory_space<vmem>>, %arg3: memref<2048x128xf32, #tpu.memory_space<vmem>>, %arg4: memref<128x256xbf16, #tpu.memory_space<vmem>>, %arg5: memref<128x256xbf16, #tpu.memory_space<vmem>>, %arg6: memref<1x256xf32, #tpu.memory_space<vmem>>, %arg7: memref<256x128xf32, #tpu.memory_space<vmem>>, %arg8: memref<1x128xf32, #tpu.memory_space<vmem>>, %arg9: memref<128x64xf32, #tpu.memory_space<vmem>>, %arg10: memref<1x64xf32, #tpu.memory_space<vmem>>, %arg11: memref<1x128xbf16, #tpu.memory_space<vmem>>, %arg12: memref<1x64xf32, #tpu.memory_space<vmem>>, %arg13: memref<1x1xf32, #tpu.memory_space<vmem>>, %arg14: memref<2048xf32, #tpu.memory_space<vmem>>) attributes {dimension_semantics = [#tpu.dimension_semantics<arbitrary>], iteration_bounds = array<i64: 4>, scalar_prefetch = 0 : i64, scratch_operands = 0 : i64, tpu.core_type = #tpu.core_type<tc>, window_params = [{transform_indices = @transform_0, window_bounds = array<i64: 2048, 128>}, {transform_indices = @transform_1, window_bounds = array<i64: 2048, 128>}, {transform_indices = @transform_2, window_bounds = array<i64: 2048, 128>}, {pipeline_mode = #tpu.pipeline_mode<synchronous>, transform_indices = @transform_3, window_bounds = array<i64: 128, 256>}, {pipeline_mode = #tpu.pipeline_mode<synchronous>, transform_indices = @transform_4, window_bounds = array<i64: 128, 256>}, {pipeline_mode = #tpu.pipeline_mode<synchronous>, transform_indices = @transform_5, window_bounds = array<i64: 1, 256>}, {pipeline_mode = #tpu.pipeline_mode<synchronous>, transform_indices = @transform_6, window_bounds = array<i64: 256, 128>}, {pipeline_mode = #tpu.pipeline_mode<synchronous>, transform_indices = @transform_7, window_bounds = array<i64: 1, 128>}, {pipeline_mode = #tpu.pipeline_mode<synchronous>, transform_indices = @transform_8, window_bounds = array<i64: 128, 64>}, {pipeline_mode = #tpu.pipeline_mode<synchronous>, transform_indices = @transform_9, window_bounds = array<i64: 1, 64>}, {pipeline_mode = #tpu.pipeline_mode<synchronous>, transform_indices = @transform_10, window_bounds = array<i64: 1, 128>}, {pipeline_mode = #tpu.pipeline_mode<synchronous>, transform_indices = @transform_11, window_bounds = array<i64: 1, 64>}, {pipeline_mode = #tpu.pipeline_mode<synchronous>, transform_indices = @transform_12, window_bounds = array<i64: 1, 1>}, {transform_indices = @transform_13, window_bounds = array<i64: 2048>}]} {
    %get3A = arith.constant 0 : index
    %get3A_0 = arith.constant 0 : index
    %get3A_1 = vector.load %arg2[%get3A, %get3A_0] : memref<2048x128xf32, #tpu.memory_space<vmem>>, vector<2048x128xf32>
    %convert_element_type3A = arith.truncf %get3A_1 : vector<2048x128xf32> to vector<2048x128xbf16>
    %get3A_2 = arith.constant 0 : index
    %get3A_3 = arith.constant 0 : index
    %get3A_4 = vector.load %arg3[%get3A_2, %get3A_3] : memref<2048x128xf32, #tpu.memory_space<vmem>>, vector<2048x128xf32>
    %convert_element_type3A_5 = arith.truncf %get3A_4 : vector<2048x128xf32> to vector<2048x128xbf16>
    %get3A_6 = arith.constant 0 : index
    %get3A_7 = arith.constant 0 : index
    %get3A_8 = vector.load %arg4[%get3A_6, %get3A_7] : memref<128x256xbf16, #tpu.memory_space<vmem>>, vector<128x256xbf16>
    %dot_general3A = arith.constant dense<0.000000e+00> : vector<2048x256xf32>
    %dot_general3A_9 = tpu.matmul %convert_element_type3A, %get3A_8, %dot_general3A {dimension_numbers = #tpu.dot_dimension_numbers<[1], [0], [0], [1], [0, 0, 1, 1], [], []>, transpose_lhs_hint = false} : vector<2048x128xbf16>, vector<128x256xbf16>, vector<2048x256xf32> -> vector<2048x256xf32>
    %get3A_10 = arith.constant 0 : index
    %get3A_11 = arith.constant 0 : index
    %get3A_12 = vector.load %arg5[%get3A_10, %get3A_11] : memref<128x256xbf16, #tpu.memory_space<vmem>>, vector<128x256xbf16>
    %dot_general3A_13 = arith.constant dense<0.000000e+00> : vector<2048x256xf32>
    %dot_general3A_14 = tpu.matmul %convert_element_type3A_5, %get3A_12, %dot_general3A_13 {dimension_numbers = #tpu.dot_dimension_numbers<[1], [0], [0], [1], [0, 0, 1, 1], [], []>, transpose_lhs_hint = false} : vector<2048x128xbf16>, vector<128x256xbf16>, vector<2048x256xf32> -> vector<2048x256xf32>
    %add3A = arith.addf %dot_general3A_9, %dot_general3A_14 : vector<2048x256xf32>
    %get3A_15 = arith.constant 0 : index
    %get3A_16 = arith.constant 0 : index
    %get3A_17 = vector.load %arg6[%get3A_15, %get3A_16] : memref<1x256xf32, #tpu.memory_space<vmem>>, vector<1x256xf32>
    %add3A_18 = vector.broadcast %get3A_17 : vector<1x256xf32> to vector<2048x256xf32>
    %add3A_19 = arith.addf %add3A, %add3A_18 : vector<2048x256xf32>
    %max3A = arith.constant 0.000000e+00 : f32
    %max3A_20 = vector.broadcast %max3A : f32 to vector<2048x256xf32>
    %max3A_21 = arith.maximumf %add3A_19, %max3A_20 : vector<2048x256xf32>
    %get3A_22 = arith.constant 0 : index
    %get3A_23 = arith.constant 0 : index
    %get3A_24 = vector.load %arg7[%get3A_22, %get3A_23] : memref<256x128xf32, #tpu.memory_space<vmem>>, vector<256x128xf32>
    %dot_general3A_25 = arith.constant dense<0.000000e+00> : vector<2048x128xf32>
    %dot_general3A_26 = tpu.matmul %max3A_21, %get3A_24, %dot_general3A_25 {dimension_numbers = #tpu.dot_dimension_numbers<[1], [0], [0], [1], [0, 0, 1, 1], [], []>, transpose_lhs_hint = false} : vector<2048x256xf32>, vector<256x128xf32>, vector<2048x128xf32> -> vector<2048x128xf32>
    %get3A_27 = arith.constant 0 : index
    %get3A_28 = arith.constant 0 : index
    %get3A_29 = vector.load %arg8[%get3A_27, %get3A_28] : memref<1x128xf32, #tpu.memory_space<vmem>>, vector<1x128xf32>
    %add3A_30 = vector.broadcast %get3A_29 : vector<1x128xf32> to vector<2048x128xf32>
    %add3A_31 = arith.addf %dot_general3A_26, %add3A_30 : vector<2048x128xf32>
    %max3A_32 = arith.constant 0.000000e+00 : f32
    %max3A_33 = vector.broadcast %max3A_32 : f32 to vector<2048x128xf32>
    %max3A_34 = arith.maximumf %add3A_31, %max3A_33 : vector<2048x128xf32>
    %get3A_35 = arith.constant 0 : index
    %get3A_36 = arith.constant 0 : index
    %get3A_37 = vector.load %arg9[%get3A_35, %get3A_36] : memref<128x64xf32, #tpu.memory_space<vmem>>, vector<128x64xf32>
    %dot_general3A_38 = arith.constant dense<0.000000e+00> : vector<2048x64xf32>
    %dot_general3A_39 = tpu.matmul %max3A_34, %get3A_37, %dot_general3A_38 {dimension_numbers = #tpu.dot_dimension_numbers<[1], [0], [0], [1], [0, 0, 1, 1], [], []>, transpose_lhs_hint = false} : vector<2048x128xf32>, vector<128x64xf32>, vector<2048x64xf32> -> vector<2048x64xf32>
    %get3A_40 = arith.constant 0 : index
    %get3A_41 = arith.constant 0 : index
    %get3A_42 = vector.load %arg10[%get3A_40, %get3A_41] : memref<1x64xf32, #tpu.memory_space<vmem>>, vector<1x64xf32>
    %add3A_43 = vector.broadcast %get3A_42 : vector<1x64xf32> to vector<2048x64xf32>
    %add3A_44 = arith.addf %dot_general3A_39, %add3A_43 : vector<2048x64xf32>
    %max3A_45 = arith.constant 0.000000e+00 : f32
    %max3A_46 = vector.broadcast %max3A_45 : f32 to vector<2048x64xf32>
    %max3A_47 = arith.maximumf %add3A_44, %max3A_46 : vector<2048x64xf32>
    %get3A_48 = arith.constant 0 : index
    %get3A_49 = arith.constant 0 : index
    %get3A_50 = vector.load %arg1[%get3A_48, %get3A_49] : memref<2048x128xbf16, #tpu.memory_space<vmem>>, vector<2048x128xbf16>
    %convert_element_type3A_51 = arith.extf %get3A_50 : vector<2048x128xbf16> to vector<2048x128xf32>
    %get3A_52 = arith.constant 0 : index
    %get3A_53 = arith.constant 0 : index
    %get3A_54 = vector.load %arg11[%get3A_52, %get3A_53] : memref<1x128xbf16, #tpu.memory_space<vmem>>, vector<1x128xbf16>
    %convert_element_type3A_55 = arith.extf %get3A_54 : vector<1x128xbf16> to vector<1x128xf32>
    %mul3A = vector.broadcast %convert_element_type3A_55 : vector<1x128xf32> to vector<2048x128xf32>
    %mul3A_56 = arith.mulf %convert_element_type3A_51, %mul3A : vector<2048x128xf32>
    %reduce_sum3A = arith.constant dense<0.000000e+00> : vector<2048xf32>
    %reduce_sum3A_57 = vector.multi_reduction <add>, %mul3A_56, %reduce_sum3A [1] : vector<2048x128xf32> to vector<2048xf32>
    %convert_element_type3A_58 = arith.truncf %max3A_47 : vector<2048x64xf32> to vector<2048x64xbf16>
    %convert_element_type3A_59 = arith.extf %convert_element_type3A_58 : vector<2048x64xbf16> to vector<2048x64xf32>
    %get3A_60 = arith.constant 0 : index
    %get3A_61 = arith.constant 0 : index
    %get3A_62 = vector.load %arg12[%get3A_60, %get3A_61] : memref<1x64xf32, #tpu.memory_space<vmem>>, vector<1x64xf32>
    %convert_element_type3A_63 = arith.truncf %get3A_62 : vector<1x64xf32> to vector<1x64xbf16>
    %convert_element_type3A_64 = arith.extf %convert_element_type3A_63 : vector<1x64xbf16> to vector<1x64xf32>
    %mul3A_65 = vector.broadcast %convert_element_type3A_64 : vector<1x64xf32> to vector<2048x64xf32>
    %mul3A_66 = arith.mulf %convert_element_type3A_59, %mul3A_65 : vector<2048x64xf32>
    %reduce_sum3A_67 = arith.constant dense<0.000000e+00> : vector<2048xf32>
    %reduce_sum3A_68 = vector.multi_reduction <add>, %mul3A_66, %reduce_sum3A_67 [1] : vector<2048x64xf32> to vector<2048xf32>
    %add3A_69 = arith.addf %reduce_sum3A_57, %reduce_sum3A_68 : vector<2048xf32>
    %get3A_70 = arith.constant 0 : index
    %get3A_71 = arith.constant 0 : index
    %get3A_72 = vector.load %arg13[%get3A_70, %get3A_71] : memref<1x1xf32, #tpu.memory_space<vmem>>, vector<1x1xf32>
    %get3A_73 = vector.extract %get3A_72[0, 0] : f32 from vector<1x1xf32>
    %add3A_74 = vector.broadcast %get3A_73 : f32 to vector<2048xf32>
    %add3A_75 = arith.addf %add3A_69, %add3A_74 : vector<2048xf32>
    %swap3A = arith.constant 0 : index
    %swap3A_76 = vector.load %arg14[%swap3A] : memref<2048xf32, #tpu.memory_space<vmem>>, vector<2048xf32>
    tpu.vector_store %arg14[%swap3A], %add3A_75 {strides = array<i32>} : memref<2048xf32, #tpu.memory_space<vmem>>, vector<2048xf32>,
    return
  }
  func.func @transform_0(%arg0: i32) -> (i32, i32) {
    %add3A = arith.constant 4 : i32
    %add3A_0 = arith.addi %arg0, %add3A : i32
    %c0_i32 = arith.constant 0 : i32
    %c0_i32_1 = arith.constant 0 : i32
    return %add3A_0, %c0_i32 : i32, i32
  }
  func.func @transform_1(%arg0: i32) -> (i32, i32) {
    %add3A = arith.constant 4 : i32
    %add3A_0 = arith.addi %arg0, %add3A : i32
    %c0_i32 = arith.constant 0 : i32
    %c0_i32_1 = arith.constant 0 : i32
    return %add3A_0, %c0_i32 : i32, i32
  }
  func.func @transform_2(%arg0: i32) -> (i32, i32) {
    %add3A = arith.constant 4 : i32
    %add3A_0 = arith.addi %arg0, %add3A : i32
    %c0_i32 = arith.constant 0 : i32
    %c0_i32_1 = arith.constant 0 : i32
    return %add3A_0, %c0_i32 : i32, i32
  }
  func.func @transform_3(%arg0: i32) -> (i32, i32) {
    %c0_i32 = arith.constant 0 : i32
    %c0_i32_0 = arith.constant 0 : i32
    %c0_i32_1 = arith.constant 0 : i32
    return %c0_i32, %c0_i32_0 : i32, i32
  }
  func.func @transform_4(%arg0: i32) -> (i32, i32) {
    %c0_i32 = arith.constant 0 : i32
    %c0_i32_0 = arith.constant 0 : i32
    %c0_i32_1 = arith.constant 0 : i32
    return %c0_i32, %c0_i32_0 : i32, i32
  }
  func.func @transform_5(%arg0: i32) -> (i32, i32) {
    %c0_i32 = arith.constant 0 : i32
    %c0_i32_0 = arith.constant 0 : i32
    %c0_i32_1 = arith.constant 0 : i32
    return %c0_i32, %c0_i32_0 : i32, i32
  }
  func.func @transform_6(%arg0: i32) -> (i32, i32) {
    %c0_i32 = arith.constant 0 : i32
    %c0_i32_0 = arith.constant 0 : i32
    %c0_i32_1 = arith.constant 0 : i32
    return %c0_i32, %c0_i32_0 : i32, i32
  }
  func.func @transform_7(%arg0: i32) -> (i32, i32) {
    %c0_i32 = arith.constant 0 : i32
    %c0_i32_0 = arith.constant 0 : i32
    %c0_i32_1 = arith.constant 0 : i32
    return %c0_i32, %c0_i32_0 : i32, i32
  }
  func.func @transform_8(%arg0: i32) -> (i32, i32) {
    %c0_i32 = arith.constant 0 : i32
    %c0_i32_0 = arith.constant 0 : i32
    %c0_i32_1 = arith.constant 0 : i32
    return %c0_i32, %c0_i32_0 : i32, i32
  }
  func.func @transform_9(%arg0: i32) -> (i32, i32) {
    %c0_i32 = arith.constant 0 : i32
    %c0_i32_0 = arith.constant 0 : i32
    %c0_i32_1 = arith.constant 0 : i32
    return %c0_i32, %c0_i32_0 : i32, i32
  }
  func.func @transform_10(%arg0: i32) -> (i32, i32) {
    %c0_i32 = arith.constant 0 : i32
    %c0_i32_0 = arith.constant 0 : i32
    %c0_i32_1 = arith.constant 0 : i32
    return %c0_i32, %c0_i32_0 : i32, i32
  }
  func.func @transform_11(%arg0: i32) -> (i32, i32) {
    %c0_i32 = arith.constant 0 : i32
    %c0_i32_0 = arith.constant 0 : i32
    %c0_i32_1 = arith.constant 0 : i32
    return %c0_i32, %c0_i32_0 : i32, i32
  }
  func.func @transform_12(%arg0: i32) -> (i32, i32) {
    %c0_i32 = arith.constant 0 : i32
    %c0_i32_0 = arith.constant 0 : i32
    %c0_i32_1 = arith.constant 0 : i32
    return %c0_i32, %c0_i32_0 : i32, i32
  }
  func.func @transform_13(%arg0: i32) -> i32 {
    %c0_i32 = arith.constant 0 : i32
    return %arg0 : i32
  }
}

module attributes {stable_mosaic.version = 14 : i64} {
  func.func @_dense_body(%arg0: i32, %arg1: memref<2048x128xbf16, #tpu.memory_space<vmem>>, %arg2: memref<2048x128xf32, #tpu.memory_space<vmem>>, %arg3: memref<2048x128xf32, #tpu.memory_space<vmem>>, %arg4: memref<128x256xbf16, #tpu.memory_space<vmem>>, %arg5: memref<128x256xbf16, #tpu.memory_space<vmem>>, %arg6: memref<1x256xf32, #tpu.memory_space<vmem>>, %arg7: memref<256x128xf32, #tpu.memory_space<vmem>>, %arg8: memref<1x128xf32, #tpu.memory_space<vmem>>, %arg9: memref<128x64xf32, #tpu.memory_space<vmem>>, %arg10: memref<1x64xf32, #tpu.memory_space<vmem>>, %arg11: memref<1x128xbf16, #tpu.memory_space<vmem>>, %arg12: memref<1x64xf32, #tpu.memory_space<vmem>>, %arg13: memref<1x1xf32, #tpu.memory_space<vmem>>, %arg14: memref<2048xf32, #tpu.memory_space<vmem>>) attributes {dimension_semantics = [#tpu.dimension_semantics<arbitrary>], iteration_bounds = array<i64: 4>, scalar_prefetch = 0 : i64, scratch_operands = 0 : i64, tpu.core_type = #tpu.core_type<tc>, window_params = [{transform_indices = @transform_0, window_bounds = array<i64: 2048, 128>}, {transform_indices = @transform_1, window_bounds = array<i64: 2048, 128>}, {transform_indices = @transform_2, window_bounds = array<i64: 2048, 128>}, {pipeline_mode = #tpu.pipeline_mode<synchronous>, transform_indices = @transform_3, window_bounds = array<i64: 128, 256>}, {pipeline_mode = #tpu.pipeline_mode<synchronous>, transform_indices = @transform_4, window_bounds = array<i64: 128, 256>}, {pipeline_mode = #tpu.pipeline_mode<synchronous>, transform_indices = @transform_5, window_bounds = array<i64: 1, 256>}, {pipeline_mode = #tpu.pipeline_mode<synchronous>, transform_indices = @transform_6, window_bounds = array<i64: 256, 128>}, {pipeline_mode = #tpu.pipeline_mode<synchronous>, transform_indices = @transform_7, window_bounds = array<i64: 1, 128>}, {pipeline_mode = #tpu.pipeline_mode<synchronous>, transform_indices = @transform_8, window_bounds = array<i64: 128, 64>}, {pipeline_mode = #tpu.pipeline_mode<synchronous>, transform_indices = @transform_9, window_bounds = array<i64: 1, 64>}, {pipeline_mode = #tpu.pipeline_mode<synchronous>, transform_indices = @transform_10, window_bounds = array<i64: 1, 128>}, {pipeline_mode = #tpu.pipeline_mode<synchronous>, transform_indices = @transform_11, window_bounds = array<i64: 1, 64>}, {pipeline_mode = #tpu.pipeline_mode<synchronous>, transform_indices = @transform_12, window_bounds = array<i64: 1, 1>}, {transform_indices = @transform_13, window_bounds = array<i64: 2048>}]} {
    %get3A = arith.constant 0 : index
    %get3A_0 = arith.constant 0 : index
    %get3A_1 = vector.load %arg2[%get3A, %get3A_0] : memref<2048x128xf32, #tpu.memory_space<vmem>>, vector<2048x128xf32>
    %convert_element_type3A = arith.truncf %get3A_1 : vector<2048x128xf32> to vector<2048x128xbf16>
    %get3A_2 = arith.constant 0 : index
    %get3A_3 = arith.constant 0 : index
    %get3A_4 = vector.load %arg3[%get3A_2, %get3A_3] : memref<2048x128xf32, #tpu.memory_space<vmem>>, vector<2048x128xf32>
    %convert_element_type3A_5 = arith.truncf %get3A_4 : vector<2048x128xf32> to vector<2048x128xbf16>
    %get3A_6 = arith.constant 0 : index
    %get3A_7 = arith.constant 0 : index
    %get3A_8 = vector.load %arg4[%get3A_6, %get3A_7] : memref<128x256xbf16, #tpu.memory_space<vmem>>, vector<128x256xbf16>
    %dot_general3A = arith.constant dense<0.000000e+00> : vector<2048x256xf32>
    %dot_general3A_9 = tpu.matmul %convert_element_type3A, %get3A_8, %dot_general3A {dimension_numbers = #tpu.dot_dimension_numbers<[1], [0], [0], [1], [0, 0, 1, 1], [], []>, transpose_lhs_hint = false} : vector<2048x128xbf16>, vector<128x256xbf16>, vector<2048x256xf32> -> vector<2048x256xf32>
    %get3A_10 = arith.constant 0 : index
    %get3A_11 = arith.constant 0 : index
    %get3A_12 = vector.load %arg5[%get3A_10, %get3A_11] : memref<128x256xbf16, #tpu.memory_space<vmem>>, vector<128x256xbf16>
    %dot_general3A_13 = arith.constant dense<0.000000e+00> : vector<2048x256xf32>
    %dot_general3A_14 = tpu.matmul %convert_element_type3A_5, %get3A_12, %dot_general3A_13 {dimension_numbers = #tpu.dot_dimension_numbers<[1], [0], [0], [1], [0, 0, 1, 1], [], []>, transpose_lhs_hint = false} : vector<2048x128xbf16>, vector<128x256xbf16>, vector<2048x256xf32> -> vector<2048x256xf32>
    %add3A = arith.addf %dot_general3A_9, %dot_general3A_14 : vector<2048x256xf32>
    %get3A_15 = arith.constant 0 : index
    %get3A_16 = arith.constant 0 : index
    %get3A_17 = vector.load %arg6[%get3A_15, %get3A_16] : memref<1x256xf32, #tpu.memory_space<vmem>>, vector<1x256xf32>
    %add3A_18 = vector.broadcast %get3A_17 : vector<1x256xf32> to vector<2048x256xf32>
    %add3A_19 = arith.addf %add3A, %add3A_18 : vector<2048x256xf32>
    %max3A = arith.constant 0.000000e+00 : f32
    %max3A_20 = vector.broadcast %max3A : f32 to vector<2048x256xf32>
    %max3A_21 = arith.maximumf %add3A_19, %max3A_20 : vector<2048x256xf32>
    %get3A_22 = arith.constant 0 : index
    %get3A_23 = arith.constant 0 : index
    %get3A_24 = vector.load %arg7[%get3A_22, %get3A_23] : memref<256x128xf32, #tpu.memory_space<vmem>>, vector<256x128xf32>
    %dot_general3A_25 = arith.constant dense<0.000000e+00> : vector<2048x128xf32>
    %dot_general3A_26 = tpu.matmul %max3A_21, %get3A_24, %dot_general3A_25 {dimension_numbers = #tpu.dot_dimension_numbers<[1], [0], [0], [1], [0, 0, 1, 1], [], []>, transpose_lhs_hint = false} : vector<2048x256xf32>, vector<256x128xf32>, vector<2048x128xf32> -> vector<2048x128xf32>
    %get3A_27 = arith.constant 0 : index
    %get3A_28 = arith.constant 0 : index
    %get3A_29 = vector.load %arg8[%get3A_27, %get3A_28] : memref<1x128xf32, #tpu.memory_space<vmem>>, vector<1x128xf32>
    %add3A_30 = vector.broadcast %get3A_29 : vector<1x128xf32> to vector<2048x128xf32>
    %add3A_31 = arith.addf %dot_general3A_26, %add3A_30 : vector<2048x128xf32>
    %max3A_32 = arith.constant 0.000000e+00 : f32
    %max3A_33 = vector.broadcast %max3A_32 : f32 to vector<2048x128xf32>
    %max3A_34 = arith.maximumf %add3A_31, %max3A_33 : vector<2048x128xf32>
    %get3A_35 = arith.constant 0 : index
    %get3A_36 = arith.constant 0 : index
    %get3A_37 = vector.load %arg9[%get3A_35, %get3A_36] : memref<128x64xf32, #tpu.memory_space<vmem>>, vector<128x64xf32>
    %dot_general3A_38 = arith.constant dense<0.000000e+00> : vector<2048x64xf32>
    %dot_general3A_39 = tpu.matmul %max3A_34, %get3A_37, %dot_general3A_38 {dimension_numbers = #tpu.dot_dimension_numbers<[1], [0], [0], [1], [0, 0, 1, 1], [], []>, transpose_lhs_hint = false} : vector<2048x128xf32>, vector<128x64xf32>, vector<2048x64xf32> -> vector<2048x64xf32>
    %get3A_40 = arith.constant 0 : index
    %get3A_41 = arith.constant 0 : index
    %get3A_42 = vector.load %arg10[%get3A_40, %get3A_41] : memref<1x64xf32, #tpu.memory_space<vmem>>, vector<1x64xf32>
    %add3A_43 = vector.broadcast %get3A_42 : vector<1x64xf32> to vector<2048x64xf32>
    %add3A_44 = arith.addf %dot_general3A_39, %add3A_43 : vector<2048x64xf32>
    %max3A_45 = arith.constant 0.000000e+00 : f32
    %max3A_46 = vector.broadcast %max3A_45 : f32 to vector<2048x64xf32>
    %max3A_47 = arith.maximumf %add3A_44, %max3A_46 : vector<2048x64xf32>
    %get3A_48 = arith.constant 0 : index
    %get3A_49 = arith.constant 0 : index
    %get3A_50 = vector.load %arg1[%get3A_48, %get3A_49] : memref<2048x128xbf16, #tpu.memory_space<vmem>>, vector<2048x128xbf16>
    %convert_element_type3A_51 = arith.extf %get3A_50 : vector<2048x128xbf16> to vector<2048x128xf32>
    %get3A_52 = arith.constant 0 : index
    %get3A_53 = arith.constant 0 : index
    %get3A_54 = vector.load %arg11[%get3A_52, %get3A_53] : memref<1x128xbf16, #tpu.memory_space<vmem>>, vector<1x128xbf16>
    %convert_element_type3A_55 = arith.extf %get3A_54 : vector<1x128xbf16> to vector<1x128xf32>
    %mul3A = vector.broadcast %convert_element_type3A_55 : vector<1x128xf32> to vector<2048x128xf32>
    %mul3A_56 = arith.mulf %convert_element_type3A_51, %mul3A : vector<2048x128xf32>
    %reduce_sum3A = arith.constant dense<0.000000e+00> : vector<2048xf32>
    %reduce_sum3A_57 = vector.multi_reduction <add>, %mul3A_56, %reduce_sum3A [1] : vector<2048x128xf32> to vector<2048xf32>
    %convert_element_type3A_58 = arith.truncf %max3A_47 : vector<2048x64xf32> to vector<2048x64xbf16>
    %convert_element_type3A_59 = arith.extf %convert_element_type3A_58 : vector<2048x64xbf16> to vector<2048x64xf32>
    %get3A_60 = arith.constant 0 : index
    %get3A_61 = arith.constant 0 : index
    %get3A_62 = vector.load %arg12[%get3A_60, %get3A_61] : memref<1x64xf32, #tpu.memory_space<vmem>>, vector<1x64xf32>
    %convert_element_type3A_63 = arith.truncf %get3A_62 : vector<1x64xf32> to vector<1x64xbf16>
    %convert_element_type3A_64 = arith.extf %convert_element_type3A_63 : vector<1x64xbf16> to vector<1x64xf32>
    %mul3A_65 = vector.broadcast %convert_element_type3A_64 : vector<1x64xf32> to vector<2048x64xf32>
    %mul3A_66 = arith.mulf %convert_element_type3A_59, %mul3A_65 : vector<2048x64xf32>
    %reduce_sum3A_67 = arith.constant dense<0.000000e+00> : vector<2048xf32>
    %reduce_sum3A_68 = vector.multi_reduction <add>, %mul3A_66, %reduce_sum3A_67 [1] : vector<2048x64xf32> to vector<2048xf32>
    %add3A_69 = arith.addf %reduce_sum3A_57, %reduce_sum3A_68 : vector<2048xf32>
    %get3A_70 = arith.constant 0 : index
    %get3A_71 = arith.constant 0 : index
    %get3A_72 = vector.load %arg13[%get3A_70, %get3A_71] : memref<1x1xf32, #tpu.memory_space<vmem>>, vector<1x1xf32>
    %get3A_73 = vector.extract %get3A_72[0, 0] : f32 from vector<1x1xf32>
    %add3A_74 = vector.broadcast %get3A_73 : f32 to vector<2048xf32>
    %add3A_75 = arith.addf %add3A_69, %add3A_74 : vector<2048xf32>
    %swap3A = arith.constant 0 : index
    %swap3A_76 = vector.load %arg14[%swap3A] : memref<2048xf32, #tpu.memory_space<vmem>>, vector<2048xf32>
    tpu.vector_store %arg14[%swap3A], %add3A_75 {strides = array<i32>} : memref<2048xf32, #tpu.memory_space<vmem>>, vector<2048xf32>,
    return
  }
  func.func @transform_0(%arg0: i32) -> (i32, i32) {
    %add3A = arith.constant 0 : i32
    %add3A_0 = arith.addi %arg0, %add3A : i32
    %c0_i32 = arith.constant 0 : i32
    %c0_i32_1 = arith.constant 0 : i32
    return %add3A_0, %c0_i32 : i32, i32
  }
  func.func @transform_1(%arg0: i32) -> (i32, i32) {
    %add3A = arith.constant 0 : i32
    %add3A_0 = arith.addi %arg0, %add3A : i32
    %c0_i32 = arith.constant 0 : i32
    %c0_i32_1 = arith.constant 0 : i32
    return %add3A_0, %c0_i32 : i32, i32
  }
  func.func @transform_2(%arg0: i32) -> (i32, i32) {
    %add3A = arith.constant 0 : i32
    %add3A_0 = arith.addi %arg0, %add3A : i32
    %c0_i32 = arith.constant 0 : i32
    %c0_i32_1 = arith.constant 0 : i32
    return %add3A_0, %c0_i32 : i32, i32
  }
  func.func @transform_3(%arg0: i32) -> (i32, i32) {
    %c0_i32 = arith.constant 0 : i32
    %c0_i32_0 = arith.constant 0 : i32
    %c0_i32_1 = arith.constant 0 : i32
    return %c0_i32, %c0_i32_0 : i32, i32
  }
  func.func @transform_4(%arg0: i32) -> (i32, i32) {
    %c0_i32 = arith.constant 0 : i32
    %c0_i32_0 = arith.constant 0 : i32
    %c0_i32_1 = arith.constant 0 : i32
    return %c0_i32, %c0_i32_0 : i32, i32
  }
  func.func @transform_5(%arg0: i32) -> (i32, i32) {
    %c0_i32 = arith.constant 0 : i32
    %c0_i32_0 = arith.constant 0 : i32
    %c0_i32_1 = arith.constant 0 : i32
    return %c0_i32, %c0_i32_0 : i32, i32
  }
  func.func @transform_6(%arg0: i32) -> (i32, i32) {
    %c0_i32 = arith.constant 0 : i32
    %c0_i32_0 = arith.constant 0 : i32
    %c0_i32_1 = arith.constant 0 : i32
    return %c0_i32, %c0_i32_0 : i32, i32
  }
  func.func @transform_7(%arg0: i32) -> (i32, i32) {
    %c0_i32 = arith.constant 0 : i32
    %c0_i32_0 = arith.constant 0 : i32
    %c0_i32_1 = arith.constant 0 : i32
    return %c0_i32, %c0_i32_0 : i32, i32
  }
  func.func @transform_8(%arg0: i32) -> (i32, i32) {
    %c0_i32 = arith.constant 0 : i32
    %c0_i32_0 = arith.constant 0 : i32
    %c0_i32_1 = arith.constant 0 : i32
    return %c0_i32, %c0_i32_0 : i32, i32
  }
  func.func @transform_9(%arg0: i32) -> (i32, i32) {
    %c0_i32 = arith.constant 0 : i32
    %c0_i32_0 = arith.constant 0 : i32
    %c0_i32_1 = arith.constant 0 : i32
    return %c0_i32, %c0_i32_0 : i32, i32
  }
  func.func @transform_10(%arg0: i32) -> (i32, i32) {
    %c0_i32 = arith.constant 0 : i32
    %c0_i32_0 = arith.constant 0 : i32
    %c0_i32_1 = arith.constant 0 : i32
    return %c0_i32, %c0_i32_0 : i32, i32
  }
  func.func @transform_11(%arg0: i32) -> (i32, i32) {
    %c0_i32 = arith.constant 0 : i32
    %c0_i32_0 = arith.constant 0 : i32
    %c0_i32_1 = arith.constant 0 : i32
    return %c0_i32, %c0_i32_0 : i32, i32
  }
  func.func @transform_12(%arg0: i32) -> (i32, i32) {
    %c0_i32 = arith.constant 0 : i32
    %c0_i32_0 = arith.constant 0 : i32
    %c0_i32_1 = arith.constant 0 : i32
    return %c0_i32, %c0_i32_0 : i32, i32
  }
  func.func @transform_13(%arg0: i32) -> i32 {
    %c0_i32 = arith.constant 0 : i32
    return %arg0 : i32
  }
}

</mosaic_0001>

<sc_bundles>
// kernel: kernel.6.cloned.1.call-start
scs
__scs_entry_jumppad:
0x0: {  	(pc) =	sbr.rel $0x88, $3  }
0x1: {  	(tag) =	ssettag $0x0;
	lr =	simm.s32 $0x1  }
0x2: {  	[smem:$0x3F93] =	sst lr;
	_ =	strace $0xD0000000  }
0x3: {  	_ = 	snop  }
0x4: {  	_ = 	snop  }
0x5: {  	_ = 	snop  }
0x6: {  	_ = 	snop  }
0x7: {  	_ = 	snop  }
__scs_overlays_trampoline_lowered:
0x8: {  	[smem:$0x3FA2] =	sst s0  }
0x9: {  	[smem:$0x3FA3] =	sst s1  }
0xa: {  	[smem:$0x3FA4] =	sst s2  }
0xb: {  	[smem:$0x3FA5] =	sst s3  }
0xc: {  	[smem:$0x3FA6] =	sst s4  }
0xd: {  	[smem:$0x3FA7] =	sst s5  }
0xe: {  	[smem:$0x3FA8] =	sst s6  }
0xf: {  	[smem:$0x3FA9] =	sst s7  }
0x10: {  	[smem:$0x3FAA] =	sst s8  }
0x11: {  	[smem:$0x3FAB] =	sst s9;
	s0 =	simm.s32 @!p0 $0x0  }
0x12: {  	s1 =	sld [smem:$0x3F91];
	s0 =	simm.s32 @p0 $0x1  }
0x13: {  	[smem:$0x3FAC] =	sst s0;
	s0 =	simm.s32 @!p1 $0x0  }
0x14: {  	s2 =	sld [smem:$0x3F90];
	s0 =	simm.s32 @p1 $0x1  }
0x15: {  	[smem:$0x3FAD] =	sst s0;
	s0 =	simm.s32 @!p2 $0x0  }
0x16: {  	s3 =	sld [smem:$0x3FDB];
	s0 =	simm.s32 @p2 $0x1  }
0x17: {  	s4 =	simm.s32 $0x1BF5;
	[smem:$0x3FAF] =	sst s0  }
0x18: {  	s0 =	sld [smem:$0x3F92];
	_ =	swait.ge [sflag:s4], $0x0  }
0x19: {  	s7 =	sld [smem:$0x3F93]  }
0x1a: {  	s8 =	sadd.s32 $0xFFFFE003, lr  }
0x1b: {  	s9 =	sadd.s32 $0xFFFFFEF7, lr;
	s5 =	simm.s32 $0xFFFFFFFF;
	p2 =	slt.u32 s8, $0xFFFFF086  }
0x1c: {  	p1 =	slt.u32 s9, $0xF7A;
	s5 =	simm.s32 @!p2 $0x0  }
0x1d: {  	s5 =	simm.s32 @p1 $0x1;
	p0 =	seq.s32 s7, s2  }
0x1e: {  	s7 =	smul.u32 @!p0 $0xF7A, s2;
	p2 =	seq.s32 @!p0 s5, $0x0  }
0x1f: {  	s9 =	smul.u32 $0xF7A, s1;
	s8 =	simm.s32 @!p0 $0x1BF5;
	p2 =	por !p2, p0  }
0x20: {  	[sflag:s8] =	ssyncset.s32 @!p0 $0xFFFFF086;
	s6 =	sadd.s32 @!p0 s3, s7;
	s7 =	simm.s32 @!p0 $0x108  }
0x21: {  	s3 =	sadd.s32 s3, s9;
	s6 =	sadd.s32 @!p0 $0x88, s6;
	s7 =	simm.s32 @p2 $0x1082  }
0x22: {  	[simem:s7], [sflag:s8] =	dma.local @!p0 [hbm:s6], $0xF7A  }
0x23: {  	s9 =	sor.u32 $0xD0000000, s2;
	s6 =	simm.s32 $0x108;
	_ =	swait.ge @!p0 [sflag:s8], $0x0  }
0x24: {  	s3 =	sadd.s32 $0x88, s3;
	s6 =	simm.s32 @!p1 $0x1082;
	[sflag:s4] =	ssyncset.s32 $0xFFFFF086  }
0x25: {  	[simem:s6], [sflag:s4] =	dma.local [hbm:s3], $0xF7A  }
0x26: {  	[smem:$0x3F93] =	sst s1;
	(tag) =	ssettag s2;
	_ =	strace s9  }
0x27: {  	s1 =	sld [smem:$0x3FA3]  }
0x28: {  	s2 =	sld [smem:$0x3FA4]  }
0x29: {  	s4 =	sld [smem:$0x3FA6]  }
0x2a: {  	p0 =	seq.s32 s5, $0x0;
	s5 =	sld [smem:$0x3FA7]  }
0x2b: {  	s6 =	sld [smem:$0x3FA8]  }
0x2c: {  	s7 =	sld [smem:$0x3FA9]  }
0x2d: {  	s3 =	simm.s32 $0x108;
	s8 =	sld [smem:$0x3FAA]  }
0x2e: {  	s3 =	simm.s32 @!p0 $0x1082;
	s9 =	sld [smem:$0x3FAB]  }
0x2f: {  	lr =	sadd.s32 s0, s3;
	s0 =	sld [smem:$0x3FA2]  }
0x30: {  	s3 =	sld [smem:$0x3FA5]  }
0x31: {  	[smem:$0x3FAE] =	sst s10  }
0x32: {  	s10 =	sld [smem:$0x3FAC];
	_ =	sdelay $0x3  }
0x33: {  	p0 =	seq.s32 s10, $0x1;
	s10 =	sld [smem:$0x3FAE];
	_ =	sdelay $0x3  }
0x34: {  	[smem:$0x3FAE] =	sst s10  }
0x35: {  	s10 =	sld [smem:$0x3FAD];
	_ =	sdelay $0x3  }
0x36: {  	p1 =	seq.s32 s10, $0x1;
	s10 =	sld [smem:$0x3FAE];
	_ =	sdelay $0x3  }
0x37: {  	[smem:$0x3FAE] =	sst s10  }
0x38: {  	s10 =	sld [smem:$0x3FAF]  }
0x39: {  	_ = 	snop;
	(pc) =	sbr.ind lr, $3  }
0x3a: {  	_ = 	snop  }
0x3b: {  	_ = 	snop  }
0x3c: {  	p2 =	seq.s32 s10, $0x1;
	s10 =	sld [smem:$0x3FAE]  }
0x3d: {  	_ =	shalt  }
0x3e: {  	_ =	shalt  }
0x3f: {  	_ =	shalt  }
0x40: {  	_ =	shalt  }
0x41: {  	_ =	shalt  }
0x42: {  	_ =	shalt  }
0x43: {  	_ =	shalt  }
0x44: {  	_ =	shalt  }
0x45: {  	_ =	shalt  }
0x46: {  	_ =	shalt  }
0x47: {  	_ =	shalt  }
0x48: {  	_ =	shalt  }
0x49: {  	_ =	shalt  }
0x4a: {  	_ =	shalt  }
0x4b: {  	_ =	shalt  }
0x4c: {  	_ =	shalt  }
0x4d: {  	_ =	shalt  }
0x4e: {  	_ =	shalt  }
0x4f: {  	_ =	shalt  }
0x50: {  	_ =	shalt  }
0x51: {  	_ =	shalt  }
0x52: {  	_ =	shalt  }
0x53: {  	_ =	shalt  }
0x54: {  	_ =	shalt  }
0x55: {  	_ =	shalt  }
0x56: {  	_ =	shalt  }
0x57: {  	_ =	shalt  }
0x58: {  	_ =	shalt  }
0x59: {  	_ =	shalt  }
0x5a: {  	_ =	shalt  }
0x5b: {  	_ =	shalt  }
0x5c: {  	_ =	shalt  }
0x5d: {  	_ =	shalt  }
0x5e: {  	_ =	shalt  }
0x5f: {  	_ =	shalt  }
0x60: {  	_ =	shalt  }
0x61: {  	_ =	shalt  }
0x62: {  	_ =	shalt  }
0x63: {  	_ =	shalt  }
0x64: {  	_ =	shalt  }
0x65: {  	_ =	shalt  }
0x66: {  	_ =	shalt  }
0x67: {  	_ =	shalt  }
0x68: {  	_ =	shalt  }
0x69: {  	_ =	shalt  }
0x6a: {  	_ =	shalt  }
0x6b: {  	_ =	shalt  }
0x6c: {  	_ =	shalt  }
0x6d: {  	_ =	shalt  }
0x6e: {  	_ =	shalt  }
0x6f: {  	_ =	shalt  }
0x70: {  	_ =	shalt  }
0x71: {  	_ =	shalt  }
0x72: {  	_ =	shalt  }
0x73: {  	_ =	shalt  }
0x74: {  	_ =	shalt  }
0x75: {  	_ =	shalt  }
0x76: {  	_ =	shalt  }
0x77: {  	_ =	shalt  }
0x78: {  	_ =	shalt  }
0x79: {  	_ =	shalt  }
0x7a: {  	_ =	shalt  }
0x7b: {  	_ =	shalt  }
0x7c: {  	_ =	shalt  }
0x7d: {  	_ =	shalt  }
0x7e: {  	_ =	shalt  }
0x7f: {  	_ =	shalt  }
0x80: {  	_ =	shalt  }
0x81: {  	_ =	shalt  }
0x82: {  	_ =	shalt  }
0x83: {  	_ =	shalt  }
0x84: {  	_ =	shalt  }
0x85: {  	_ =	shalt  }
0x86: {  	_ =	shalt  }
0x87: {  	_ =	shalt  }
.Lfunc_end0:
.L_simem_size_0:
called_computation_lowered:
.L_overlay_start_0:
0x88: {  	s2 =	sld [smem:$0x3FD9]  }
0x89: {  	s3 =	sld [smem:$0x3FFE];
	_ =	sdelay $0x1  }
0x8a: {  	s1 =	srdreg.scid  }
0x8b: {  	s0 =	sand.u32 $0x1, s1  }
0x8c: {  	s17 =	sshll.u32 s0, $0xA;
	s2 =	sadd.s32 s3, s2  }
0x8d: {  	s2 =	sadd.s32 s2, s17  }
0x8e: {  	[smem:$0x3FBA] =	sst s2  }
0x8f: {  	_ = 	snop  }
0x90: {  	s18 =	sld [smem:$0x3FC9]  }
0x91: {  	s4 =	sld [smem:$0x3FC8]  }
0x92: {  	s5 =	sld [smem:$0x3FC7]  }
0x93: {  	s6 =	sld [smem:$0x3FC6]  }
0x94: {  	s7 =	sld [smem:$0x3FC5]  }
0x95: {  	s8 =	sld [smem:$0x3FC4];
	(tm) =	ssettm $0x1  }
0x96: {  	s19 =	sld [smem:$0x3FFB];
	_ =	sdelay $0x3  }
0x97: {  	_ =	strace s19  }
0x98: {  	s2 =	sld [smem:$0x3FFC];
	_ =	sdelay $0x3  }
0x99: {  	_ =	strace s2  }
0x9a: {  	s2 =	sld [smem:$0x3FFD];
	_ =	sdelay $0x3  }
0x9b: {  	_ =	strace s2  }
0x9c: {  	_ =	strace $0x8FFFFFFF  }
0x9d: {  	s20 =	sld [smem:$0x3FDB];
	_ =	sdelay $0x1  }
0x9e: {  	s9 =	simm.s32 $_scs_section_size  }
0x9f: {  	s10 =	simm.s32 $_size__tile_overlayer_lowered;
	s11 =	simm.s32 $_tile_overlayer_lowered  }
0xa0: {  	s12 =	simm.s32 $0x1BFF;
	s21 =	sshll.u32 s11, $0x1;
	s9 =	sadd.s32 s9, s20  }
0xa1: {  	s22 =	simm.s32 $0x0;
	s10 =	sshll.u32 s10, $0x1;
	s11 =	sadd.s32 s21, s9  }
0xa2: {  	[timem:s22], [sflag:s12] =	dma.local [hbm:s11], s10  }
0xa3: {  	_ =	swait.ge [sflag:s12], s10  }
0xa4: {  	s10 =	ssub.s32 $0x0, s10;
	[sflag:s12] =	ssyncset.done $0x0  }
0xa5: {  	[sflag:s12] =	ssyncadd.s32 s10;
	_ =	sdelay $0x1  }
0xa6: {  	s23 =	simm.s32 $0x1B8B  }
0xa7: {  	_ =	swait.ge [sflag:s23], $0x1  }
0xa8: {  	[sflag:s23] =	ssyncset.done $0x0  }
0xa9: {  	[sflag:s23] =	ssyncadd.s32 $0xFFFFFFFF  }
0xaa: {  	s10 =	sld [smem:$0x0]  }
0xab: {  	s11 =	sand.u32 $0xFFFFFFFE, s1  }
0xac: {  	p0 =	sne.s32 s1, s11  }
0xad: {  	s11 =	sshll.u32 @p0 s11, $0xE  }
0xae: {  	s11 =	sadd.s32 @p0 $0x11B8D, s11;
	s12 =	sshll.u32 @p0 s10, $0x11  }
0xaf: {  	s11 =	sor.u32 @p0 s12, s11  }
0xb0: {  	[sflag:s11] =	ssyncadd.remote.s32 @p0 $0x1;
	_ =	sdelay $0x1  }
0xb1: {  	s11 =	simm.s32 @p0 $0x1B8D  }
0xb2: {  	_ =	swait.eq @p0 [sflag:s11], $0x1  }
0xb3: {  	[sflag:s11] =	ssyncadd.s32 @p0 $0xFFFFFFFF  }
0xb4: {  	s12 =	sshll.u32 @!p0 s1, $0xE  }
0xb5: {  	s12 =	sor.u32 @!p0 $0x4000, s12;
	s11 =	simm.s32 @!p0 $0x1B8D  }
0xb6: {  	s10 =	sshll.u32 @!p0 s10, $0x11;
	s12 =	sadd.s32 @!p0 $0x11B8D, s12;
	_ =	swait.eq @!p0 [sflag:s11], $0x1  }
0xb7: {  	s10 =	sor.u32 @!p0 s10, s12;
	[sflag:s11] =	ssyncadd.s32 @!p0 $0xFFFFFFFF  }
0xb8: {  	s25 =	simm.s32 $0x1B8E;
	s24 =	sld [smem:$0x3FFE];
	[sflag:s10] =	ssyncadd.remote.s32 @!p0 $0x1  }
0xb9: {  	s26 =	simm.s32 $execute0_lowered;
	[smem:$0x3FD2] =	sst s25  }
0xba: {  	s11 =	sshll.u32 s26, $0x1;
	_ =	strace $0x80000049;
	[dreg:$0x1] =	wrdreg $0xFFFFFFFF  }
0xbb: {  	s28 =	simm.s32 $_size_execute0_lowered;
	s9 =	sadd.s32 s9, s11;
	[dreg:$0x0] =	wrdreg $0x0  }
0xbc: {  	s11 =	sshll.u32 s28, $0x1;
	[dreg:$0x2] =	wrdreg s9  }
0xbd: {  	[dreg:$0x3] =	wrdreg s11  }
0xbe: {  	[dreg:$0x4] =	wrdreg $0xC0  }
0xbf: {  	_ =	task [dreg:s22], $0x5FFFF  }
0xc0: {  	[dreg:$0x1] =	wrdreg $0xFFFFFFFF  }
0xc1: {  	[dreg:$0x0] =	wrdreg $0x60  }
0xc2: {  	[dreg:$0x2] =	wrdreg s18  }
0xc3: {  	[dreg:$0x3] =	wrdreg s4  }
0xc4: {  	[dreg:$0x4] =	wrdreg s5  }
0xc5: {  	[dreg:$0x5] =	wrdreg s6  }
0xc6: {  	[dreg:$0x6] =	wrdreg s7  }
0xc7: {  	[dreg:$0x7] =	wrdreg s8  }
0xc8: {  	[dreg:$0x8] =	wrdreg s24  }
0xc9: {  	[dreg:$0x9] =	wrdreg $0x9  }
0xca: {  	_ =	task.clear_ibuf [dreg:s22], $0xAFFFF;
	_ =	strace $0x90000049  }
0xcb: {  	s29 =	simm.s32 $0x9;
	_ =	strace $0x8000004B  }
0xcc: {  	_ =	swait.ge [sflag:s29], $0x1  }
0xcd: {  	[sflag:s29] =	ssyncadd.s32 $0xFFFFFFFF  }
0xce: {  	_ =	strace $0x9000004B  }
0xcf: {  	_ =	sfence  }
0xd0: {  	s30 =	sld [smem:$0x0];
	_ =	sdelay $0x2  }
0xd1: {  	s31 =	sshll.u32 s1, $0xD;
	s1 =	sshrl.u32 s1, $0x2  }
0xd2: {  	s4 =	sand.u32 $0x4000, s31;
	s1 =	sadd.s32 s1, s30  }
0xd3: {  	s0 =	sor.u32 s4, s0;
	s1 =	sshll.u32 s1, $0x11  }
0xd4: {  	s0 =	sor.u32 s1, s0  }
0xd5: {  	s0 =	sadd.s32 $0x8F2B, s0  }
0xd6: {  	[sflag:s0] =	ssyncadd.remote.s32 $0x1  }
0xd7: {  	_ =	sfence.sel $0xFFFF  }
0xd8: {  	[dreg:$0x0] =	wrdreg $0xFFFFFFFF;
	(pc) =	sbr.abs _section_cstart, $3  }
0xd9: {  	[dreg:$0x1] =	wrdreg $0xFFFFFFFF  }
0xda: {  	_ =	task.clear_ibuf [dreg:s22], $0x2FFFF;
	_ =	strace $0x9FFFFFFF  }
0xdb: {  	(tm) =	ssettm $0x7FFFFFFF  }
tec
execute0_lowered:
.L_overlay_start_1:
0x0: {  	(tag) =	ssettag $0x1  }
0x1: {  	s0 =	rddreg [dreg:$0x0]  }
0x2: {  	s1 =	rddreg [dreg:$0x1]  }
0x3: {  	s2 =	rddreg [dreg:$0x3]  }
0x4: {  	s3 =	rddreg [dreg:$0x4]  }
0x5: {  	s4 =	rddreg [dreg:$0x5]  }
0x6: {  	s6 =	rddreg [dreg:$0x6];
	s5 =	simm.s32 $0x0  }
0x7: {  	s7 =	srdreg.scid;
	s10 =	stileid.u32;
	s28 =	simm.s32 $0x8200  }
0x8: {  	s29 =	simm.s32 $0xC200;
	s30 =	simm.s32 $0x6;
	s31 =	simm.s32 $0xA  }
0x9: {  	[smem:$0x7FF] =	sst s5;
	s8 =	sadd.s32 $0x122E00, s6;
	s7 =	sand.u32 $0x1, s7  }
0xa: {  	s10 =	sshll.u32 s10, $0x9;
	s11 =	sadd.s32 $0xA2E00, s6;
	s9 =	ssub.s32 $0x2, s7  }
0xb: {  	s6 =	sadd.s32 $0xE2E00, s6;
	s7 =	sshll.u32 s7, $0x8;
	s12 =	sshrl.u32 s9, $0x1  }
0xc: {  	_ =	strace $0x8000004A;
	s7 =	sor.u32 s7, s10;
	s9 =	ssub.s32 s9, s12  }
0xd: {  	s10 =	sshrl.u32 s7, $0x3;
	s13 =	sshll.u32 s7, $0x7;
	s14 =	sshll.u32 s7, $0x3  }
0xe: {  	s7 =	sshll.u32 s7, $0x4;
	s0 =	sadd.s32 s0, s10;
	s12 =	sadd.s32 s1, s10  }
0xf: {  	s15 =	sor.u32 $0x2000, s13;
	s1 =	sadd.s32 s8, s14;
	[dreg:$0x8] =	wrdreg s0  }
0x10: {  	s16 =	sadd.s32 s11, s7;
	s7 =	sadd.s32 s6, s7;
	[dreg:$0x9] =	wrdreg s12  }
0x11: {  	s20 =	sor.u32 $0x4000, s13;
	s26 =	smax.u32 s9, $0x1;
	[dreg:$0xa] =	wrdreg s1  }
0x12: {  	s9 =	simm.s32 $0x3;
	s14 =	simm.s32 $0xB;
	[dreg:$0xb] =	wrdreg s16  }
0x13: {  	s17 =	sshrl.u32 s15, $0x4;
	[dreg:$0xc] =	wrdreg s7;
	s18 =	sshrl.u32 s15, $0x3  }
0x14: {  	s21 =	sshrl.u32 s20, $0x4;
	s0 =	sor.u32 $0x6000, s13;
	[dreg:$0x16] =	wrdreg s26  }
0x15: {  	s12 =	simm.s32 $0x7;
	s13 =	simm.s32 $0x9;
	s15 =	simm.s32 $0xD  }
0x16: {  	s26 =	simm.s32 $0x2;
	s16 =	simm.s32 $0x0;
	s1 =	sadd.s32 s8, s17  }
0x17: {  	s19 =	sadd.s32 s11, s18;
	s7 =	sadd.s32 s8, s21;
	[dreg:$0xd] =	wrdreg s1  }
0x18: {  	s23 =	sshrl.u32 s0, $0x4;
	s0 =	sshrl.u32 s0, $0x3;
	[dreg:$0xe] =	wrdreg s19  }
0x19: {  	s17 =	simm.s32 $0x4;
	s1 =	sadd.s32 s6, s18;
	[dreg:$0x10] =	wrdreg s7  }
0x1a: {  	s24 =	sadd.s32 s8, s23;
	s25 =	sadd.s32 s11, s0;
	[dreg:$0xf] =	wrdreg s1  }
0x1b: {  	s0 =	sadd.s32 s6, s0;
	s7 =	simm.s32 $0xE200;
	[dreg:$0x13] =	wrdreg s24  }
0x1c: {  	s8 =	simm.s32 $0x1;
	s19 =	simm.s32 $0x8;
	[dreg:$0x14] =	wrdreg s25  }
0x1d: {  	s1 =	sshrl.u32 s20, $0x3;
	[dreg:$0x15] =	wrdreg s0;
	s24 =	simm.s32 $0x40  }
0x1e: {  	s20 =	simm.s32 $0xC;
	s0 =	simm.s32 $0xE;
	s22 =	sadd.s32 s11, s1  }
0x1f: {  	s1 =	sadd.s32 s6, s1;
	s6 =	simm.s32 $0xA200;
	[dreg:$0x11] =	wrdreg s22  }
0x20: {  	s11 =	simm.s32 $0x5;
	[dreg:$0x12] =	wrdreg s1;
	s22 =	simm.s32 $0xF  }
.LBB2_1:
0x21: {  	s1 =	rddreg [dreg:$0x8]  }
0x22: {  	[tilespmem:s5], [sflag:$0xF] =	stream.linear.gather [hbm4b:s1+s5], $0x100, $0x38;
	[tilespmem:$0x12200] =	vst v63  }
0x23: {  	_ =	swait.ge [sflag:s22], $0x100  }
0x24: {  	[sflag:s22] =	ssyncset.done $0x0  }
0x25: {  	s10 =	simm.s32 $0x100;
	s18 =	rddreg [dreg:$0x9];
	[sflag:s22] =	ssyncadd.s32 $0xFFFFFF00  }
0x26: {  	[tilespmem:s10], [sflag:$0xF] =	stream.linear.gather [hbm4b:s18+s5], $0x100, $0x38;
	[tilespmem:$0x12200] =	vst v63  }
0x27: {  	_ =	swait.ge [sflag:s22], $0x100  }
0x28: {  	[sflag:s22] =	ssyncset.done $0x0  }
0x29: {  	[sflag:s22] =	ssyncadd.s32 $0xFFFFFF00  }
0x2a: {  	s18 =	simm.s32 $0x200;
	s21 =	rddreg [dreg:$0x2]  }
0x2b: {  	[tilespmem:s18], [sflag:$0x1] =	stream.indirect.gather [hbm4b:s21+s24], $0x80, s5, s24, $0xb8;
	[tilespmem:$0x12200] =	vst v63  }
0x2c: {  	s23 =	simm.s32 $0x4200  }
0x2d: {  	[tilespmem:s23], [sflag:$0x3] =	stream.indirect.gather [hbm4b:s2+s24], $0x80, s10, s24, $0xb8;
	[tilespmem:$0x12200] =	vst v63  }
0x2e: {  	_ = 	snop  }
0x2f: {  	[tilespmem:s28], [sflag:$0x5] =	stream.indirect.gather [hbm4b:s3+s24], $0x80, s5, s24, $0xb8;
	[tilespmem:$0x12200] =	vst v63  }
0x30: {  	_ = 	snop  }
0x31: {  	[tilespmem:s29], [sflag:$0x7] =	stream.indirect.gather [hbm4b:s4+s24], $0x80, s10, s24, $0xb8;
	[tilespmem:$0x12200] =	vst v63  }
0x32: {  	s25 =	simm.s32 $0x2200  }
0x33: {  	[tilespmem:s25], [sflag:$0x2] =	stream.indirect.gather [hbm4b:s21+s24], $0x80, s24, s24, $0xb8;
	[tilespmem:$0x12200] =	vst v63  }
0x34: {  	s18 =	simm.s32 $0x140;
	s21 =	simm.s32 $0x6200  }
0x35: {  	[tilespmem:s21], [sflag:$0x4] =	stream.indirect.gather [hbm4b:s2+s24], $0x80, s18, s24, $0xb8;
	[tilespmem:$0x12200] =	vst v63  }
0x36: {  	_ = 	snop  }
0x37: {  	[tilespmem:s6], [sflag:$0x6] =	stream.indirect.gather [hbm4b:s3+s24], $0x80, s24, s24, $0xb8;
	[tilespmem:$0x12200] =	vst v63  }
0x38: {  	_ = 	snop  }
0x39: {  	[tilespmem:s7], [sflag:$0x8] =	stream.indirect.gather [hbm4b:s4+s24], $0x80, s18, s24, $0xb8;
	[tilespmem:$0x12200] =	vst v63  }
0x3a: {  	_ =	swait.ge [sflag:s8], $0x2000  }
0x3b: {  	[sflag:s8] =	ssyncset.done $0x0  }
0x3c: {  	[sflag:s8] =	ssyncadd.s32 $0xFFFFE000  }
0x3d: {  	_ =	swait.ge [sflag:s9], $0x2000  }
0x3e: {  	[sflag:s9] =	ssyncset.done $0x0  }
0x3f: {  	s18 =	simm.s32 $0x240;
	[sflag:s9] =	ssyncadd.s32 $0xFFFFE000  }
0x40: {  	s25 =	simm.s32 $0x4240;
	v0 =	vld [tilespmem:s18+$0xFFFFFFC0]  }
0x41: {  	v1 =	vld [tilespmem:s25+$0xFFFFFFD0]  }
0x42: {  	v2 =	vld [tilespmem:s18+$0xFFFFFFD0]  }
0x43: {  	v3 =	vld [tilespmem:s25+$0xFFFFFFC0];
	_ =	sdelay $0x4  }
0x44: {  	v1 =	vmul.f32 v1, v2;
	v0 =	vmul.f32 v3, v0  }
0x45: {  	s23 =	sand.u32 $0x1F00, s5  }
0x46: {  	s1 =	sshrl.u32 s23, $0x1;
	v0 =	vpack.i.f32.bf16 v1, v0  }
0x47: {  	[tilespmem:s1+$0x10200] =	vst v0  }
0x48: {  	v0 =	vld [tilespmem:s25+$0xFFFFFFF0]  }
0x49: {  	v1 =	vld [tilespmem:s25+$0xFFFFFFE0]  }
0x4a: {  	v2 =	vld [tilespmem:s18+$0xFFFFFFF0]  }
0x4b: {  	v3 =	vld [tilespmem:s18+$0xFFFFFFE0];
	_ =	sdelay $0x4  }
0x4c: {  	v0 =	vmul.f32 v0, v2;
	v1 =	vmul.f32 v1, v3;
	_ =	sdelay $0x1  }
0x4d: {  	s1 =	sadd.s32 $0x10200, s1;
	v0 =	vpack.i.f32.bf16 v0, v1  }
0x4e: {  	[tilespmem:s1+$0x20] =	vst v0  }
0x4f: {  	v0 =	vld [tilespmem:s18+$0x0]  }
0x50: {  	v1 =	vld [tilespmem:s25+$0x0]  }
0x51: {  	v2 =	vld [tilespmem:s18+$0x10]  }
0x52: {  	v3 =	vld [tilespmem:s25+$0x10];
	_ =	sdelay $0x4  }
0x53: {  	v0 =	vmul.f32 v1, v0;
	v1 =	vmul.f32 v3, v2;
	_ =	sdelay $0x1  }
0x54: {  	v0 =	vpack.i.f32.bf16 v1, v0  }
0x55: {  	[tilespmem:s1+$0x40] =	vst v0  }
0x56: {  	v0 =	vld [tilespmem:s18+$0x20]  }
0x57: {  	s23 =	simm.s32 $0x0;
	s10 =	simm.s32 $0x240;
	s21 =	simm.s32 $0x1;
	v1 =	vld [tilespmem:s25+$0x30]  }
.LBB2_2:
0x58: {  	v2 =	vld [tilespmem:s25+$0x20];
	s23 =	sadd.s32 $0x80, s23;
	s18 =	sadd.s32 $0x80, s18;
	s25 =	sadd.s32 $0x80, s25  }
0x59: {  	p0 =	sne.s32 s21, $0x3F;
	s21 =	sadd.s32 $0x1, s21;
	v3 =	vld [tilespmem:s10+$0x30];
	s10 =	smov.u32 s18  }
0x5a: {  	_ =	sdelay $0x2  }
0x5b: {  	v0 =	vmul.f32 v2, v0  }
0x5c: {  	v1 =	vmul.f32 v1, v3;
	_ =	sdelay $0x1  }
0x5d: {  	v0 =	vpack.i.f32.bf16 v1, v0  }
0x5e: {  	[tilespmem:s1+$0x60] =	vst v0  }
0x5f: {  	v0 =	vld [tilespmem:s18+$0xFFFFFFC0]  }
0x60: {  	v1 =	vld [tilespmem:s25+$0xFFFFFFD0]  }
0x61: {  	v2 =	vld [tilespmem:s18+$0xFFFFFFD0]  }
0x62: {  	v3 =	vld [tilespmem:s25+$0xFFFFFFC0];
	_ =	sdelay $0x3  }
0x63: {  	v1 =	vmul.f32 v1, v2  }
0x64: {  	v0 =	vmul.f32 v3, v0  }
0x65: {  	s1 =	sand.u32 $0x1F00, s23  }
0x66: {  	s1 =	sshrl.u32 s1, $0x1;
	v0 =	vpack.i.f32.bf16 v1, v0  }
0x67: {  	[tilespmem:s1+$0x10200] =	vst v0  }
0x68: {  	v0 =	vld [tilespmem:s25+$0xFFFFFFF0]  }
0x69: {  	v1 =	vld [tilespmem:s25+$0xFFFFFFE0]  }
0x6a: {  	v2 =	vld [tilespmem:s18+$0xFFFFFFF0]  }
0x6b: {  	v3 =	vld [tilespmem:s18+$0xFFFFFFE0];
	_ =	sdelay $0x3  }
0x6c: {  	v0 =	vmul.f32 v0, v2  }
0x6d: {  	v1 =	vmul.f32 v1, v3;
	_ =	sdelay $0x1  }
0x6e: {  	s1 =	sadd.s32 $0x10200, s1;
	v0 =	vpack.i.f32.bf16 v0, v1  }
0x6f: {  	[tilespmem:s1+$0x20] =	vst v0  }
0x70: {  	v0 =	vld [tilespmem:s18+$0x0]  }
0x71: {  	v1 =	vld [tilespmem:s25+$0x0]  }
0x72: {  	v2 =	vld [tilespmem:s18+$0x10]  }
0x73: {  	v3 =	vld [tilespmem:s25+$0x10];
	_ =	sdelay $0x2  }
0x74: {  	v0 =	vmul.f32 v1, v0;
	_ =	sdelay $0x1  }
0x75: {  	v1 =	vmul.f32 v3, v2  }
.Ltmp0:
0x76: {  	(pc) =	sbr.rel @p0 .LBB2_2-.Ltmp0, $4  }
0x77: {  	v0 =	vpack.i.f32.bf16 v1, v0  }
0x78: {  	[tilespmem:s1+$0x40] =	vst v0  }
0x79: {  	v0 =	vld [tilespmem:s18+$0x20]  }
0x7a: {  	v1 =	vld [tilespmem:s25+$0x30]  }
0x7b: {  	v2 =	vld [tilespmem:s25+$0x20]  }
0x7c: {  	v3 =	vld [tilespmem:s10+$0x30];
	_ =	sdelay $0x4  }
0x7d: {  	v0 =	vmul.f32 v2, v0;
	v1 =	vmul.f32 v1, v3;
	_ =	sdelay $0x1  }
0x7e: {  	v0 =	vpack.i.f32.bf16 v1, v0  }
0x7f: {  	s25 =	simm.s32 $0x0;
	s21 =	rddreg [dreg:$0xa];
	s23 =	simm.s32 $0x10200;
	[tilespmem:s1+$0x60] =	vst v0  }
0x80: {  	[hbm4b:s21+s25] =	stream.linear.scatter [tilespmem:s23], [sflag:$0x9], $0x1000, $0x38;
	[tilespmem:$0x12200] =	vst v63  }
0x81: {  	_ =	swait.ge [sflag:s11], $0x2000  }
0x82: {  	[sflag:s11] =	ssyncset.done $0x0  }
0x83: {  	s10 =	rddreg [dreg:$0xb];
	[sflag:s11] =	ssyncadd.s32 $0xFFFFE000  }
0x84: {  	[hbm4b:s10+s25] =	stream.linear.scatter [tilespmem:s28], [sflag:$0xB], $0x2000, $0x38;
	[tilespmem:$0x12200] =	vst v63  }
0x85: {  	_ =	swait.ge [sflag:s12], $0x2000  }
0x86: {  	[sflag:s12] =	ssyncset.done $0x0  }
0x87: {  	s18 =	rddreg [dreg:$0xc];
	[sflag:s12] =	ssyncadd.s32 $0xFFFFE000  }
0x88: {  	[hbm4b:s18+s25] =	stream.linear.scatter [tilespmem:s29], [sflag:$0xD], $0x2000, $0x38;
	[tilespmem:$0x12200] =	vst v63  }
0x89: {  	_ =	swait.ge [sflag:s13], $0x1000  }
0x8a: {  	[sflag:s13] =	ssyncset.done $0x0  }
0x8b: {  	[sflag:s13] =	ssyncadd.s32 $0xFFFFF000  }
0x8c: {  	_ =	swait.ge [sflag:s14], $0x2000  }
0x8d: {  	[sflag:s14] =	ssyncset.done $0x0  }
0x8e: {  	[sflag:s14] =	ssyncadd.s32 $0xFFFFE000  }
0x8f: {  	_ =	swait.ge [sflag:s15], $0x2000  }
0x90: {  	[sflag:s15] =	ssyncset.done $0x0  }
0x91: {  	[sflag:s15] =	ssyncadd.s32 $0xFFFFE000  }
0x92: {  	s23 =	simm.s32 $0x200;
	s18 =	simm.s32 $0x80;
	s21 =	rddreg [dreg:$0x2]  }
0x93: {  	[tilespmem:s23], [sflag:$0x1] =	stream.indirect.gather [hbm4b:s21+s24], $0x80, s18, s24, $0xb8;
	[tilespmem:$0x12200] =	vst v63  }
0x94: {  	s10 =	simm.s32 $0x4200;
	s21 =	simm.s32 $0x180  }
0x95: {  	[tilespmem:s10], [sflag:$0x3] =	stream.indirect.gather [hbm4b:s2+s24], $0x80, s21, s24, $0xb8;
	[tilespmem:$0x12200] =	vst v63  }
0x96: {  	_ = 	snop  }
0x97: {  	[tilespmem:s28], [sflag:$0x5] =	stream.indirect.gather [hbm4b:s3+s24], $0x80, s18, s24, $0xb8;
	[tilespmem:$0x12200] =	vst v63  }
0x98: {  	_ = 	snop  }
0x99: {  	[tilespmem:s29], [sflag:$0x7] =	stream.indirect.gather [hbm4b:s4+s24], $0x80, s21, s24, $0xb8;
	[tilespmem:$0x12200] =	vst v63  }
0x9a: {  	_ =	swait.ge [sflag:s26], $0x2000  }
0x9b: {  	[sflag:s26] =	ssyncset.done $0x0  }
0x9c: {  	[sflag:s26] =	ssyncadd.s32 $0xFFFFE000  }
0x9d: {  	_ =	swait.ge [sflag:s17], $0x2000  }
0x9e: {  	[sflag:s17] =	ssyncset.done $0x0  }
0x9f: {  	s21 =	simm.s32 $0x2240;
	[sflag:s17] =	ssyncadd.s32 $0xFFFFE000  }
0xa0: {  	s18 =	simm.s32 $0x6240;
	v0 =	vld [tilespmem:s21+$0xFFFFFFC0]  }
0xa1: {  	v1 =	vld [tilespmem:s18+$0xFFFFFFD0]  }
0xa2: {  	v2 =	vld [tilespmem:s21+$0xFFFFFFD0]  }
0xa3: {  	v3 =	vld [tilespmem:s18+$0xFFFFFFC0];
	_ =	sdelay $0x4  }
0xa4: {  	v1 =	vmul.f32 v1, v2;
	v0 =	vmul.f32 v3, v0  }
0xa5: {  	s23 =	sand.u32 $0x1F00, s25  }
0xa6: {  	s1 =	sshrl.u32 s23, $0x1;
	v0 =	vpack.i.f32.bf16 v1, v0  }
0xa7: {  	[tilespmem:s1+$0x11200] =	vst v0  }
0xa8: {  	v0 =	vld [tilespmem:s18+$0xFFFFFFF0]  }
0xa9: {  	v1 =	vld [tilespmem:s18+$0xFFFFFFE0]  }
0xaa: {  	v2 =	vld [tilespmem:s21+$0xFFFFFFF0]  }
0xab: {  	v3 =	vld [tilespmem:s21+$0xFFFFFFE0];
	_ =	sdelay $0x4  }
0xac: {  	v0 =	vmul.f32 v0, v2;
	v1 =	vmul.f32 v1, v3;
	_ =	sdelay $0x1  }
0xad: {  	s1 =	sadd.s32 $0x11200, s1;
	v0 =	vpack.i.f32.bf16 v0, v1  }
0xae: {  	[tilespmem:s1+$0x20] =	vst v0  }
0xaf: {  	v0 =	vld [tilespmem:s21+$0x0]  }
0xb0: {  	v1 =	vld [tilespmem:s18+$0x0]  }
0xb1: {  	v2 =	vld [tilespmem:s21+$0x10]  }
0xb2: {  	v3 =	vld [tilespmem:s18+$0x10];
	_ =	sdelay $0x4  }
0xb3: {  	v0 =	vmul.f32 v1, v0;
	v1 =	vmul.f32 v3, v2;
	_ =	sdelay $0x1  }
0xb4: {  	v0 =	vpack.i.f32.bf16 v1, v0  }
0xb5: {  	[tilespmem:s1+$0x40] =	vst v0  }
0xb6: {  	v0 =	vld [tilespmem:s21+$0x20]  }
0xb7: {  	s23 =	simm.s32 $0x2240;
	s10 =	simm.s32 $0x1;
	v1 =	vld [tilespmem:s18+$0x30]  }
.LBB2_4:
0xb8: {  	v2 =	vld [tilespmem:s18+$0x20];
	s25 =	sadd.s32 $0x80, s25;
	s21 =	sadd.s32 $0x80, s21;
	s18 =	sadd.s32 $0x80, s18  }
0xb9: {  	p0 =	sne.s32 s10, $0x3F;
	s10 =	sadd.s32 $0x1, s10;
	v3 =	vld [tilespmem:s23+$0x30];
	s23 =	smov.u32 s21  }
0xba: {  	_ =	sdelay $0x2  }
0xbb: {  	v0 =	vmul.f32 v2, v0  }
0xbc: {  	v1 =	vmul.f32 v1, v3;
	_ =	sdelay $0x1  }
0xbd: {  	v0 =	vpack.i.f32.bf16 v1, v0  }
0xbe: {  	[tilespmem:s1+$0x60] =	vst v0  }
0xbf: {  	v0 =	vld [tilespmem:s21+$0xFFFFFFC0]  }
0xc0: {  	v1 =	vld [tilespmem:s18+$0xFFFFFFD0]  }
0xc1: {  	v2 =	vld [tilespmem:s21+$0xFFFFFFD0]  }
0xc2: {  	v3 =	vld [tilespmem:s18+$0xFFFFFFC0];
	_ =	sdelay $0x3  }
0xc3: {  	v1 =	vmul.f32 v1, v2  }
0xc4: {  	v0 =	vmul.f32 v3, v0  }
0xc5: {  	s1 =	sand.u32 $0x1F00, s25  }
0xc6: {  	s1 =	sshrl.u32 s1, $0x1;
	v0 =	vpack.i.f32.bf16 v1, v0  }
0xc7: {  	[tilespmem:s1+$0x11200] =	vst v0  }
0xc8: {  	v0 =	vld [tilespmem:s18+$0xFFFFFFF0]  }
0xc9: {  	v1 =	vld [tilespmem:s18+$0xFFFFFFE0]  }
0xca: {  	v2 =	vld [tilespmem:s21+$0xFFFFFFF0]  }
0xcb: {  	v3 =	vld [tilespmem:s21+$0xFFFFFFE0];
	_ =	sdelay $0x3  }
0xcc: {  	v0 =	vmul.f32 v0, v2  }
0xcd: {  	v1 =	vmul.f32 v1, v3;
	_ =	sdelay $0x1  }
0xce: {  	s1 =	sadd.s32 $0x11200, s1;
	v0 =	vpack.i.f32.bf16 v0, v1  }
0xcf: {  	[tilespmem:s1+$0x20] =	vst v0  }
0xd0: {  	v0 =	vld [tilespmem:s21+$0x0]  }
0xd1: {  	v1 =	vld [tilespmem:s18+$0x0]  }
0xd2: {  	v2 =	vld [tilespmem:s21+$0x10]  }
0xd3: {  	v3 =	vld [tilespmem:s18+$0x10];
	_ =	sdelay $0x2  }
0xd4: {  	v0 =	vmul.f32 v1, v0;
	_ =	sdelay $0x1  }
0xd5: {  	v1 =	vmul.f32 v3, v2  }
.Ltmp1:
0xd6: {  	(pc) =	sbr.rel @p0 .LBB2_4-.Ltmp1, $4  }
0xd7: {  	v0 =	vpack.i.f32.bf16 v1, v0  }
0xd8: {  	[tilespmem:s1+$0x40] =	vst v0  }
0xd9: {  	v0 =	vld [tilespmem:s21+$0x20]  }
0xda: {  	v1 =	vld [tilespmem:s18+$0x30]  }
0xdb: {  	v2 =	vld [tilespmem:s18+$0x20]  }
0xdc: {  	v3 =	vld [tilespmem:s23+$0x30];
	_ =	sdelay $0x4  }
0xdd: {  	v0 =	vmul.f32 v2, v0;
	v1 =	vmul.f32 v1, v3;
	_ =	sdelay $0x1  }
0xde: {  	v0 =	vpack.i.f32.bf16 v1, v0  }
0xdf: {  	s25 =	simm.s32 $0x0;
	s21 =	rddreg [dreg:$0xd];
	s10 =	simm.s32 $0x11200;
	[tilespmem:s1+$0x60] =	vst v0  }
0xe0: {  	[hbm4b:s21+s25] =	stream.linear.scatter [tilespmem:s10], [sflag:$0xA], $0x1000, $0x38;
	[tilespmem:$0x12200] =	vst v63  }
0xe1: {  	_ =	swait.ge [sflag:s30], $0x2000  }
0xe2: {  	[sflag:s30] =	ssyncset.done $0x0  }
0xe3: {  	s23 =	rddreg [dreg:$0xe];
	[sflag:s30] =	ssyncadd.s32 $0xFFFFE000  }
0xe4: {  	[hbm4b:s23+s25] =	stream.linear.scatter [tilespmem:s6], [sflag:$0xC], $0x2000, $0x38;
	[tilespmem:$0x12200] =	vst v63  }
0xe5: {  	_ =	swait.ge [sflag:s19], $0x2000  }
0xe6: {  	[sflag:s19] =	ssyncset.done $0x0  }
0xe7: {  	s10 =	rddreg [dreg:$0xf];
	[sflag:s19] =	ssyncadd.s32 $0xFFFFE000  }
0xe8: {  	[hbm4b:s10+s25] =	stream.linear.scatter [tilespmem:s7], [sflag:$0xE], $0x2000, $0x38;
	[tilespmem:$0x12200] =	vst v63  }
0xe9: {  	_ =	swait.ge [sflag:s31], $0x1000  }
0xea: {  	[sflag:s31] =	ssyncset.done $0x0  }
0xeb: {  	[sflag:s31] =	ssyncadd.s32 $0xFFFFF000  }
0xec: {  	_ =	swait.ge [sflag:s20], $0x2000  }
0xed: {  	[sflag:s20] =	ssyncset.done $0x0  }
0xee: {  	[sflag:s20] =	ssyncadd.s32 $0xFFFFE000  }
0xef: {  	_ =	swait.ge [sflag:s0], $0x2000  }
0xf0: {  	[sflag:s0] =	ssyncset.done $0x0  }
0xf1: {  	[sflag:s0] =	ssyncadd.s32 $0xFFFFE000  }
0xf2: {  	s21 =	simm.s32 $0x2200;
	s23 =	simm.s32 $0xC0;
	s18 =	rddreg [dreg:$0x2]  }
0xf3: {  	[tilespmem:s21], [sflag:$0x2] =	stream.indirect.gather [hbm4b:s18+s24], $0x80, s23, s24, $0xb8;
	[tilespmem:$0x12200] =	vst v63  }
0xf4: {  	s10 =	simm.s32 $0x6200;
	s21 =	simm.s32 $0x1C0  }
0xf5: {  	[tilespmem:s10], [sflag:$0x4] =	stream.indirect.gather [hbm4b:s2+s24], $0x80, s21, s24, $0xb8;
	[tilespmem:$0x12200] =	vst v63  }
0xf6: {  	_ = 	snop  }
0xf7: {  	[tilespmem:s6], [sflag:$0x6] =	stream.indirect.gather [hbm4b:s3+s24], $0x80, s23, s24, $0xb8;
	[tilespmem:$0x12200] =	vst v63  }
0xf8: {  	_ = 	snop  }
0xf9: {  	[tilespmem:s7], [sflag:$0x8] =	stream.indirect.gather [hbm4b:s4+s24], $0x80, s21, s24, $0xb8;
	[tilespmem:$0x12200] =	vst v63  }
0xfa: {  	_ =	swait.ge [sflag:s8], $0x2000  }
0xfb: {  	[sflag:s8] =	ssyncset.done $0x0  }
0xfc: {  	[sflag:s8] =	ssyncadd.s32 $0xFFFFE000  }
0xfd: {  	_ =	swait.ge [sflag:s9], $0x2000  }
0xfe: {  	[sflag:s9] =	ssyncset.done $0x0  }
0xff: {  	s21 =	simm.s32 $0x240;
	[sflag:s9] =	ssyncadd.s32 $0xFFFFE000  }
0x100: {  	s18 =	simm.s32 $0x4240;
	v0 =	vld [tilespmem:s21+$0xFFFFFFC0]  }
0x101: {  	v1 =	vld [tilespmem:s18+$0xFFFFFFD0]  }
0x102: {  	v2 =	vld [tilespmem:s21+$0xFFFFFFD0]  }
0x103: {  	v3 =	vld [tilespmem:s18+$0xFFFFFFC0];
	_ =	sdelay $0x4  }
0x104: {  	v1 =	vmul.f32 v1, v2;
	v0 =	vmul.f32 v3, v0  }
0x105: {  	s23 =	sand.u32 $0x1F00, s25  }
0x106: {  	s1 =	sshrl.u32 s23, $0x1;
	v0 =	vpack.i.f32.bf16 v1, v0  }
0x107: {  	[tilespmem:s1+$0x10200] =	vst v0  }
0x108: {  	v0 =	vld [tilespmem:s18+$0xFFFFFFF0]  }
0x109: {  	v1 =	vld [tilespmem:s18+$0xFFFFFFE0]  }
0x10a: {  	v2 =	vld [tilespmem:s21+$0xFFFFFFF0]  }
0x10b: {  	v3 =	vld [tilespmem:s21+$0xFFFFFFE0];
	_ =	sdelay $0x4  }
0x10c: {  	v0 =	vmul.f32 v0, v2;
	v1 =	vmul.f32 v1, v3;
	_ =	sdelay $0x1  }
0x10d: {  	s1 =	sadd.s32 $0x10200, s1;
	v0 =	vpack.i.f32.bf16 v0, v1  }
0x10e: {  	[tilespmem:s1+$0x20] =	vst v0  }
0x10f: {  	v0 =	vld [tilespmem:s21+$0x0]  }
0x110: {  	v1 =	vld [tilespmem:s18+$0x0]  }
0x111: {  	v2 =	vld [tilespmem:s21+$0x10]  }
0x112: {  	v3 =	vld [tilespmem:s18+$0x10];
	_ =	sdelay $0x4  }
0x113: {  	v0 =	vmul.f32 v1, v0;
	v1 =	vmul.f32 v3, v2;
	_ =	sdelay $0x1  }
0x114: {  	v0 =	vpack.i.f32.bf16 v1, v0  }
0x115: {  	[tilespmem:s1+$0x40] =	vst v0  }
0x116: {  	v0 =	vld [tilespmem:s21+$0x20]  }
0x117: {  	s10 =	simm.s32 $0x1;
	s23 =	simm.s32 $0x240;
	v1 =	vld [tilespmem:s18+$0x30]  }
.LBB2_6:
0x118: {  	v2 =	vld [tilespmem:s18+$0x20];
	s25 =	sadd.s32 $0x80, s25;
	s21 =	sadd.s32 $0x80, s21;
	s18 =	sadd.s32 $0x80, s18  }
0x119: {  	p0 =	sne.s32 s10, $0x3F;
	s10 =	sadd.s32 $0x1, s10;
	v3 =	vld [tilespmem:s23+$0x30];
	s23 =	smov.u32 s21  }
0x11a: {  	_ =	sdelay $0x2  }
0x11b: {  	v0 =	vmul.f32 v2, v0  }
0x11c: {  	v1 =	vmul.f32 v1, v3;
	_ =	sdelay $0x1  }
0x11d: {  	v0 =	vpack.i.f32.bf16 v1, v0  }
0x11e: {  	[tilespmem:s1+$0x60] =	vst v0  }
0x11f: {  	v0 =	vld [tilespmem:s21+$0xFFFFFFC0]  }
0x120: {  	v1 =	vld [tilespmem:s18+$0xFFFFFFD0]  }
0x121: {  	v2 =	vld [tilespmem:s21+$0xFFFFFFD0]  }
0x122: {  	v3 =	vld [tilespmem:s18+$0xFFFFFFC0];
	_ =	sdelay $0x3  }
0x123: {  	v1 =	vmul.f32 v1, v2  }
0x124: {  	v0 =	vmul.f32 v3, v0  }
0x125: {  	s1 =	sand.u32 $0x1F00, s25  }
0x126: {  	s1 =	sshrl.u32 s1, $0x1;
	v0 =	vpack.i.f32.bf16 v1, v0  }
0x127: {  	[tilespmem:s1+$0x10200] =	vst v0  }
0x128: {  	v0 =	vld [tilespmem:s18+$0xFFFFFFF0]  }
0x129: {  	v1 =	vld [tilespmem:s18+$0xFFFFFFE0]  }
0x12a: {  	v2 =	vld [tilespmem:s21+$0xFFFFFFF0]  }
0x12b: {  	v3 =	vld [tilespmem:s21+$0xFFFFFFE0];
	_ =	sdelay $0x3  }
0x12c: {  	v0 =	vmul.f32 v0, v2  }
0x12d: {  	v1 =	vmul.f32 v1, v3;
	_ =	sdelay $0x1  }
0x12e: {  	s1 =	sadd.s32 $0x10200, s1;
	v0 =	vpack.i.f32.bf16 v0, v1  }
0x12f: {  	[tilespmem:s1+$0x20] =	vst v0  }
0x130: {  	v0 =	vld [tilespmem:s21+$0x0]  }
0x131: {  	v1 =	vld [tilespmem:s18+$0x0]  }
0x132: {  	v2 =	vld [tilespmem:s21+$0x10]  }
0x133: {  	v3 =	vld [tilespmem:s18+$0x10];
	_ =	sdelay $0x2  }
0x134: {  	v0 =	vmul.f32 v1, v0;
	_ =	sdelay $0x1  }
0x135: {  	v1 =	vmul.f32 v3, v2  }
.Ltmp2:
0x136: {  	(pc) =	sbr.rel @p0 .LBB2_6-.Ltmp2, $4  }
0x137: {  	v0 =	vpack.i.f32.bf16 v1, v0  }
0x138: {  	[tilespmem:s1+$0x40] =	vst v0  }
0x139: {  	v0 =	vld [tilespmem:s21+$0x20]  }
0x13a: {  	v1 =	vld [tilespmem:s18+$0x30]  }
0x13b: {  	v2 =	vld [tilespmem:s18+$0x20]  }
0x13c: {  	v3 =	vld [tilespmem:s23+$0x30];
	_ =	sdelay $0x4  }
0x13d: {  	v0 =	vmul.f32 v2, v0;
	v1 =	vmul.f32 v1, v3;
	_ =	sdelay $0x1  }
0x13e: {  	v0 =	vpack.i.f32.bf16 v1, v0  }
0x13f: {  	s25 =	simm.s32 $0x0;
	s23 =	rddreg [dreg:$0x10];
	s10 =	simm.s32 $0x10200;
	[tilespmem:s1+$0x60] =	vst v0  }
0x140: {  	[hbm4b:s23+s25] =	stream.linear.scatter [tilespmem:s10], [sflag:$0x9], $0x1000, $0x38;
	[tilespmem:$0x12200] =	vst v63  }
0x141: {  	_ =	swait.ge [sflag:s11], $0x2000  }
0x142: {  	[sflag:s11] =	ssyncset.done $0x0  }
0x143: {  	s18 =	rddreg [dreg:$0x11];
	[sflag:s11] =	ssyncadd.s32 $0xFFFFE000  }
0x144: {  	[hbm4b:s18+s25] =	stream.linear.scatter [tilespmem:s28], [sflag:$0xB], $0x2000, $0x38;
	[tilespmem:$0x12200] =	vst v63  }
0x145: {  	_ =	swait.ge [sflag:s12], $0x2000  }
0x146: {  	[sflag:s12] =	ssyncset.done $0x0  }
0x147: {  	s21 =	rddreg [dreg:$0x12];
	[sflag:s12] =	ssyncadd.s32 $0xFFFFE000  }
0x148: {  	[hbm4b:s21+s25] =	stream.linear.scatter [tilespmem:s29], [sflag:$0xD], $0x2000, $0x38;
	[tilespmem:$0x12200] =	vst v63  }
0x149: {  	_ =	swait.ge [sflag:s26], $0x2000  }
0x14a: {  	[sflag:s26] =	ssyncset.done $0x0  }
0x14b: {  	[sflag:s26] =	ssyncadd.s32 $0xFFFFE000  }
0x14c: {  	_ =	swait.ge [sflag:s17], $0x2000  }
0x14d: {  	[sflag:s17] =	ssyncset.done $0x0  }
0x14e: {  	s21 =	simm.s32 $0x2240;
	[sflag:s17] =	ssyncadd.s32 $0xFFFFE000  }
0x14f: {  	s18 =	simm.s32 $0x6240;
	v0 =	vld [tilespmem:s21+$0xFFFFFFC0]  }
0x150: {  	v1 =	vld [tilespmem:s18+$0xFFFFFFD0]  }
0x151: {  	v2 =	vld [tilespmem:s21+$0xFFFFFFD0]  }
0x152: {  	v3 =	vld [tilespmem:s18+$0xFFFFFFC0];
	_ =	sdelay $0x4  }
0x153: {  	v1 =	vmul.f32 v1, v2;
	v0 =	vmul.f32 v3, v0  }
0x154: {  	s23 =	sand.u32 $0x1F00, s25  }
0x155: {  	s1 =	sshrl.u32 s23, $0x1;
	v0 =	vpack.i.f32.bf16 v1, v0  }
0x156: {  	[tilespmem:s1+$0x11200] =	vst v0  }
0x157: {  	v0 =	vld [tilespmem:s18+$0xFFFFFFF0]  }
0x158: {  	v1 =	vld [tilespmem:s18+$0xFFFFFFE0]  }
0x159: {  	v2 =	vld [tilespmem:s21+$0xFFFFFFF0]  }
0x15a: {  	v3 =	vld [tilespmem:s21+$0xFFFFFFE0];
	_ =	sdelay $0x4  }
0x15b: {  	v0 =	vmul.f32 v0, v2;
	v1 =	vmul.f32 v1, v3;
	_ =	sdelay $0x1  }
0x15c: {  	s1 =	sadd.s32 $0x11200, s1;
	v0 =	vpack.i.f32.bf16 v0, v1  }
0x15d: {  	[tilespmem:s1+$0x20] =	vst v0  }
0x15e: {  	v0 =	vld [tilespmem:s21+$0x0]  }
0x15f: {  	v1 =	vld [tilespmem:s18+$0x0]  }
0x160: {  	v2 =	vld [tilespmem:s21+$0x10]  }
0x161: {  	v3 =	vld [tilespmem:s18+$0x10];
	_ =	sdelay $0x4  }
0x162: {  	v0 =	vmul.f32 v1, v0;
	v1 =	vmul.f32 v3, v2;
	_ =	sdelay $0x1  }
0x163: {  	v0 =	vpack.i.f32.bf16 v1, v0  }
0x164: {  	[tilespmem:s1+$0x40] =	vst v0  }
0x165: {  	v0 =	vld [tilespmem:s21+$0x20]  }
0x166: {  	s10 =	simm.s32 $0x1;
	s23 =	simm.s32 $0x2240;
	v1 =	vld [tilespmem:s18+$0x30]  }
.LBB2_8:
0x167: {  	v2 =	vld [tilespmem:s18+$0x20];
	s25 =	sadd.s32 $0x80, s25;
	s21 =	sadd.s32 $0x80, s21;
	s18 =	sadd.s32 $0x80, s18  }
0x168: {  	p0 =	sne.s32 s10, $0x3F;
	s10 =	sadd.s32 $0x1, s10;
	v3 =	vld [tilespmem:s23+$0x30];
	s23 =	smov.u32 s21  }
0x169: {  	_ =	sdelay $0x2  }
0x16a: {  	v0 =	vmul.f32 v2, v0  }
0x16b: {  	v1 =	vmul.f32 v1, v3;
	_ =	sdelay $0x1  }
0x16c: {  	v0 =	vpack.i.f32.bf16 v1, v0  }
0x16d: {  	[tilespmem:s1+$0x60] =	vst v0  }
0x16e: {  	v0 =	vld [tilespmem:s21+$0xFFFFFFC0]  }
0x16f: {  	v1 =	vld [tilespmem:s18+$0xFFFFFFD0]  }
0x170: {  	v2 =	vld [tilespmem:s21+$0xFFFFFFD0]  }
0x171: {  	v3 =	vld [tilespmem:s18+$0xFFFFFFC0];
	_ =	sdelay $0x3  }
0x172: {  	v1 =	vmul.f32 v1, v2  }
0x173: {  	v0 =	vmul.f32 v3, v0  }
0x174: {  	s1 =	sand.u32 $0x1F00, s25  }
0x175: {  	s1 =	sshrl.u32 s1, $0x1;
	v0 =	vpack.i.f32.bf16 v1, v0  }
0x176: {  	[tilespmem:s1+$0x11200] =	vst v0  }
0x177: {  	v0 =	vld [tilespmem:s18+$0xFFFFFFF0]  }
0x178: {  	v1 =	vld [tilespmem:s18+$0xFFFFFFE0]  }
0x179: {  	v2 =	vld [tilespmem:s21+$0xFFFFFFF0]  }
0x17a: {  	v3 =	vld [tilespmem:s21+$0xFFFFFFE0];
	_ =	sdelay $0x3  }
0x17b: {  	v0 =	vmul.f32 v0, v2  }
0x17c: {  	v1 =	vmul.f32 v1, v3;
	_ =	sdelay $0x1  }
0x17d: {  	s1 =	sadd.s32 $0x11200, s1;
	v0 =	vpack.i.f32.bf16 v0, v1  }
0x17e: {  	[tilespmem:s1+$0x20] =	vst v0  }
0x17f: {  	v0 =	vld [tilespmem:s21+$0x0]  }
0x180: {  	v1 =	vld [tilespmem:s18+$0x0]  }
0x181: {  	v2 =	vld [tilespmem:s21+$0x10]  }
0x182: {  	v3 =	vld [tilespmem:s18+$0x10];
	_ =	sdelay $0x2  }
0x183: {  	v0 =	vmul.f32 v1, v0;
	_ =	sdelay $0x1  }
0x184: {  	v1 =	vmul.f32 v3, v2  }
.Ltmp3:
0x185: {  	(pc) =	sbr.rel @p0 .LBB2_8-.Ltmp3, $4  }
0x186: {  	v0 =	vpack.i.f32.bf16 v1, v0  }
0x187: {  	[tilespmem:s1+$0x40] =	vst v0  }
0x188: {  	v0 =	vld [tilespmem:s21+$0x20]  }
0x189: {  	v1 =	vld [tilespmem:s18+$0x30]  }
0x18a: {  	v2 =	vld [tilespmem:s18+$0x20]  }
0x18b: {  	v3 =	vld [tilespmem:s23+$0x30];
	_ =	sdelay $0x4  }
0x18c: {  	v0 =	vmul.f32 v2, v0;
	v1 =	vmul.f32 v1, v3;
	_ =	sdelay $0x1  }
0x18d: {  	v0 =	vpack.i.f32.bf16 v1, v0  }
0x18e: {  	s18 =	rddreg [dreg:$0x13];
	s10 =	simm.s32 $0x11200;
	[tilespmem:s1+$0x60] =	vst v0  }
0x18f: {  	[hbm4b:s18+s5] =	stream.linear.scatter [tilespmem:s10], [sflag:$0xA], $0x1000, $0x38;
	[tilespmem:$0x12200] =	vst v63  }
0x190: {  	_ =	swait.ge [sflag:s30], $0x2000  }
0x191: {  	[sflag:s30] =	ssyncset.done $0x0  }
0x192: {  	s21 =	rddreg [dreg:$0x14];
	[sflag:s30] =	ssyncadd.s32 $0xFFFFE000  }
0x193: {  	[hbm4b:s21+s5] =	stream.linear.scatter [tilespmem:s6], [sflag:$0xC], $0x2000, $0x38;
	[tilespmem:$0x12200] =	vst v63  }
0x194: {  	_ =	swait.ge [sflag:s19], $0x2000  }
0x195: {  	[sflag:s19] =	ssyncset.done $0x0  }
0x196: {  	s23 =	rddreg [dreg:$0x15];
	[sflag:s19] =	ssyncadd.s32 $0xFFFFE000  }
0x197: {  	[hbm4b:s23+s5] =	stream.linear.scatter [tilespmem:s7], [sflag:$0xE], $0x2000, $0x38;
	[tilespmem:$0x12200] =	vst v63  }
0x198: {  	_ =	swait.ge [sflag:s13], $0x1000  }
0x199: {  	[sflag:s13] =	ssyncset.done $0x0  }
0x19a: {  	[sflag:s13] =	ssyncadd.s32 $0xFFFFF000  }
0x19b: {  	_ =	swait.ge [sflag:s14], $0x2000  }
0x19c: {  	[sflag:s14] =	ssyncset.done $0x0  }
0x19d: {  	[sflag:s14] =	ssyncadd.s32 $0xFFFFE000  }
0x19e: {  	_ =	swait.ge [sflag:s15], $0x2000  }
0x19f: {  	[sflag:s15] =	ssyncset.done $0x0  }
0x1a0: {  	[sflag:s15] =	ssyncadd.s32 $0xFFFFE000  }
0x1a1: {  	_ =	swait.ge [sflag:s31], $0x1000  }
0x1a2: {  	[sflag:s31] =	ssyncset.done $0x0  }
0x1a3: {  	[sflag:s31] =	ssyncadd.s32 $0xFFFFF000  }
0x1a4: {  	_ =	swait.ge [sflag:s20], $0x2000  }
0x1a5: {  	[sflag:s20] =	ssyncset.done $0x0  }
0x1a6: {  	[sflag:s20] =	ssyncadd.s32 $0xFFFFE000  }
0x1a7: {  	_ =	swait.ge [sflag:s0], $0x2000  }
0x1a8: {  	s16 =	sadd.s32 $0x1, s16;
	s25 =	rddreg [dreg:$0x16]  }
0x1a9: {  	p0 =	sne.s32 s16, s25  }
.Ltmp4:
0x1aa: {  	_ = 	snop;
	(pc) =	sbr.rel @p0 .LBB2_1-.Ltmp4, $3  }
0x1ab: {  	_ =	sdelay $0x1  }
0x1ac: {  	[sflag:s0] =	ssyncset.done $0x0  }
0x1ad: {  	[sflag:s0] =	ssyncadd.s32 $0xFFFFE000  }
0x1ae: {  	_ =	sfence.sel $0x180000  }
0x1af: {  	[bflag:$0x0] =	sbarrier.arrive $0xFFFF  }
0x1b0: {  	_ =	strace $0x9000004A  }
0x1b1: {  	s0 =	stileid.u32;
	[bflag:$0x2] =	sbarrier.arrive $0xFFFF  }
0x1b2: {  	p0 =	sne.s32 s0, $0x0;
	s0 =	rddreg [dreg:$0x7]  }
0x1b3: {  	s0 =	sadd.s32 @!p0 $0x100000, s0  }
0x1b4: {  	[sflag:s0] =	ssyncadd.tile.s32 @!p0 $0x1;
	_ =	shalt  }
.Lfunc_end2:
_tile_overlayer_lowered:
.L_overlay_start_2:
0x1b5: {  	(tag) =	ssettag $0x2  }
0x1b6: {  	s0 =	rddreg [dreg:$0x0];
	s2 =	stileid.u32  }
0x1b7: {  	s1 =	rddreg [dreg:$0x1];
	p0 =	sne.s32 s2, $0x0  }
0x1b8: {  	s3 =	rddreg [dreg:$0x2];
	[bflag:$0x3] =	sbarrier.arrive $0xFFFF;
	s2 =	simm.s32 @!p0 $0x1C0F  }
0x1b9: {  	[timem:s3], [sflag:s2] =	dma.local @!p0 [hbm:s0], s1  }
0x1ba: {  	s0 =	simm.s32 @!p0 $0xF  }
0x1bb: {  	_ =	swait.ge @!p0 [sflag:s0], s1  }
0x1bc: {  	s1 =	ssub.s32 @!p0 $0x0, s1;
	[sflag:s0] =	ssyncset.done @!p0 $0x0  }
0x1bd: {  	[sflag:s0] =	ssyncadd.s32 @!p0 s1  }
0x1be: {  	[bflag:$0x3] =	sbarrier.arrive $0xFFFF  }
0x1bf: {  	_ =	shalt  }

// kernel: kernel.9.cloned.1.call-start
scs
__scs_entry_jumppad:
0x0: {  	(pc) =	sbr.rel $0x88, $3  }
0x1: {  	(tag) =	ssettag $0x0;
	lr =	simm.s32 $0x1  }
0x2: {  	[smem:$0x3F93] =	sst lr;
	_ =	strace $0xD0000000  }
0x3: {  	_ = 	snop  }
0x4: {  	_ = 	snop  }
0x5: {  	_ = 	snop  }
0x6: {  	_ = 	snop  }
0x7: {  	_ = 	snop  }
__scs_overlays_trampoline_lowered:
0x8: {  	[smem:$0x3FA2] =	sst s0  }
0x9: {  	[smem:$0x3FA3] =	sst s1  }
0xa: {  	[smem:$0x3FA4] =	sst s2  }
0xb: {  	[smem:$0x3FA5] =	sst s3  }
0xc: {  	[smem:$0x3FA6] =	sst s4  }
0xd: {  	[smem:$0x3FA7] =	sst s5  }
0xe: {  	[smem:$0x3FA8] =	sst s6  }
0xf: {  	[smem:$0x3FA9] =	sst s7  }
0x10: {  	[smem:$0x3FAA] =	sst s8  }
0x11: {  	[smem:$0x3FAB] =	sst s9;
	s0 =	simm.s32 @!p0 $0x0  }
0x12: {  	s1 =	sld [smem:$0x3F91];
	s0 =	simm.s32 @p0 $0x1  }
0x13: {  	[smem:$0x3FAC] =	sst s0;
	s0 =	simm.s32 @!p1 $0x0  }
0x14: {  	s2 =	sld [smem:$0x3F90];
	s0 =	simm.s32 @p1 $0x1  }
0x15: {  	[smem:$0x3FAD] =	sst s0;
	s0 =	simm.s32 @!p2 $0x0  }
0x16: {  	s3 =	sld [smem:$0x3FDB];
	s0 =	simm.s32 @p2 $0x1  }
0x17: {  	s4 =	simm.s32 $0x1BF5;
	[smem:$0x3FAF] =	sst s0  }
0x18: {  	s0 =	sld [smem:$0x3F92];
	_ =	swait.ge [sflag:s4], $0x0  }
0x19: {  	s7 =	sld [smem:$0x3F93]  }
0x1a: {  	s8 =	sadd.s32 $0xFFFFE003, lr  }
0x1b: {  	s9 =	sadd.s32 $0xFFFFFEF7, lr;
	s5 =	simm.s32 $0xFFFFFFFF;
	p2 =	slt.u32 s8, $0xFFFFF086  }
0x1c: {  	p1 =	slt.u32 s9, $0xF7A;
	s5 =	simm.s32 @!p2 $0x0  }
0x1d: {  	s5 =	simm.s32 @p1 $0x1;
	p0 =	seq.s32 s7, s2  }
0x1e: {  	s7 =	smul.u32 @!p0 $0xF7A, s2;
	p2 =	seq.s32 @!p0 s5, $0x0  }
0x1f: {  	s9 =	smul.u32 $0xF7A, s1;
	s8 =	simm.s32 @!p0 $0x1BF5;
	p2 =	por !p2, p0  }
0x20: {  	[sflag:s8] =	ssyncset.s32 @!p0 $0xFFFFF086;
	s6 =	sadd.s32 @!p0 s3, s7;
	s7 =	simm.s32 @!p0 $0x108  }
0x21: {  	s3 =	sadd.s32 s3, s9;
	s6 =	sadd.s32 @!p0 $0x88, s6;
	s7 =	simm.s32 @p2 $0x1082  }
0x22: {  	[simem:s7], [sflag:s8] =	dma.local @!p0 [hbm:s6], $0xF7A  }
0x23: {  	s9 =	sor.u32 $0xD0000000, s2;
	s6 =	simm.s32 $0x108;
	_ =	swait.ge @!p0 [sflag:s8], $0x0  }
0x24: {  	s3 =	sadd.s32 $0x88, s3;
	s6 =	simm.s32 @!p1 $0x1082;
	[sflag:s4] =	ssyncset.s32 $0xFFFFF086  }
0x25: {  	[simem:s6], [sflag:s4] =	dma.local [hbm:s3], $0xF7A  }
0x26: {  	[smem:$0x3F93] =	sst s1;
	(tag) =	ssettag s2;
	_ =	strace s9  }
0x27: {  	s1 =	sld [smem:$0x3FA3]  }
0x28: {  	s2 =	sld [smem:$0x3FA4]  }
0x29: {  	s4 =	sld [smem:$0x3FA6]  }
0x2a: {  	p0 =	seq.s32 s5, $0x0;
	s5 =	sld [smem:$0x3FA7]  }
0x2b: {  	s6 =	sld [smem:$0x3FA8]  }
0x2c: {  	s7 =	sld [smem:$0x3FA9]  }
0x2d: {  	s3 =	simm.s32 $0x108;
	s8 =	sld [smem:$0x3FAA]  }
0x2e: {  	s3 =	simm.s32 @!p0 $0x1082;
	s9 =	sld [smem:$0x3FAB]  }
0x2f: {  	lr =	sadd.s32 s0, s3;
	s0 =	sld [smem:$0x3FA2]  }
0x30: {  	s3 =	sld [smem:$0x3FA5]  }
0x31: {  	[smem:$0x3FAE] =	sst s10  }
0x32: {  	s10 =	sld [smem:$0x3FAC];
	_ =	sdelay $0x3  }
0x33: {  	p0 =	seq.s32 s10, $0x1;
	s10 =	sld [smem:$0x3FAE];
	_ =	sdelay $0x3  }
0x34: {  	[smem:$0x3FAE] =	sst s10  }
0x35: {  	s10 =	sld [smem:$0x3FAD];
	_ =	sdelay $0x3  }
0x36: {  	p1 =	seq.s32 s10, $0x1;
	s10 =	sld [smem:$0x3FAE];
	_ =	sdelay $0x3  }
0x37: {  	[smem:$0x3FAE] =	sst s10  }
0x38: {  	s10 =	sld [smem:$0x3FAF]  }
0x39: {  	_ = 	snop;
	(pc) =	sbr.ind lr, $3  }
0x3a: {  	_ = 	snop  }
0x3b: {  	_ = 	snop  }
0x3c: {  	p2 =	seq.s32 s10, $0x1;
	s10 =	sld [smem:$0x3FAE]  }
0x3d: {  	_ =	shalt  }
0x3e: {  	_ =	shalt  }
0x3f: {  	_ =	shalt  }
0x40: {  	_ =	shalt  }
0x41: {  	_ =	shalt  }
0x42: {  	_ =	shalt  }
0x43: {  	_ =	shalt  }
0x44: {  	_ =	shalt  }
0x45: {  	_ =	shalt  }
0x46: {  	_ =	shalt  }
0x47: {  	_ =	shalt  }
0x48: {  	_ =	shalt  }
0x49: {  	_ =	shalt  }
0x4a: {  	_ =	shalt  }
0x4b: {  	_ =	shalt  }
0x4c: {  	_ =	shalt  }
0x4d: {  	_ =	shalt  }
0x4e: {  	_ =	shalt  }
0x4f: {  	_ =	shalt  }
0x50: {  	_ =	shalt  }
0x51: {  	_ =	shalt  }
0x52: {  	_ =	shalt  }
0x53: {  	_ =	shalt  }
0x54: {  	_ =	shalt  }
0x55: {  	_ =	shalt  }
0x56: {  	_ =	shalt  }
0x57: {  	_ =	shalt  }
0x58: {  	_ =	shalt  }
0x59: {  	_ =	shalt  }
0x5a: {  	_ =	shalt  }
0x5b: {  	_ =	shalt  }
0x5c: {  	_ =	shalt  }
0x5d: {  	_ =	shalt  }
0x5e: {  	_ =	shalt  }
0x5f: {  	_ =	shalt  }
0x60: {  	_ =	shalt  }
0x61: {  	_ =	shalt  }
0x62: {  	_ =	shalt  }
0x63: {  	_ =	shalt  }
0x64: {  	_ =	shalt  }
0x65: {  	_ =	shalt  }
0x66: {  	_ =	shalt  }
0x67: {  	_ =	shalt  }
0x68: {  	_ =	shalt  }
0x69: {  	_ =	shalt  }
0x6a: {  	_ =	shalt  }
0x6b: {  	_ =	shalt  }
0x6c: {  	_ =	shalt  }
0x6d: {  	_ =	shalt  }
0x6e: {  	_ =	shalt  }
0x6f: {  	_ =	shalt  }
0x70: {  	_ =	shalt  }
0x71: {  	_ =	shalt  }
0x72: {  	_ =	shalt  }
0x73: {  	_ =	shalt  }
0x74: {  	_ =	shalt  }
0x75: {  	_ =	shalt  }
0x76: {  	_ =	shalt  }
0x77: {  	_ =	shalt  }
0x78: {  	_ =	shalt  }
0x79: {  	_ =	shalt  }
0x7a: {  	_ =	shalt  }
0x7b: {  	_ =	shalt  }
0x7c: {  	_ =	shalt  }
0x7d: {  	_ =	shalt  }
0x7e: {  	_ =	shalt  }
0x7f: {  	_ =	shalt  }
0x80: {  	_ =	shalt  }
0x81: {  	_ =	shalt  }
0x82: {  	_ =	shalt  }
0x83: {  	_ =	shalt  }
0x84: {  	_ =	shalt  }
0x85: {  	_ =	shalt  }
0x86: {  	_ =	shalt  }
0x87: {  	_ =	shalt  }
.Lfunc_end0:
.L_simem_size_0:
called_computation.1_lowered:
.L_overlay_start_0:
0x88: {  	s2 =	sld [smem:$0x3FD9]  }
0x89: {  	s3 =	sld [smem:$0x3FFE];
	_ =	sdelay $0x1  }
0x8a: {  	s1 =	srdreg.scid  }
0x8b: {  	s0 =	sand.u32 $0x1, s1  }
0x8c: {  	s17 =	sshll.u32 s0, $0xA;
	s2 =	sadd.s32 s3, s2  }
0x8d: {  	s2 =	sadd.s32 s2, s17  }
0x8e: {  	[smem:$0x3FBA] =	sst s2  }
0x8f: {  	_ = 	snop  }
0x90: {  	s2 =	sld [smem:$0x3FC9]  }
0x91: {  	s18 =	sld [smem:$0x3FC8]  }
0x92: {  	s4 =	sld [smem:$0x3FC7]  }
0x93: {  	s5 =	sld [smem:$0x3FC6]  }
0x94: {  	s6 =	sld [smem:$0x3FC5]  }
0x95: {  	s7 =	sld [smem:$0x3FC4];
	(tm) =	ssettm $0x1  }
0x96: {  	s8 =	sld [smem:$0x3FFB];
	_ =	sdelay $0x3  }
0x97: {  	_ =	strace s8  }
0x98: {  	s8 =	sld [smem:$0x3FFC];
	_ =	sdelay $0x3  }
0x99: {  	_ =	strace s8  }
0x9a: {  	s8 =	sld [smem:$0x3FFD];
	_ =	sdelay $0x3  }
0x9b: {  	_ =	strace s8  }
0x9c: {  	_ =	strace $0x8FFFFFFF  }
0x9d: {  	s19 =	sld [smem:$0x3FDB];
	_ =	sdelay $0x1  }
0x9e: {  	s9 =	simm.s32 $_scs_section_size  }
0x9f: {  	s10 =	simm.s32 $_size__tile_overlayer_lowered;
	s11 =	simm.s32 $_tile_overlayer_lowered  }
0xa0: {  	s22 =	simm.s32 $0x1BFF;
	s21 =	sshll.u32 s11, $0x1;
	s8 =	sadd.s32 s9, s19  }
0xa1: {  	s12 =	simm.s32 $0x0;
	s20 =	sshll.u32 s10, $0x1;
	s10 =	sadd.s32 s21, s8  }
0xa2: {  	[timem:s12], [sflag:s22] =	dma.local [hbm:s10], s20  }
0xa3: {  	_ =	swait.ge [sflag:s22], s20  }
0xa4: {  	s9 =	ssub.s32 $0x0, s20;
	[sflag:s22] =	ssyncset.done $0x0  }
0xa5: {  	[sflag:s22] =	ssyncadd.s32 s9;
	_ =	sdelay $0x1  }
0xa6: {  	s23 =	simm.s32 $0x1B8B  }
0xa7: {  	_ =	swait.ge [sflag:s23], $0x1  }
0xa8: {  	[sflag:s23] =	ssyncset.done $0x0  }
0xa9: {  	s25 =	simm.s32 $0x1B8E;
	s24 =	sld [smem:$0x3FFE];
	[sflag:s23] =	ssyncadd.s32 $0xFFFFFFFF  }
0xaa: {  	s26 =	simm.s32 $execute0_lowered;
	[smem:$0x3FD2] =	sst s25  }
0xab: {  	s10 =	sshll.u32 s26, $0x1;
	_ =	strace $0x80000046;
	[dreg:$0x1] =	wrdreg $0xFFFFFFFF  }
0xac: {  	s28 =	simm.s32 $_size_execute0_lowered;
	s8 =	sadd.s32 s8, s10;
	[dreg:$0x0] =	wrdreg $0x0  }
0xad: {  	s10 =	sshll.u32 s28, $0x1;
	[dreg:$0x2] =	wrdreg s8  }
0xae: {  	[dreg:$0x3] =	wrdreg s10  }
0xaf: {  	[dreg:$0x4] =	wrdreg $0xC0  }
0xb0: {  	_ =	task [dreg:s12], $0x5FFFF  }
0xb1: {  	[dreg:$0x1] =	wrdreg $0xFFFFFFFF  }
0xb2: {  	[dreg:$0x0] =	wrdreg $0x60  }
0xb3: {  	[dreg:$0x2] =	wrdreg s2  }
0xb4: {  	[dreg:$0x3] =	wrdreg s18  }
0xb5: {  	[dreg:$0x4] =	wrdreg s4  }
0xb6: {  	[dreg:$0x5] =	wrdreg s5  }
0xb7: {  	[dreg:$0x6] =	wrdreg s6  }
0xb8: {  	[dreg:$0x7] =	wrdreg s7  }
0xb9: {  	[dreg:$0x8] =	wrdreg s24  }
0xba: {  	[dreg:$0x9] =	wrdreg $0xA  }
0xbb: {  	_ =	task.clear_ibuf [dreg:s12], $0xAFFFF;
	_ =	strace $0x90000046  }
0xbc: {  	s29 =	simm.s32 $0xA;
	_ =	strace $0x80000048  }
0xbd: {  	_ =	swait.ge [sflag:s29], $0x1  }
0xbe: {  	[sflag:s29] =	ssyncadd.s32 $0xFFFFFFFF  }
0xbf: {  	_ =	strace $0x90000048  }
0xc0: {  	_ =	sfence  }
0xc1: {  	s30 =	sld [smem:$0x0];
	_ =	sdelay $0x2  }
0xc2: {  	s31 =	sshll.u32 s1, $0xD;
	s1 =	sshrl.u32 s1, $0x2  }
0xc3: {  	s3 =	sand.u32 $0x4000, s31;
	s1 =	sadd.s32 s1, s30  }
0xc4: {  	s0 =	sor.u32 s3, s0;
	s1 =	sshll.u32 s1, $0x11  }
0xc5: {  	s0 =	sor.u32 s1, s0  }
0xc6: {  	s0 =	sadd.s32 $0x8F2B, s0  }
0xc7: {  	[sflag:s0] =	ssyncadd.remote.s32 $0x1  }
0xc8: {  	_ =	sfence.sel $0xFFFF  }
0xc9: {  	[dreg:$0x0] =	wrdreg $0xFFFFFFFF;
	(pc) =	sbr.abs _section_cstart, $3  }
0xca: {  	[dreg:$0x1] =	wrdreg $0xFFFFFFFF  }
0xcb: {  	_ =	task.clear_ibuf [dreg:s12], $0x2FFFF;
	_ =	strace $0x9FFFFFFF  }
0xcc: {  	(tm) =	ssettm $0x7FFFFFFF  }
0xcd: {  	_ =	shalt  }
tec
execute0_lowered:
.L_overlay_start_1:
0x0: {  	(tag) =	ssettag $0x1  }
0x1: {  	s0 =	rddreg [dreg:$0x0]  }
0x2: {  	s1 =	rddreg [dreg:$0x1]  }
0x3: {  	s2 =	rddreg [dreg:$0x3]  }
0x4: {  	s3 =	rddreg [dreg:$0x4]  }
0x5: {  	s4 =	rddreg [dreg:$0x5]  }
0x6: {  	s5 =	rddreg [dreg:$0x6];
	s6 =	simm.s32 $0x0;
	s7 =	srdreg.scid  }
0x7: {  	s8 =	stileid.u32;
	s28 =	simm.s32 $0x8200;
	s29 =	simm.s32 $0xC200  }
0x8: {  	s30 =	simm.s32 $0x6;
	s31 =	simm.s32 $0xA;
	[smem:$0x7FF] =	sst s6  }
0x9: {  	s7 =	sand.u32 $0x1, s7;
	s8 =	sshll.u32 s8, $0x9;
	s10 =	sadd.s32 $0x82E00, s5  }
0xa: {  	_ =	strace $0x80000047;
	s9 =	sshll.u32 s7, $0x8;
	s7 =	ssub.s32 $0x2, s7  }
0xb: {  	s8 =	sor.u32 s9, s8;
	s9 =	sadd.s32 $0x2E00, s5;
	s11 =	sshrl.u32 s7, $0x1  }
0xc: {  	s5 =	sadd.s32 $0x42E00, s5;
	s12 =	sor.u32 $0x2000, s8;
	s7 =	ssub.s32 s7, s11  }
0xd: {  	s26 =	sshll.u32 s8, $0x7;
	s11 =	simm.s32 $0x5;
	s24 =	sshrl.u32 s12, $0x3  }
0xe: {  	s13 =	sshll.u32 s12, $0x3;
	s14 =	sshll.u32 s12, $0x4;
	s15 =	sor.u32 $0x102000, s26  }
0xf: {  	s20 =	sor.u32 $0x104000, s26;
	s12 =	simm.s32 $0x7;
	s0 =	sadd.s32 s0, s24  }
0x10: {  	s25 =	sadd.s32 s1, s24;
	s1 =	sadd.s32 s10, s13;
	[dreg:$0x8] =	wrdreg s0  }
0x11: {  	s16 =	sadd.s32 s9, s14;
	s17 =	sshrl.u32 s15, $0x4;
	[dreg:$0x9] =	wrdreg s25  }
0x12: {  	s8 =	sadd.s32 s5, s14;
	s18 =	sshrl.u32 s15, $0x3;
	[dreg:$0xa] =	wrdreg s1  }
0x13: {  	s21 =	sshrl.u32 s20, $0x4;
	s13 =	simm.s32 $0x9;
	[dreg:$0xb] =	wrdreg s16  }
0x14: {  	s14 =	simm.s32 $0xB;
	s15 =	simm.s32 $0xD;
	[dreg:$0xc] =	wrdreg s8  }
0x15: {  	s1 =	sadd.s32 s10, s17;
	s19 =	sadd.s32 s9, s18;
	s0 =	sor.u32 $0x106000, s26  }
0x16: {  	s8 =	sadd.s32 s10, s21;
	s26 =	smax.u32 s7, $0x1;
	[dreg:$0xd] =	wrdreg s1  }
0x17: {  	s7 =	simm.s32 $0xE200;
	s17 =	simm.s32 $0x4;
	[dreg:$0xe] =	wrdreg s19  }
0x18: {  	s16 =	simm.s32 $0x0;
	s1 =	sadd.s32 s5, s18;
	[dreg:$0x10] =	wrdreg s8  }
0x19: {  	s23 =	sshrl.u32 s0, $0x4;
	s0 =	sshrl.u32 s0, $0x3;
	[dreg:$0x16] =	wrdreg s26  }
0x1a: {  	s8 =	simm.s32 $0x1;
	s26 =	simm.s32 $0x2;
	s19 =	simm.s32 $0x8  }
0x1b: {  	[dreg:$0xf] =	wrdreg s1;
	s1 =	sshrl.u32 s20, $0x3;
	s24 =	sadd.s32 s10, s23  }
0x1c: {  	s25 =	sadd.s32 s9, s0;
	s0 =	sadd.s32 s5, s0;
	[dreg:$0x13] =	wrdreg s24  }
0x1d: {  	s20 =	simm.s32 $0xC;
	s22 =	sadd.s32 s9, s1;
	[dreg:$0x14] =	wrdreg s25  }
0x1e: {  	s1 =	sadd.s32 s5, s1;
	[dreg:$0x15] =	wrdreg s0;
	s24 =	simm.s32 $0x40  }
0x1f: {  	s5 =	simm.s32 $0xA200;
	s9 =	simm.s32 $0x3;
	[dreg:$0x11] =	wrdreg s22  }
0x20: {  	s0 =	simm.s32 $0xE;
	[dreg:$0x12] =	wrdreg s1;
	s22 =	simm.s32 $0xF  }
.LBB2_1:
0x21: {  	s1 =	rddreg [dreg:$0x8]  }
0x22: {  	[tilespmem:s6], [sflag:$0xF] =	stream.linear.gather [hbm4b:s1+s6], $0x100, $0x38;
	[tilespmem:$0x12200] =	vst v63  }
0x23: {  	_ =	swait.ge [sflag:s22], $0x100  }
0x24: {  	[sflag:s22] =	ssyncset.done $0x0  }
0x25: {  	s10 =	simm.s32 $0x100;
	s18 =	rddreg [dreg:$0x9];
	[sflag:s22] =	ssyncadd.s32 $0xFFFFFF00  }
0x26: {  	[tilespmem:s10], [sflag:$0xF] =	stream.linear.gather [hbm4b:s18+s6], $0x100, $0x38;
	[tilespmem:$0x12200] =	vst v63  }
0x27: {  	_ =	swait.ge [sflag:s22], $0x100  }
0x28: {  	[sflag:s22] =	ssyncset.done $0x0  }
0x29: {  	[sflag:s22] =	ssyncadd.s32 $0xFFFFFF00  }
0x2a: {  	s18 =	simm.s32 $0x200;
	s21 =	rddreg [dreg:$0x2]  }
0x2b: {  	[tilespmem:s18], [sflag:$0x1] =	stream.indirect.gather [hbm4b:s21+s24], $0x80, s6, s24, $0xb8;
	[tilespmem:$0x12200] =	vst v63  }
0x2c: {  	s23 =	simm.s32 $0x4200  }
0x2d: {  	[tilespmem:s23], [sflag:$0x3] =	stream.indirect.gather [hbm4b:s2+s24], $0x80, s10, s24, $0xb8;
	[tilespmem:$0x12200] =	vst v63  }
0x2e: {  	_ = 	snop  }
0x2f: {  	[tilespmem:s28], [sflag:$0x5] =	stream.indirect.gather [hbm4b:s3+s24], $0x80, s6, s24, $0xb8;
	[tilespmem:$0x12200] =	vst v63  }
0x30: {  	_ = 	snop  }
0x31: {  	[tilespmem:s29], [sflag:$0x7] =	stream.indirect.gather [hbm4b:s4+s24], $0x80, s10, s24, $0xb8;
	[tilespmem:$0x12200] =	vst v63  }
0x32: {  	s25 =	simm.s32 $0x2200  }
0x33: {  	[tilespmem:s25], [sflag:$0x2] =	stream.indirect.gather [hbm4b:s21+s24], $0x80, s24, s24, $0xb8;
	[tilespmem:$0x12200] =	vst v63  }
0x34: {  	s18 =	simm.s32 $0x140;
	s21 =	simm.s32 $0x6200  }
0x35: {  	[tilespmem:s21], [sflag:$0x4] =	stream.indirect.gather [hbm4b:s2+s24], $0x80, s18, s24, $0xb8;
	[tilespmem:$0x12200] =	vst v63  }
0x36: {  	_ = 	snop  }
0x37: {  	[tilespmem:s5], [sflag:$0x6] =	stream.indirect.gather [hbm4b:s3+s24], $0x80, s24, s24, $0xb8;
	[tilespmem:$0x12200] =	vst v63  }
0x38: {  	_ = 	snop  }
0x39: {  	[tilespmem:s7], [sflag:$0x8] =	stream.indirect.gather [hbm4b:s4+s24], $0x80, s18, s24, $0xb8;
	[tilespmem:$0x12200] =	vst v63  }
0x3a: {  	_ =	swait.ge [sflag:s8], $0x2000  }
0x3b: {  	[sflag:s8] =	ssyncset.done $0x0  }
0x3c: {  	[sflag:s8] =	ssyncadd.s32 $0xFFFFE000  }
0x3d: {  	_ =	swait.ge [sflag:s9], $0x2000  }
0x3e: {  	[sflag:s9] =	ssyncset.done $0x0  }
0x3f: {  	s18 =	simm.s32 $0x240;
	[sflag:s9] =	ssyncadd.s32 $0xFFFFE000  }
0x40: {  	s25 =	simm.s32 $0x4240;
	v0 =	vld [tilespmem:s18+$0xFFFFFFC0]  }
0x41: {  	v1 =	vld [tilespmem:s25+$0xFFFFFFD0]  }
0x42: {  	v2 =	vld [tilespmem:s18+$0xFFFFFFD0]  }
0x43: {  	v3 =	vld [tilespmem:s25+$0xFFFFFFC0];
	_ =	sdelay $0x4  }
0x44: {  	v1 =	vmul.f32 v1, v2;
	v0 =	vmul.f32 v3, v0  }
0x45: {  	s23 =	sand.u32 $0x1F00, s6  }
0x46: {  	s1 =	sshrl.u32 s23, $0x1;
	v0 =	vpack.i.f32.bf16 v1, v0  }
0x47: {  	[tilespmem:s1+$0x10200] =	vst v0  }
0x48: {  	v0 =	vld [tilespmem:s25+$0xFFFFFFF0]  }
0x49: {  	v1 =	vld [tilespmem:s25+$0xFFFFFFE0]  }
0x4a: {  	v2 =	vld [tilespmem:s18+$0xFFFFFFF0]  }
0x4b: {  	v3 =	vld [tilespmem:s18+$0xFFFFFFE0];
	_ =	sdelay $0x4  }
0x4c: {  	v0 =	vmul.f32 v0, v2;
	v1 =	vmul.f32 v1, v3;
	_ =	sdelay $0x1  }
0x4d: {  	s1 =	sadd.s32 $0x10200, s1;
	v0 =	vpack.i.f32.bf16 v0, v1  }
0x4e: {  	[tilespmem:s1+$0x20] =	vst v0  }
0x4f: {  	v0 =	vld [tilespmem:s18+$0x0]  }
0x50: {  	v1 =	vld [tilespmem:s25+$0x0]  }
0x51: {  	v2 =	vld [tilespmem:s18+$0x10]  }
0x52: {  	v3 =	vld [tilespmem:s25+$0x10];
	_ =	sdelay $0x4  }
0x53: {  	v0 =	vmul.f32 v1, v0;
	v1 =	vmul.f32 v3, v2;
	_ =	sdelay $0x1  }
0x54: {  	v0 =	vpack.i.f32.bf16 v1, v0  }
0x55: {  	[tilespmem:s1+$0x40] =	vst v0  }
0x56: {  	v0 =	vld [tilespmem:s18+$0x20]  }
0x57: {  	s23 =	simm.s32 $0x0;
	s10 =	simm.s32 $0x240;
	s21 =	simm.s32 $0x1;
	v1 =	vld [tilespmem:s25+$0x30]  }
.LBB2_2:
0x58: {  	v2 =	vld [tilespmem:s25+$0x20];
	s23 =	sadd.s32 $0x80, s23;
	s18 =	sadd.s32 $0x80, s18;
	s25 =	sadd.s32 $0x80, s25  }
0x59: {  	p0 =	sne.s32 s21, $0x3F;
	s21 =	sadd.s32 $0x1, s21;
	v3 =	vld [tilespmem:s10+$0x30];
	s10 =	smov.u32 s18  }
0x5a: {  	_ =	sdelay $0x2  }
0x5b: {  	v0 =	vmul.f32 v2, v0  }
0x5c: {  	v1 =	vmul.f32 v1, v3;
	_ =	sdelay $0x1  }
0x5d: {  	v0 =	vpack.i.f32.bf16 v1, v0  }
0x5e: {  	[tilespmem:s1+$0x60] =	vst v0  }
0x5f: {  	v0 =	vld [tilespmem:s18+$0xFFFFFFC0]  }
0x60: {  	v1 =	vld [tilespmem:s25+$0xFFFFFFD0]  }
0x61: {  	v2 =	vld [tilespmem:s18+$0xFFFFFFD0]  }
0x62: {  	v3 =	vld [tilespmem:s25+$0xFFFFFFC0];
	_ =	sdelay $0x3  }
0x63: {  	v1 =	vmul.f32 v1, v2  }
0x64: {  	v0 =	vmul.f32 v3, v0  }
0x65: {  	s1 =	sand.u32 $0x1F00, s23  }
0x66: {  	s1 =	sshrl.u32 s1, $0x1;
	v0 =	vpack.i.f32.bf16 v1, v0  }
0x67: {  	[tilespmem:s1+$0x10200] =	vst v0  }
0x68: {  	v0 =	vld [tilespmem:s25+$0xFFFFFFF0]  }
0x69: {  	v1 =	vld [tilespmem:s25+$0xFFFFFFE0]  }
0x6a: {  	v2 =	vld [tilespmem:s18+$0xFFFFFFF0]  }
0x6b: {  	v3 =	vld [tilespmem:s18+$0xFFFFFFE0];
	_ =	sdelay $0x3  }
0x6c: {  	v0 =	vmul.f32 v0, v2  }
0x6d: {  	v1 =	vmul.f32 v1, v3;
	_ =	sdelay $0x1  }
0x6e: {  	s1 =	sadd.s32 $0x10200, s1;
	v0 =	vpack.i.f32.bf16 v0, v1  }
0x6f: {  	[tilespmem:s1+$0x20] =	vst v0  }
0x70: {  	v0 =	vld [tilespmem:s18+$0x0]  }
0x71: {  	v1 =	vld [tilespmem:s25+$0x0]  }
0x72: {  	v2 =	vld [tilespmem:s18+$0x10]  }
0x73: {  	v3 =	vld [tilespmem:s25+$0x10];
	_ =	sdelay $0x2  }
0x74: {  	v0 =	vmul.f32 v1, v0;
	_ =	sdelay $0x1  }
0x75: {  	v1 =	vmul.f32 v3, v2  }
.Ltmp0:
0x76: {  	(pc) =	sbr.rel @p0 .LBB2_2-.Ltmp0, $4  }
0x77: {  	v0 =	vpack.i.f32.bf16 v1, v0  }
0x78: {  	[tilespmem:s1+$0x40] =	vst v0  }
0x79: {  	v0 =	vld [tilespmem:s18+$0x20]  }
0x7a: {  	v1 =	vld [tilespmem:s25+$0x30]  }
0x7b: {  	v2 =	vld [tilespmem:s25+$0x20]  }
0x7c: {  	v3 =	vld [tilespmem:s10+$0x30];
	_ =	sdelay $0x4  }
0x7d: {  	v0 =	vmul.f32 v2, v0;
	v1 =	vmul.f32 v1, v3;
	_ =	sdelay $0x1  }
0x7e: {  	v0 =	vpack.i.f32.bf16 v1, v0  }
0x7f: {  	s25 =	simm.s32 $0x0;
	s21 =	rddreg [dreg:$0xa];
	s23 =	simm.s32 $0x10200;
	[tilespmem:s1+$0x60] =	vst v0  }
0x80: {  	[hbm4b:s21+s25] =	stream.linear.scatter [tilespmem:s23], [sflag:$0x9], $0x1000, $0x38;
	[tilespmem:$0x12200] =	vst v63  }
0x81: {  	_ =	swait.ge [sflag:s11], $0x2000  }
0x82: {  	[sflag:s11] =	ssyncset.done $0x0  }
0x83: {  	s10 =	rddreg [dreg:$0xb];
	[sflag:s11] =	ssyncadd.s32 $0xFFFFE000  }
0x84: {  	[hbm4b:s10+s25] =	stream.linear.scatter [tilespmem:s28], [sflag:$0xB], $0x2000, $0x38;
	[tilespmem:$0x12200] =	vst v63  }
0x85: {  	_ =	swait.ge [sflag:s12], $0x2000  }
0x86: {  	[sflag:s12] =	ssyncset.done $0x0  }
0x87: {  	s18 =	rddreg [dreg:$0xc];
	[sflag:s12] =	ssyncadd.s32 $0xFFFFE000  }
0x88: {  	[hbm4b:s18+s25] =	stream.linear.scatter [tilespmem:s29], [sflag:$0xD], $0x2000, $0x38;
	[tilespmem:$0x12200] =	vst v63  }
0x89: {  	_ =	swait.ge [sflag:s13], $0x1000  }
0x8a: {  	[sflag:s13] =	ssyncset.done $0x0  }
0x8b: {  	[sflag:s13] =	ssyncadd.s32 $0xFFFFF000  }
0x8c: {  	_ =	swait.ge [sflag:s14], $0x2000  }
0x8d: {  	[sflag:s14] =	ssyncset.done $0x0  }
0x8e: {  	[sflag:s14] =	ssyncadd.s32 $0xFFFFE000  }
0x8f: {  	_ =	swait.ge [sflag:s15], $0x2000  }
0x90: {  	[sflag:s15] =	ssyncset.done $0x0  }
0x91: {  	[sflag:s15] =	ssyncadd.s32 $0xFFFFE000  }
0x92: {  	s23 =	simm.s32 $0x200;
	s18 =	simm.s32 $0x80;
	s21 =	rddreg [dreg:$0x2]  }
0x93: {  	[tilespmem:s23], [sflag:$0x1] =	stream.indirect.gather [hbm4b:s21+s24], $0x80, s18, s24, $0xb8;
	[tilespmem:$0x12200] =	vst v63  }
0x94: {  	s10 =	simm.s32 $0x4200;
	s21 =	simm.s32 $0x180  }
0x95: {  	[tilespmem:s10], [sflag:$0x3] =	stream.indirect.gather [hbm4b:s2+s24], $0x80, s21, s24, $0xb8;
	[tilespmem:$0x12200] =	vst v63  }
0x96: {  	_ = 	snop  }
0x97: {  	[tilespmem:s28], [sflag:$0x5] =	stream.indirect.gather [hbm4b:s3+s24], $0x80, s18, s24, $0xb8;
	[tilespmem:$0x12200] =	vst v63  }
0x98: {  	_ = 	snop  }
0x99: {  	[tilespmem:s29], [sflag:$0x7] =	stream.indirect.gather [hbm4b:s4+s24], $0x80, s21, s24, $0xb8;
	[tilespmem:$0x12200] =	vst v63  }
0x9a: {  	_ =	swait.ge [sflag:s26], $0x2000  }
0x9b: {  	[sflag:s26] =	ssyncset.done $0x0  }
0x9c: {  	[sflag:s26] =	ssyncadd.s32 $0xFFFFE000  }
0x9d: {  	_ =	swait.ge [sflag:s17], $0x2000  }
0x9e: {  	[sflag:s17] =	ssyncset.done $0x0  }
0x9f: {  	s21 =	simm.s32 $0x2240;
	[sflag:s17] =	ssyncadd.s32 $0xFFFFE000  }
0xa0: {  	s18 =	simm.s32 $0x6240;
	v0 =	vld [tilespmem:s21+$0xFFFFFFC0]  }
0xa1: {  	v1 =	vld [tilespmem:s18+$0xFFFFFFD0]  }
0xa2: {  	v2 =	vld [tilespmem:s21+$0xFFFFFFD0]  }
0xa3: {  	v3 =	vld [tilespmem:s18+$0xFFFFFFC0];
	_ =	sdelay $0x4  }
0xa4: {  	v1 =	vmul.f32 v1, v2;
	v0 =	vmul.f32 v3, v0  }
0xa5: {  	s23 =	sand.u32 $0x1F00, s25  }
0xa6: {  	s1 =	sshrl.u32 s23, $0x1;
	v0 =	vpack.i.f32.bf16 v1, v0  }
0xa7: {  	[tilespmem:s1+$0x11200] =	vst v0  }
0xa8: {  	v0 =	vld [tilespmem:s18+$0xFFFFFFF0]  }
0xa9: {  	v1 =	vld [tilespmem:s18+$0xFFFFFFE0]  }
0xaa: {  	v2 =	vld [tilespmem:s21+$0xFFFFFFF0]  }
0xab: {  	v3 =	vld [tilespmem:s21+$0xFFFFFFE0];
	_ =	sdelay $0x4  }
0xac: {  	v0 =	vmul.f32 v0, v2;
	v1 =	vmul.f32 v1, v3;
	_ =	sdelay $0x1  }
0xad: {  	s1 =	sadd.s32 $0x11200, s1;
	v0 =	vpack.i.f32.bf16 v0, v1  }
0xae: {  	[tilespmem:s1+$0x20] =	vst v0  }
0xaf: {  	v0 =	vld [tilespmem:s21+$0x0]  }
0xb0: {  	v1 =	vld [tilespmem:s18+$0x0]  }
0xb1: {  	v2 =	vld [tilespmem:s21+$0x10]  }
0xb2: {  	v3 =	vld [tilespmem:s18+$0x10];
	_ =	sdelay $0x4  }
0xb3: {  	v0 =	vmul.f32 v1, v0;
	v1 =	vmul.f32 v3, v2;
	_ =	sdelay $0x1  }
0xb4: {  	v0 =	vpack.i.f32.bf16 v1, v0  }
0xb5: {  	[tilespmem:s1+$0x40] =	vst v0  }
0xb6: {  	v0 =	vld [tilespmem:s21+$0x20]  }
0xb7: {  	s23 =	simm.s32 $0x2240;
	s10 =	simm.s32 $0x1;
	v1 =	vld [tilespmem:s18+$0x30]  }
.LBB2_4:
0xb8: {  	v2 =	vld [tilespmem:s18+$0x20];
	s25 =	sadd.s32 $0x80, s25;
	s21 =	sadd.s32 $0x80, s21;
	s18 =	sadd.s32 $0x80, s18  }
0xb9: {  	p0 =	sne.s32 s10, $0x3F;
	s10 =	sadd.s32 $0x1, s10;
	v3 =	vld [tilespmem:s23+$0x30];
	s23 =	smov.u32 s21  }
0xba: {  	_ =	sdelay $0x2  }
0xbb: {  	v0 =	vmul.f32 v2, v0  }
0xbc: {  	v1 =	vmul.f32 v1, v3;
	_ =	sdelay $0x1  }
0xbd: {  	v0 =	vpack.i.f32.bf16 v1, v0  }
0xbe: {  	[tilespmem:s1+$0x60] =	vst v0  }
0xbf: {  	v0 =	vld [tilespmem:s21+$0xFFFFFFC0]  }
0xc0: {  	v1 =	vld [tilespmem:s18+$0xFFFFFFD0]  }
0xc1: {  	v2 =	vld [tilespmem:s21+$0xFFFFFFD0]  }
0xc2: {  	v3 =	vld [tilespmem:s18+$0xFFFFFFC0];
	_ =	sdelay $0x3  }
0xc3: {  	v1 =	vmul.f32 v1, v2  }
0xc4: {  	v0 =	vmul.f32 v3, v0  }
0xc5: {  	s1 =	sand.u32 $0x1F00, s25  }
0xc6: {  	s1 =	sshrl.u32 s1, $0x1;
	v0 =	vpack.i.f32.bf16 v1, v0  }
0xc7: {  	[tilespmem:s1+$0x11200] =	vst v0  }
0xc8: {  	v0 =	vld [tilespmem:s18+$0xFFFFFFF0]  }
0xc9: {  	v1 =	vld [tilespmem:s18+$0xFFFFFFE0]  }
0xca: {  	v2 =	vld [tilespmem:s21+$0xFFFFFFF0]  }
0xcb: {  	v3 =	vld [tilespmem:s21+$0xFFFFFFE0];
	_ =	sdelay $0x3  }
0xcc: {  	v0 =	vmul.f32 v0, v2  }
0xcd: {  	v1 =	vmul.f32 v1, v3;
	_ =	sdelay $0x1  }
0xce: {  	s1 =	sadd.s32 $0x11200, s1;
	v0 =	vpack.i.f32.bf16 v0, v1  }
0xcf: {  	[tilespmem:s1+$0x20] =	vst v0  }
0xd0: {  	v0 =	vld [tilespmem:s21+$0x0]  }
0xd1: {  	v1 =	vld [tilespmem:s18+$0x0]  }
0xd2: {  	v2 =	vld [tilespmem:s21+$0x10]  }
0xd3: {  	v3 =	vld [tilespmem:s18+$0x10];
	_ =	sdelay $0x2  }
0xd4: {  	v0 =	vmul.f32 v1, v0;
	_ =	sdelay $0x1  }
0xd5: {  	v1 =	vmul.f32 v3, v2  }
.Ltmp1:
0xd6: {  	(pc) =	sbr.rel @p0 .LBB2_4-.Ltmp1, $4  }
0xd7: {  	v0 =	vpack.i.f32.bf16 v1, v0  }
0xd8: {  	[tilespmem:s1+$0x40] =	vst v0  }
0xd9: {  	v0 =	vld [tilespmem:s21+$0x20]  }
0xda: {  	v1 =	vld [tilespmem:s18+$0x30]  }
0xdb: {  	v2 =	vld [tilespmem:s18+$0x20]  }
0xdc: {  	v3 =	vld [tilespmem:s23+$0x30];
	_ =	sdelay $0x4  }
0xdd: {  	v0 =	vmul.f32 v2, v0;
	v1 =	vmul.f32 v1, v3;
	_ =	sdelay $0x1  }
0xde: {  	v0 =	vpack.i.f32.bf16 v1, v0  }
0xdf: {  	s25 =	simm.s32 $0x0;
	s21 =	rddreg [dreg:$0xd];
	s10 =	simm.s32 $0x11200;
	[tilespmem:s1+$0x60] =	vst v0  }
0xe0: {  	[hbm4b:s21+s25] =	stream.linear.scatter [tilespmem:s10], [sflag:$0xA], $0x1000, $0x38;
	[tilespmem:$0x12200] =	vst v63  }
0xe1: {  	_ =	swait.ge [sflag:s30], $0x2000  }
0xe2: {  	[sflag:s30] =	ssyncset.done $0x0  }
0xe3: {  	s23 =	rddreg [dreg:$0xe];
	[sflag:s30] =	ssyncadd.s32 $0xFFFFE000  }
0xe4: {  	[hbm4b:s23+s25] =	stream.linear.scatter [tilespmem:s5], [sflag:$0xC], $0x2000, $0x38;
	[tilespmem:$0x12200] =	vst v63  }
0xe5: {  	_ =	swait.ge [sflag:s19], $0x2000  }
0xe6: {  	[sflag:s19] =	ssyncset.done $0x0  }
0xe7: {  	s10 =	rddreg [dreg:$0xf];
	[sflag:s19] =	ssyncadd.s32 $0xFFFFE000  }
0xe8: {  	[hbm4b:s10+s25] =	stream.linear.scatter [tilespmem:s7], [sflag:$0xE], $0x2000, $0x38;
	[tilespmem:$0x12200] =	vst v63  }
0xe9: {  	_ =	swait.ge [sflag:s31], $0x1000  }
0xea: {  	[sflag:s31] =	ssyncset.done $0x0  }
0xeb: {  	[sflag:s31] =	ssyncadd.s32 $0xFFFFF000  }
0xec: {  	_ =	swait.ge [sflag:s20], $0x2000  }
0xed: {  	[sflag:s20] =	ssyncset.done $0x0  }
0xee: {  	[sflag:s20] =	ssyncadd.s32 $0xFFFFE000  }
0xef: {  	_ =	swait.ge [sflag:s0], $0x2000  }
0xf0: {  	[sflag:s0] =	ssyncset.done $0x0  }
0xf1: {  	[sflag:s0] =	ssyncadd.s32 $0xFFFFE000  }
0xf2: {  	s21 =	simm.s32 $0x2200;
	s23 =	simm.s32 $0xC0;
	s18 =	rddreg [dreg:$0x2]  }
0xf3: {  	[tilespmem:s21], [sflag:$0x2] =	stream.indirect.gather [hbm4b:s18+s24], $0x80, s23, s24, $0xb8;
	[tilespmem:$0x12200] =	vst v63  }
0xf4: {  	s10 =	simm.s32 $0x6200;
	s21 =	simm.s32 $0x1C0  }
0xf5: {  	[tilespmem:s10], [sflag:$0x4] =	stream.indirect.gather [hbm4b:s2+s24], $0x80, s21, s24, $0xb8;
	[tilespmem:$0x12200] =	vst v63  }
0xf6: {  	_ = 	snop  }
0xf7: {  	[tilespmem:s5], [sflag:$0x6] =	stream.indirect.gather [hbm4b:s3+s24], $0x80, s23, s24, $0xb8;
	[tilespmem:$0x12200] =	vst v63  }
0xf8: {  	_ = 	snop  }
0xf9: {  	[tilespmem:s7], [sflag:$0x8] =	stream.indirect.gather [hbm4b:s4+s24], $0x80, s21, s24, $0xb8;
	[tilespmem:$0x12200] =	vst v63  }
0xfa: {  	_ =	swait.ge [sflag:s8], $0x2000  }
0xfb: {  	[sflag:s8] =	ssyncset.done $0x0  }
0xfc: {  	[sflag:s8] =	ssyncadd.s32 $0xFFFFE000  }
0xfd: {  	_ =	swait.ge [sflag:s9], $0x2000  }
0xfe: {  	[sflag:s9] =	ssyncset.done $0x0  }
0xff: {  	s21 =	simm.s32 $0x240;
	[sflag:s9] =	ssyncadd.s32 $0xFFFFE000  }
0x100: {  	s18 =	simm.s32 $0x4240;
	v0 =	vld [tilespmem:s21+$0xFFFFFFC0]  }
0x101: {  	v1 =	vld [tilespmem:s18+$0xFFFFFFD0]  }
0x102: {  	v2 =	vld [tilespmem:s21+$0xFFFFFFD0]  }
0x103: {  	v3 =	vld [tilespmem:s18+$0xFFFFFFC0];
	_ =	sdelay $0x4  }
0x104: {  	v1 =	vmul.f32 v1, v2;
	v0 =	vmul.f32 v3, v0  }
0x105: {  	s23 =	sand.u32 $0x1F00, s25  }
0x106: {  	s1 =	sshrl.u32 s23, $0x1;
	v0 =	vpack.i.f32.bf16 v1, v0  }
0x107: {  	[tilespmem:s1+$0x10200] =	vst v0  }
0x108: {  	v0 =	vld [tilespmem:s18+$0xFFFFFFF0]  }
0x109: {  	v1 =	vld [tilespmem:s18+$0xFFFFFFE0]  }
0x10a: {  	v2 =	vld [tilespmem:s21+$0xFFFFFFF0]  }
0x10b: {  	v3 =	vld [tilespmem:s21+$0xFFFFFFE0];
	_ =	sdelay $0x4  }
0x10c: {  	v0 =	vmul.f32 v0, v2;
	v1 =	vmul.f32 v1, v3;
	_ =	sdelay $0x1  }
0x10d: {  	s1 =	sadd.s32 $0x10200, s1;
	v0 =	vpack.i.f32.bf16 v0, v1  }
0x10e: {  	[tilespmem:s1+$0x20] =	vst v0  }
0x10f: {  	v0 =	vld [tilespmem:s21+$0x0]  }
0x110: {  	v1 =	vld [tilespmem:s18+$0x0]  }
0x111: {  	v2 =	vld [tilespmem:s21+$0x10]  }
0x112: {  	v3 =	vld [tilespmem:s18+$0x10];
	_ =	sdelay $0x4  }
0x113: {  	v0 =	vmul.f32 v1, v0;
	v1 =	vmul.f32 v3, v2;
	_ =	sdelay $0x1  }
0x114: {  	v0 =	vpack.i.f32.bf16 v1, v0  }
0x115: {  	[tilespmem:s1+$0x40] =	vst v0  }
0x116: {  	v0 =	vld [tilespmem:s21+$0x20]  }
0x117: {  	s10 =	simm.s32 $0x1;
	s23 =	simm.s32 $0x240;
	v1 =	vld [tilespmem:s18+$0x30]  }
.LBB2_6:
0x118: {  	v2 =	vld [tilespmem:s18+$0x20];
	s25 =	sadd.s32 $0x80, s25;
	s21 =	sadd.s32 $0x80, s21;
	s18 =	sadd.s32 $0x80, s18  }
0x119: {  	p0 =	sne.s32 s10, $0x3F;
	s10 =	sadd.s32 $0x1, s10;
	v3 =	vld [tilespmem:s23+$0x30];
	s23 =	smov.u32 s21  }
0x11a: {  	_ =	sdelay $0x2  }
0x11b: {  	v0 =	vmul.f32 v2, v0  }
0x11c: {  	v1 =	vmul.f32 v1, v3;
	_ =	sdelay $0x1  }
0x11d: {  	v0 =	vpack.i.f32.bf16 v1, v0  }
0x11e: {  	[tilespmem:s1+$0x60] =	vst v0  }
0x11f: {  	v0 =	vld [tilespmem:s21+$0xFFFFFFC0]  }
0x120: {  	v1 =	vld [tilespmem:s18+$0xFFFFFFD0]  }
0x121: {  	v2 =	vld [tilespmem:s21+$0xFFFFFFD0]  }
0x122: {  	v3 =	vld [tilespmem:s18+$0xFFFFFFC0];
	_ =	sdelay $0x3  }
0x123: {  	v1 =	vmul.f32 v1, v2  }
0x124: {  	v0 =	vmul.f32 v3, v0  }
0x125: {  	s1 =	sand.u32 $0x1F00, s25  }
0x126: {  	s1 =	sshrl.u32 s1, $0x1;
	v0 =	vpack.i.f32.bf16 v1, v0  }
0x127: {  	[tilespmem:s1+$0x10200] =	vst v0  }
0x128: {  	v0 =	vld [tilespmem:s18+$0xFFFFFFF0]  }
0x129: {  	v1 =	vld [tilespmem:s18+$0xFFFFFFE0]  }
0x12a: {  	v2 =	vld [tilespmem:s21+$0xFFFFFFF0]  }
0x12b: {  	v3 =	vld [tilespmem:s21+$0xFFFFFFE0];
	_ =	sdelay $0x3  }
0x12c: {  	v0 =	vmul.f32 v0, v2  }
0x12d: {  	v1 =	vmul.f32 v1, v3;
	_ =	sdelay $0x1  }
0x12e: {  	s1 =	sadd.s32 $0x10200, s1;
	v0 =	vpack.i.f32.bf16 v0, v1  }
0x12f: {  	[tilespmem:s1+$0x20] =	vst v0  }
0x130: {  	v0 =	vld [tilespmem:s21+$0x0]  }
0x131: {  	v1 =	vld [tilespmem:s18+$0x0]  }
0x132: {  	v2 =	vld [tilespmem:s21+$0x10]  }
0x133: {  	v3 =	vld [tilespmem:s18+$0x10];
	_ =	sdelay $0x2  }
0x134: {  	v0 =	vmul.f32 v1, v0;
	_ =	sdelay $0x1  }
0x135: {  	v1 =	vmul.f32 v3, v2  }
.Ltmp2:
0x136: {  	(pc) =	sbr.rel @p0 .LBB2_6-.Ltmp2, $4  }
0x137: {  	v0 =	vpack.i.f32.bf16 v1, v0  }
0x138: {  	[tilespmem:s1+$0x40] =	vst v0  }
0x139: {  	v0 =	vld [tilespmem:s21+$0x20]  }
0x13a: {  	v1 =	vld [tilespmem:s18+$0x30]  }
0x13b: {  	v2 =	vld [tilespmem:s18+$0x20]  }
0x13c: {  	v3 =	vld [tilespmem:s23+$0x30];
	_ =	sdelay $0x4  }
0x13d: {  	v0 =	vmul.f32 v2, v0;
	v1 =	vmul.f32 v1, v3;
	_ =	sdelay $0x1  }
0x13e: {  	v0 =	vpack.i.f32.bf16 v1, v0  }
0x13f: {  	s25 =	simm.s32 $0x0;
	s23 =	rddreg [dreg:$0x10];
	s10 =	simm.s32 $0x10200;
	[tilespmem:s1+$0x60] =	vst v0  }
0x140: {  	[hbm4b:s23+s25] =	stream.linear.scatter [tilespmem:s10], [sflag:$0x9], $0x1000, $0x38;
	[tilespmem:$0x12200] =	vst v63  }
0x141: {  	_ =	swait.ge [sflag:s11], $0x2000  }
0x142: {  	[sflag:s11] =	ssyncset.done $0x0  }
0x143: {  	s18 =	rddreg [dreg:$0x11];
	[sflag:s11] =	ssyncadd.s32 $0xFFFFE000  }
0x144: {  	[hbm4b:s18+s25] =	stream.linear.scatter [tilespmem:s28], [sflag:$0xB], $0x2000, $0x38;
	[tilespmem:$0x12200] =	vst v63  }
0x145: {  	_ =	swait.ge [sflag:s12], $0x2000  }
0x146: {  	[sflag:s12] =	ssyncset.done $0x0  }
0x147: {  	s21 =	rddreg [dreg:$0x12];
	[sflag:s12] =	ssyncadd.s32 $0xFFFFE000  }
0x148: {  	[hbm4b:s21+s25] =	stream.linear.scatter [tilespmem:s29], [sflag:$0xD], $0x2000, $0x38;
	[tilespmem:$0x12200] =	vst v63  }
0x149: {  	_ =	swait.ge [sflag:s26], $0x2000  }
0x14a: {  	[sflag:s26] =	ssyncset.done $0x0  }
0x14b: {  	[sflag:s26] =	ssyncadd.s32 $0xFFFFE000  }
0x14c: {  	_ =	swait.ge [sflag:s17], $0x2000  }
0x14d: {  	[sflag:s17] =	ssyncset.done $0x0  }
0x14e: {  	s21 =	simm.s32 $0x2240;
	[sflag:s17] =	ssyncadd.s32 $0xFFFFE000  }
0x14f: {  	s18 =	simm.s32 $0x6240;
	v0 =	vld [tilespmem:s21+$0xFFFFFFC0]  }
0x150: {  	v1 =	vld [tilespmem:s18+$0xFFFFFFD0]  }
0x151: {  	v2 =	vld [tilespmem:s21+$0xFFFFFFD0]  }
0x152: {  	v3 =	vld [tilespmem:s18+$0xFFFFFFC0];
	_ =	sdelay $0x4  }
0x153: {  	v1 =	vmul.f32 v1, v2;
	v0 =	vmul.f32 v3, v0  }
0x154: {  	s23 =	sand.u32 $0x1F00, s25  }
0x155: {  	s1 =	sshrl.u32 s23, $0x1;
	v0 =	vpack.i.f32.bf16 v1, v0  }
0x156: {  	[tilespmem:s1+$0x11200] =	vst v0  }
0x157: {  	v0 =	vld [tilespmem:s18+$0xFFFFFFF0]  }
0x158: {  	v1 =	vld [tilespmem:s18+$0xFFFFFFE0]  }
0x159: {  	v2 =	vld [tilespmem:s21+$0xFFFFFFF0]  }
0x15a: {  	v3 =	vld [tilespmem:s21+$0xFFFFFFE0];
	_ =	sdelay $0x4  }
0x15b: {  	v0 =	vmul.f32 v0, v2;
	v1 =	vmul.f32 v1, v3;
	_ =	sdelay $0x1  }
0x15c: {  	s1 =	sadd.s32 $0x11200, s1;
	v0 =	vpack.i.f32.bf16 v0, v1  }
0x15d: {  	[tilespmem:s1+$0x20] =	vst v0  }
0x15e: {  	v0 =	vld [tilespmem:s21+$0x0]  }
0x15f: {  	v1 =	vld [tilespmem:s18+$0x0]  }
0x160: {  	v2 =	vld [tilespmem:s21+$0x10]  }
0x161: {  	v3 =	vld [tilespmem:s18+$0x10];
	_ =	sdelay $0x4  }
0x162: {  	v0 =	vmul.f32 v1, v0;
	v1 =	vmul.f32 v3, v2;
	_ =	sdelay $0x1  }
0x163: {  	v0 =	vpack.i.f32.bf16 v1, v0  }
0x164: {  	[tilespmem:s1+$0x40] =	vst v0  }
0x165: {  	v0 =	vld [tilespmem:s21+$0x20]  }
0x166: {  	s10 =	simm.s32 $0x1;
	s23 =	simm.s32 $0x2240;
	v1 =	vld [tilespmem:s18+$0x30]  }
.LBB2_8:
0x167: {  	v2 =	vld [tilespmem:s18+$0x20];
	s25 =	sadd.s32 $0x80, s25;
	s21 =	sadd.s32 $0x80, s21;
	s18 =	sadd.s32 $0x80, s18  }
0x168: {  	p0 =	sne.s32 s10, $0x3F;
	s10 =	sadd.s32 $0x1, s10;
	v3 =	vld [tilespmem:s23+$0x30];
	s23 =	smov.u32 s21  }
0x169: {  	_ =	sdelay $0x2  }
0x16a: {  	v0 =	vmul.f32 v2, v0  }
0x16b: {  	v1 =	vmul.f32 v1, v3;
	_ =	sdelay $0x1  }
0x16c: {  	v0 =	vpack.i.f32.bf16 v1, v0  }
0x16d: {  	[tilespmem:s1+$0x60] =	vst v0  }
0x16e: {  	v0 =	vld [tilespmem:s21+$0xFFFFFFC0]  }
0x16f: {  	v1 =	vld [tilespmem:s18+$0xFFFFFFD0]  }
0x170: {  	v2 =	vld [tilespmem:s21+$0xFFFFFFD0]  }
0x171: {  	v3 =	vld [tilespmem:s18+$0xFFFFFFC0];
	_ =	sdelay $0x3  }
0x172: {  	v1 =	vmul.f32 v1, v2  }
0x173: {  	v0 =	vmul.f32 v3, v0  }
0x174: {  	s1 =	sand.u32 $0x1F00, s25  }
0x175: {  	s1 =	sshrl.u32 s1, $0x1;
	v0 =	vpack.i.f32.bf16 v1, v0  }
0x176: {  	[tilespmem:s1+$0x11200] =	vst v0  }
0x177: {  	v0 =	vld [tilespmem:s18+$0xFFFFFFF0]  }
0x178: {  	v1 =	vld [tilespmem:s18+$0xFFFFFFE0]  }
0x179: {  	v2 =	vld [tilespmem:s21+$0xFFFFFFF0]  }
0x17a: {  	v3 =	vld [tilespmem:s21+$0xFFFFFFE0];
	_ =	sdelay $0x3  }
0x17b: {  	v0 =	vmul.f32 v0, v2  }
0x17c: {  	v1 =	vmul.f32 v1, v3;
	_ =	sdelay $0x1  }
0x17d: {  	s1 =	sadd.s32 $0x11200, s1;
	v0 =	vpack.i.f32.bf16 v0, v1  }
0x17e: {  	[tilespmem:s1+$0x20] =	vst v0  }
0x17f: {  	v0 =	vld [tilespmem:s21+$0x0]  }
0x180: {  	v1 =	vld [tilespmem:s18+$0x0]  }
0x181: {  	v2 =	vld [tilespmem:s21+$0x10]  }
0x182: {  	v3 =	vld [tilespmem:s18+$0x10];
	_ =	sdelay $0x2  }
0x183: {  	v0 =	vmul.f32 v1, v0;
	_ =	sdelay $0x1  }
0x184: {  	v1 =	vmul.f32 v3, v2  }
.Ltmp3:
0x185: {  	(pc) =	sbr.rel @p0 .LBB2_8-.Ltmp3, $4  }
0x186: {  	v0 =	vpack.i.f32.bf16 v1, v0  }
0x187: {  	[tilespmem:s1+$0x40] =	vst v0  }
0x188: {  	v0 =	vld [tilespmem:s21+$0x20]  }
0x189: {  	v1 =	vld [tilespmem:s18+$0x30]  }
0x18a: {  	v2 =	vld [tilespmem:s18+$0x20]  }
0x18b: {  	v3 =	vld [tilespmem:s23+$0x30];
	_ =	sdelay $0x4  }
0x18c: {  	v0 =	vmul.f32 v2, v0;
	v1 =	vmul.f32 v1, v3;
	_ =	sdelay $0x1  }
0x18d: {  	v0 =	vpack.i.f32.bf16 v1, v0  }
0x18e: {  	s18 =	rddreg [dreg:$0x13];
	s10 =	simm.s32 $0x11200;
	[tilespmem:s1+$0x60] =	vst v0  }
0x18f: {  	[hbm4b:s18+s6] =	stream.linear.scatter [tilespmem:s10], [sflag:$0xA], $0x1000, $0x38;
	[tilespmem:$0x12200] =	vst v63  }
0x190: {  	_ =	swait.ge [sflag:s30], $0x2000  }
0x191: {  	[sflag:s30] =	ssyncset.done $0x0  }
0x192: {  	s21 =	rddreg [dreg:$0x14];
	[sflag:s30] =	ssyncadd.s32 $0xFFFFE000  }
0x193: {  	[hbm4b:s21+s6] =	stream.linear.scatter [tilespmem:s5], [sflag:$0xC], $0x2000, $0x38;
	[tilespmem:$0x12200] =	vst v63  }
0x194: {  	_ =	swait.ge [sflag:s19], $0x2000  }
0x195: {  	[sflag:s19] =	ssyncset.done $0x0  }
0x196: {  	s23 =	rddreg [dreg:$0x15];
	[sflag:s19] =	ssyncadd.s32 $0xFFFFE000  }
0x197: {  	[hbm4b:s23+s6] =	stream.linear.scatter [tilespmem:s7], [sflag:$0xE], $0x2000, $0x38;
	[tilespmem:$0x12200] =	vst v63  }
0x198: {  	_ =	swait.ge [sflag:s13], $0x1000  }
0x199: {  	[sflag:s13] =	ssyncset.done $0x0  }
0x19a: {  	[sflag:s13] =	ssyncadd.s32 $0xFFFFF000  }
0x19b: {  	_ =	swait.ge [sflag:s14], $0x2000  }
0x19c: {  	[sflag:s14] =	ssyncset.done $0x0  }
0x19d: {  	[sflag:s14] =	ssyncadd.s32 $0xFFFFE000  }
0x19e: {  	_ =	swait.ge [sflag:s15], $0x2000  }
0x19f: {  	[sflag:s15] =	ssyncset.done $0x0  }
0x1a0: {  	[sflag:s15] =	ssyncadd.s32 $0xFFFFE000  }
0x1a1: {  	_ =	swait.ge [sflag:s31], $0x1000  }
0x1a2: {  	[sflag:s31] =	ssyncset.done $0x0  }
0x1a3: {  	[sflag:s31] =	ssyncadd.s32 $0xFFFFF000  }
0x1a4: {  	_ =	swait.ge [sflag:s20], $0x2000  }
0x1a5: {  	[sflag:s20] =	ssyncset.done $0x0  }
0x1a6: {  	[sflag:s20] =	ssyncadd.s32 $0xFFFFE000  }
0x1a7: {  	_ =	swait.ge [sflag:s0], $0x2000  }
0x1a8: {  	s16 =	sadd.s32 $0x1, s16;
	s25 =	rddreg [dreg:$0x16]  }
0x1a9: {  	p0 =	sne.s32 s16, s25  }
.Ltmp4:
0x1aa: {  	_ = 	snop;
	(pc) =	sbr.rel @p0 .LBB2_1-.Ltmp4, $3  }
0x1ab: {  	_ =	sdelay $0x1  }
0x1ac: {  	[sflag:s0] =	ssyncset.done $0x0  }
0x1ad: {  	[sflag:s0] =	ssyncadd.s32 $0xFFFFE000  }
0x1ae: {  	_ =	sfence.sel $0x180000  }
0x1af: {  	[bflag:$0x0] =	sbarrier.arrive $0xFFFF  }
0x1b0: {  	_ =	strace $0x90000047  }
0x1b1: {  	s0 =	stileid.u32;
	[bflag:$0x2] =	sbarrier.arrive $0xFFFF  }
0x1b2: {  	p0 =	sne.s32 s0, $0x0;
	s0 =	rddreg [dreg:$0x7]  }
0x1b3: {  	s0 =	sadd.s32 @!p0 $0x100000, s0  }
0x1b4: {  	[sflag:s0] =	ssyncadd.tile.s32 @!p0 $0x1;
	_ =	shalt  }
.Lfunc_end2:
_tile_overlayer_lowered:
.L_overlay_start_2:
0x1b5: {  	(tag) =	ssettag $0x2  }
0x1b6: {  	s0 =	rddreg [dreg:$0x0];
	s2 =	stileid.u32  }
0x1b7: {  	s1 =	rddreg [dreg:$0x1];
	p0 =	sne.s32 s2, $0x0  }
0x1b8: {  	s3 =	rddreg [dreg:$0x2];
	[bflag:$0x3] =	sbarrier.arrive $0xFFFF;
	s2 =	simm.s32 @!p0 $0x1C0F  }
0x1b9: {  	[timem:s3], [sflag:s2] =	dma.local @!p0 [hbm:s0], s1  }
0x1ba: {  	s0 =	simm.s32 @!p0 $0xF  }
0x1bb: {  	_ =	swait.ge @!p0 [sflag:s0], s1  }
0x1bc: {  	s1 =	ssub.s32 @!p0 $0x0, s1;
	[sflag:s0] =	ssyncset.done @!p0 $0x0  }
0x1bd: {  	[sflag:s0] =	ssyncadd.s32 @!p0 s1  }
0x1be: {  	[bflag:$0x3] =	sbarrier.arrive $0xFFFF  }
0x1bf: {  	_ =	shalt  }

</sc_bundles>
